<compile_context>
chip_gen: v7x
topology: tpu7x:2x2x1
jax: 0.10.2.dev20260603
libtpu: 0.0.44.dev20260713+nightly
codegen_flags: <defaults>
</compile_context>

<pallas_src>
import dataclasses
import functools

import jax
import jax.numpy as jnp
from jax import lax
from jax.experimental import pallas as pl
from jax.experimental.pallas import tpu as pltpu
from jax.experimental.pallas import tpu_sc as plsc

N = 10000
E = 10000
NI = 320000
D = 128
CW = 16
NC = 2
NS = 16
CHUNK = 128
PER_TILE = NI // (NC * NS)
NFULL = (PER_TILE // CHUNK) - (PER_TILE // CHUNK) % 2
TAIL = PER_TILE - NFULL * CHUNK
ZROWS = 80
NZBLK = N // ZROWS
BLK = 1000
NPAD = 10240
CBLK = 1280


def _sc_segment_sum(table, gidx, sidx):
    mesh = plsc.VectorSubcoreMesh(core_axis_name="c", subcore_axis_name="s")

    @functools.partial(
        pl.kernel,
        out_type=[
            jax.ShapeDtypeStruct((NC, N, D), jnp.float32),
            jax.ShapeDtypeStruct((NC, NS, NPAD), jnp.float32),
        ],
        mesh=mesh,
        scratch_types=[
            pltpu.VMEM((2, CHUNK), jnp.int32),
            pltpu.VMEM((2, CHUNK), jnp.int32),
            pltpu.VMEM((1, TAIL), jnp.int32),
            pltpu.VMEM((1, TAIL), jnp.int32),
            pltpu.VMEM((CHUNK, D), jnp.float32),
            pltpu.VMEM((CHUNK, D), jnp.float32),
            pltpu.VMEM((NPAD,), jnp.float32),
            pltpu.VMEM_SHARED((N, D), jnp.float32),
            pltpu.SemaphoreType.DMA,
            pltpu.SemaphoreType.DMA,
            pltpu.SemaphoreType.DMA,
            pltpu.SemaphoreType.DMA,
        ],
        compiler_params=dataclasses.replace(
            pltpu.CompilerParams(), needs_layout_passes=False),
    )
    def seg_kernel(table_hbm, gidx_hbm, sidx_hbm, zf_hbm,
                   out_hbm, cnt_hbm,
                   gi_v, si_v, gi_t, si_t, b0_v, b1_v, hist_v, acc_sh,
                   gsem0, gsem1, isem0, isem1):
        c = lax.axis_index("c")
        s = lax.axis_index("s")
        tile_base = (c * NS + s) * PER_TILE
        bufs = (b0_v, b1_v)
        gsems = (gsem0, gsem1)
        isems = (isem0, isem1)

        @pl.loop(0, NPAD // 16)
        def _(i):
            hist_v[pl.ds(i * 16, 16)] = jnp.zeros((16,), jnp.float32)

        pltpu.sync_copy(zf_hbm, b0_v.at[pl.ds(0, ZROWS)])

        @pl.loop(s, NZBLK, step=NS)
        def _(t):
            pltpu.sync_copy(b0_v.at[pl.ds(0, ZROWS)],
                            acc_sh.at[pl.ds(t * ZROWS, ZROWS)])

        plsc.subcore_barrier()

        def chunk_base(i):
            return tile_base + i * CHUNK

        def start_idx_fetch(i, slot):
            base = chunk_base(i)
            pltpu.async_copy(gidx_hbm.at[pl.ds(base, CHUNK)],
                             gi_v.at[slot], isems[slot])
            pltpu.async_copy(sidx_hbm.at[pl.ds(base, CHUNK)],
                             si_v.at[slot], isems[slot])

        def wait_idx(slot):
            pltpu.make_async_copy(gidx_hbm.at[pl.ds(0, CHUNK)],
                                  gi_v.at[slot], isems[slot]).wait()
            pltpu.make_async_copy(gidx_hbm.at[pl.ds(0, CHUNK)],
                                  si_v.at[slot], isems[slot]).wait()

        def start_gather(slot):
            pltpu.async_copy(table_hbm.at[gi_v.at[slot]],
                             bufs[slot], gsems[slot])

        def wait_gather(slot):
            pltpu.make_async_copy(table_hbm.at[pl.ds(0, CHUNK)],
                                  bufs[slot], gsems[slot]).wait()

        def cnt_scatter(slot):
            for j in range(CHUNK // 16):
                idx = si_v[slot, pl.ds(j * 16, 16)]
                plsc.addupdate_scatter(hist_v, [idx],
                                       jnp.ones((16,), jnp.float32))

        def scatter_add(slot):
            pltpu.sync_copy(bufs[slot], acc_sh.at[si_v.at[slot]], add=True)

        base0 = chunk_base(0)
        pltpu.sync_copy(gidx_hbm.at[pl.ds(base0, CHUNK)], gi_v.at[0])
        pltpu.sync_copy(sidx_hbm.at[pl.ds(base0, CHUNK)], si_v.at[0])
        start_idx_fetch(1, 1)
        start_gather(0)

        @pl.loop(0, NFULL // 2 - 1)
        def _(p):
            i0 = 2 * p
            wait_idx(1)
            start_gather(1)
            cnt_scatter(0)
            wait_gather(0)
            scatter_add(0)
            start_idx_fetch(i0 + 2, 0)
            wait_idx(0)
            start_gather(0)
            cnt_scatter(1)
            wait_gather(1)
            scatter_add(1)
            start_idx_fetch(i0 + 3, 1)

        wait_idx(1)
        start_gather(1)
        cnt_scatter(0)
        wait_gather(0)
        scatter_add(0)
        cnt_scatter(1)
        wait_gather(1)
        scatter_add(1)

        base = tile_base + NFULL * CHUNK
        pltpu.sync_copy(gidx_hbm.at[pl.ds(base, TAIL)], gi_t.at[0])
        pltpu.sync_copy(sidx_hbm.at[pl.ds(base, TAIL)], si_t.at[0])
        pltpu.async_copy(table_hbm.at[gi_t.at[0]],
                         b0_v.at[pl.ds(0, TAIL)], gsem0).wait()
        for j in range(TAIL // 16):
            idx = si_t[0, pl.ds(j * 16, 16)]
            plsc.addupdate_scatter(hist_v, [idx],
                                   jnp.ones((16,), jnp.float32))
        pltpu.sync_copy(b0_v.at[pl.ds(0, TAIL)],
                        acc_sh.at[si_t.at[0]], add=True)

        plsc.subcore_barrier()

        pltpu.sync_copy(hist_v, cnt_hbm.at[c, s])

        @pl.loop(s, NZBLK, step=NS)
        def _(t):
            row0 = t * ZROWS
            pltpu.sync_copy(acc_sh.at[pl.ds(row0, ZROWS)],
                            b1_v.at[pl.ds(0, ZROWS)])
            pltpu.sync_copy(b1_v.at[pl.ds(0, ZROWS)],
                            out_hbm.at[c, pl.ds(row0, ZROWS)])

    zf = jnp.zeros((ZROWS, D), jnp.float32)
    return seg_kernel(table, gidx, sidx, zf)


IBLK = NI // (N // BLK)


def _tc_front(x, edge_index, W1, b1, Wu, bu):
    def body(x_ref, e_ref, w1_ref, b1_ref, wu_ref, bu_ref,
             m_ref, u_ref, vi_ref, ei_ref):
        xb = x_ref[...]
        m_ref[...] = jnp.maximum(
            jnp.dot(xb, w1_ref[...], preferred_element_type=jnp.float32)
            + b1_ref[...], 0.0)
        u_ref[...] = (
            jnp.dot(xb, wu_ref[...], preferred_element_type=jnp.float32)
            + bu_ref[...])
        vi_ref[...] = e_ref[0].reshape(1, IBLK)
        ei_ref[...] = e_ref[1].reshape(1, IBLK)

    return pl.pallas_call(
        body,
        grid=(N // BLK,),
        in_specs=[
            pl.BlockSpec((BLK, D), lambda i: (i, 0)),
            pl.BlockSpec((2, IBLK), lambda i: (0, i)),
            pl.BlockSpec((D, D), lambda i: (0, 0)),
            pl.BlockSpec((1, D), lambda i: (0, 0)),
            pl.BlockSpec((D, D), lambda i: (0, 0)),
            pl.BlockSpec((1, D), lambda i: (0, 0)),
        ],
        out_specs=[
            pl.BlockSpec((BLK, D), lambda i: (i, 0)),
            pl.BlockSpec((BLK, D), lambda i: (i, 0)),
            pl.BlockSpec((1, IBLK), lambda i: (0, i)),
            pl.BlockSpec((1, IBLK), lambda i: (0, i)),
        ],
        out_shape=[
            jax.ShapeDtypeStruct((N, D), jnp.float32),
            jax.ShapeDtypeStruct((N, D), jnp.float32),
            jax.ShapeDtypeStruct((1, NI), jnp.int32),
            jax.ShapeDtypeStruct((1, NI), jnp.int32),
        ],
    )(x, edge_index, W1, b1.reshape(1, D), Wu, bu.reshape(1, D))


def _tc_cnt(cnts):
    flat = cnts.reshape(NC * NS, NPAD)

    def body(c_ref, o_ref):
        ones = jnp.ones((NC * NS, 1), jnp.float32)
        col = lax.dot_general(c_ref[...], ones, (((0,), (0,)), ((), ())),
                              preferred_element_type=jnp.float32)
        o_ref[...] = jnp.broadcast_to(col, (CBLK, D))

    return pl.pallas_call(
        body,
        grid=(NPAD // CBLK,),
        in_specs=[pl.BlockSpec((NC * NS, CBLK), lambda i: (0, i))],
        out_specs=pl.BlockSpec((CBLK, D), lambda i: (i, 0)),
        out_shape=jax.ShapeDtypeStruct((NPAD, D), jnp.float32),
    )(flat)


def _tc_mid(parts, cnt):
    def body(p_ref, c_ref, o_ref):
        o_ref[...] = (p_ref[0] + p_ref[1]) / jnp.maximum(c_ref[...], 1.0)

    return pl.pallas_call(
        body,
        grid=(E // BLK,),
        in_specs=[
            pl.BlockSpec((NC, BLK, D), lambda i: (0, i, 0)),
            pl.BlockSpec((BLK, D), lambda i: (i, 0)),
        ],
        out_specs=pl.BlockSpec((BLK, D), lambda i: (i, 0)),
        out_shape=jax.ShapeDtypeStruct((E, D), jnp.float32),
    )(parts, cnt)


def _tc_back(u, parts, cnt):
    def body(u_ref, p_ref, c_ref, o_ref):
        mi = (p_ref[0] + p_ref[1]) / jnp.maximum(c_ref[...], 1.0)
        h = jnp.maximum(u_ref[...] + mi, 0.0)
        mx = jnp.max(h, axis=1, keepdims=True)
        lse = jnp.log(jnp.sum(jnp.exp(h - mx), axis=1, keepdims=True))
        o_ref[...] = h - mx - lse

    return pl.pallas_call(
        body,
        grid=(N // BLK,),
        in_specs=[
            pl.BlockSpec((BLK, D), lambda i: (i, 0)),
            pl.BlockSpec((NC, BLK, D), lambda i: (0, i, 0)),
            pl.BlockSpec((BLK, D), lambda i: (i, 0)),
        ],
        out_specs=pl.BlockSpec((BLK, D), lambda i: (i, 0)),
        out_shape=jax.ShapeDtypeStruct((N, D), jnp.float32),
    )(u, parts, cnt)


def kernel(x, edge_index, W1, b1, Wu, bu):
    m, u, v_idx, e_idx = _tc_front(x, edge_index, W1, b1, Wu, bu)
    v_idx = v_idx.reshape(NI)
    e_idx = e_idx.reshape(NI)
    e_parts, e_cnts = _sc_segment_sum(m, v_idx, e_idx)
    e_feat = _tc_mid(e_parts, _tc_cnt(e_cnts))
    v_parts, v_cnts = _sc_segment_sum(e_feat, e_idx, v_idx)
    return _tc_back(u, v_parts, _tc_cnt(v_cnts))

# --- scband reference (transcript-rebuilt; emitter-appended) ---
"""Pipeline reference for scband-action-network-84378927497724 (READ-ONLY COPY).

The authoritative reference and input builder live on the scoring server;
editing this copy changes nothing except your own understanding.
"""

import jax, jax.numpy as jnp
import numpy as np

N_NODES = 10000
N_HYPEREDGES = 10000
N_INC = 320000
D = 128


def setup_inputs(seed: int = 0) -> dict:
    key = jax.random.key(seed)
    k1, k2, k3, k4, k5 = jax.random.split(key, 5)
    x = jax.random.normal(k1, (N_NODES, D), dtype=jnp.float32)
    v_idx = jax.random.randint(k2, (N_INC,), 0, N_NODES)
    e_idx = jax.random.randint(k3, (N_INC,), 0, N_HYPEREDGES)
    edge_index = jnp.stack([v_idx, e_idx], axis=0)
    # learned params: one hidden Linear (layer_dims=[] -> [D, D]) + lin_update
    W1 = jax.random.normal(k4, (D, D), dtype=jnp.float32) * 0.05
    b1 = jnp.zeros((D,), dtype=jnp.float32)
    Wu = jax.random.normal(k5, (D, D), dtype=jnp.float32) * 0.05
    bu = jnp.zeros((D,), dtype=jnp.float32)
    return {"x": x, "edge_index": edge_index, "W1": W1, "b1": b1, "Wu": Wu, "bu": bu}


def _v2v_mean(m, v_idx, e_idx):
    # vertex -> hyperedge mean aggregation
    ones = jnp.ones((v_idx.shape[0], 1), dtype=m.dtype)
    e_sum = jax.ops.segment_sum(jnp.take(m, v_idx, axis=0), e_idx, num_segments=N_HYPEREDGES)
    e_cnt = jax.ops.segment_sum(ones, e_idx, num_segments=N_HYPEREDGES)
    e_feat = e_sum / jnp.maximum(e_cnt, 1.0)
    # hyperedge -> vertex mean aggregation
    v_sum = jax.ops.segment_sum(jnp.take(e_feat, e_idx, axis=0), v_idx, num_segments=N_NODES)
    v_cnt = jax.ops.segment_sum(ones, v_idx, num_segments=N_NODES)
    return v_sum / jnp.maximum(v_cnt, 1.0)


def reference(x, edge_index, W1, b1, Wu, bu):
    v_idx = edge_index[0]
    e_idx = edge_index[1]
    # self.layers: Linear(D, D) + ReLU
    m_ji = jax.nn.relu(x @ W1 + b1)
    # dropout in eval mode -> identity
    m_i = _v2v_mean(m_ji, v_idx, e_idx)
    h_i = jax.nn.relu(x @ Wu + bu + m_i)
    return jax.nn.log_softmax(h_i, axis=1)

if __name__ == "__main__":
    import jax
    _d = setup_inputs()
    print(jax.jit(kernel)(*tuple(_d.values())))

</pallas_src>

<mosaic_0001>
#map = affine_map<(d0, d1) -> (0, 0)>
#map1 = affine_map<(d0, d1) -> (0)>
#map2 = affine_map<(d0, d1) -> (0, 0, 0)>
module attributes {stable_mosaic.version = 14 : i64} {
  func.func @seg_kernel(%arg0: i32, %arg1: i32, %arg2: memref<10000x128xf32, #tpu.memory_space<hbm>>, %arg3: memref<320000xi32, #tpu.memory_space<hbm>>, %arg4: memref<320000xi32, #tpu.memory_space<hbm>>, %arg5: memref<80x128xf32, #tpu.memory_space<hbm>>, %arg6: memref<2x10000x128xf32, #tpu.memory_space<hbm>>, %arg7: memref<2x16x10240xf32, #tpu.memory_space<hbm>>, %arg8: memref<2x128xi32, #tpu.memory_space<vmem>>, %arg9: memref<2x128xi32, #tpu.memory_space<vmem>>, %arg10: memref<1x16xi32, #tpu.memory_space<vmem>>, %arg11: memref<1x16xi32, #tpu.memory_space<vmem>>, %arg12: memref<128x128xf32, #tpu.memory_space<vmem>>, %arg13: memref<128x128xf32, #tpu.memory_space<vmem>>, %arg14: memref<10240xf32, #tpu.memory_space<vmem>>, %arg15: memref<10000x128xf32, #tpu.memory_space<vmem_shared>>, %arg16: memref<!tpu.dma_semaphore, #tpu.memory_space<semaphore_mem>>, %arg17: memref<!tpu.dma_semaphore, #tpu.memory_space<semaphore_mem>>, %arg18: memref<!tpu.dma_semaphore, #tpu.memory_space<semaphore_mem>>, %arg19: memref<!tpu.dma_semaphore, #tpu.memory_space<semaphore_mem>>) attributes {dimension_semantics = [#tpu.dimension_semantics<core_parallel>, #tpu.dimension_semantics<subcore_parallel>], iteration_bounds = array<i64: 2, 16>, scalar_prefetch = 0 : i64, scratch_operands = 12 : i64, tpu.core_type = #tpu.core_type<sc_vector_subcore>, window_params = [{transform_indices = #map}, {transform_indices = #map1}, {transform_indices = #map1}, {transform_indices = #map}, {transform_indices = #map2}, {transform_indices = #map2}]} {
    %mul3A = arith.constant 16 : i32
    %mul3A_0 = arith.muli %arg0, %mul3A : i32
    %add3A = arith.addi %mul3A_0, %arg1 : i32
    %mul3A_1 = arith.constant 10000 : i32
    %mul3A_2 = arith.muli %add3A, %mul3A_1 : i32
    %scan3A = arith.constant 0 : i32
    %scan3A_3 = arith.constant 640 : i32
    %scan3A_4 = arith.addi %scan3A, %scan3A_3 : i32
    %scan3A_5 = arith.constant 1 : i32
    scf.for %scan3A_242 = %scan3A to %scan3A_4 step %scan3A_5  : i32 {
      %mul3A_243 = arith.constant 1 : i32
      %mul3A_244 = arith.muli %scan3A_242, %mul3A_243 : i32
      %add3A_245 = arith.constant 0 : i32
      %add3A_246 = arith.addi %add3A_245, %mul3A_244 : i32
      %broadcast_in_dim3A_247 = arith.constant 0.000000e+00 : f32
      %broadcast_in_dim3A_248 = vector.broadcast %broadcast_in_dim3A_247 : f32 to vector<16xf32>
      %mul3A_249 = arith.constant 16 : i32
      %mul3A_250 = arith.muli %add3A_246, %mul3A_249 : i32
      %swap3A = arith.index_cast %mul3A_250 : i32 to index
      %swap3A_251 = tpu.vector_load %arg14[%swap3A] {strides = array<i32>} : memref<10240xf32, #tpu.memory_space<vmem>>, vector<16xf32>,
      tpu.vector_store %arg14[%swap3A], %broadcast_in_dim3A_248 {strides = array<i32>} : memref<10240xf32, #tpu.memory_space<vmem>>, vector<16xf32>,
    }
    %scan3A_6 = arith.constant 640 : i32
    "tpu.region"() ({
      %run_scoped3A_242 = tpu.sem_alloc : memref<!tpu.dma_semaphore, #tpu.memory_space<semaphore_mem>>
      %dma_start3A_243 = arith.constant 0 : i32
      %dma_start3A_244 = arith.constant 0 : i32
      %dma_start3A_245 = tpu.memref_slice %arg12[%dma_start3A_243, %dma_start3A_244] : memref<128x128xf32, #tpu.memory_space<vmem>> -> memref<80x128xf32, #tpu.memory_space<vmem>>
      %dma_start3A_246 = arith.constant 0 : i32
      %dma_start3A_247 = arith.constant 0 : i32
      %dma_start3A_248 = tpu.memref_slice %arg12[%dma_start3A_246, %dma_start3A_247] : memref<128x128xf32, #tpu.memory_space<vmem>> -> memref<80x128xf32, #tpu.memory_space<vmem>>
      tpu.enqueue_dma source(%arg5 : memref<80x128xf32, #tpu.memory_space<hbm>>) target(%dma_start3A_248 : memref<80x128xf32, #tpu.memory_space<vmem>>) target_semaphore(%run_scoped3A_242 : memref<!tpu.dma_semaphore, #tpu.memory_space<semaphore_mem>>)
      %dma_wait3A_249 = arith.constant 0 : i32
      %dma_wait3A_250 = arith.constant 0 : i32
      %dma_wait3A_251 = tpu.memref_slice %arg12[%dma_wait3A_249, %dma_wait3A_250] : memref<128x128xf32, #tpu.memory_space<vmem>> -> memref<80x128xf32, #tpu.memory_space<vmem>>
      %dma_wait3A_252 = arith.constant 0 : i32
      %dma_wait3A_253 = arith.constant 0 : i32
      %dma_wait3A_254 = tpu.memref_slice %arg12[%dma_wait3A_252, %dma_wait3A_253] : memref<128x128xf32, #tpu.memory_space<vmem>> -> memref<80x128xf32, #tpu.memory_space<vmem>>
      tpu.wait_dma2 semaphore(%run_scoped3A_242 : memref<!tpu.dma_semaphore, #tpu.memory_space<semaphore_mem>>) src(%arg5 : memref<80x128xf32, #tpu.memory_space<hbm>>) dst(%dma_wait3A_254 : memref<80x128xf32, #tpu.memory_space<vmem>>)
      tpu.yield
    }) : () -> ()
    %sub3A = arith.constant 125 : i32
    %sub3A_7 = arith.subi %sub3A, %arg1 : i32
    %sub3A_8 = arith.constant 16 : i32
    %sub3A_9 = arith.constant 1 : i32
    %sub3A_10 = arith.subi %sub3A_8, %sub3A_9 : i32
    %add3A_11 = arith.addi %sub3A_7, %sub3A_10 : i32
    %div3A = arith.constant 16 : i32
    %div3A_12 = arith.divsi %add3A_11, %div3A : i32
    %while3A = arith.constant 16 : i32
    %while3A_13 = arith.constant 0 : i32
    %while3A_14 = arith.subi %div3A_12, %while3A_13 : i32
    %while3A_15 = arith.addi %while3A_13, %while3A_14 : i32
    %while3A_16 = arith.constant 1 : i32
    %while3A_17 = arith.divsi %while3A_14, %while3A_16 : i32
    %while3A_18 = arith.muli %while3A_17, %while3A_16 : i32
    %while3A_19 = arith.addi %while3A_13, %while3A_18 : i32
    %while3A_20 = arith.constant 1 : i32
    scf.for %while3A_242 = %while3A_13 to %while3A_19 step %while3A_20  : i32 {
      %mul3A_243 = arith.muli %while3A_242, %while3A : i32
      %add3A_244 = arith.addi %arg1, %mul3A_243 : i32
      %mul3A_245 = arith.constant 80 : i32
      %mul3A_246 = arith.muli %add3A_244, %mul3A_245 : i32
      "tpu.region"() ({
        %run_scoped3A_247 = tpu.sem_alloc : memref<!tpu.dma_semaphore, #tpu.memory_space<semaphore_mem>>
        %dma_start3A_248 = arith.constant 0 : i32
        %dma_start3A_249 = arith.constant 0 : i32
        %dma_start3A_250 = tpu.memref_slice %arg12[%dma_start3A_248, %dma_start3A_249] : memref<128x128xf32, #tpu.memory_space<vmem>> -> memref<80x128xf32, #tpu.memory_space<vmem>>
        %dma_start3A_251 = arith.constant 0 : i32
        %dma_start3A_252 = tpu.memref_slice %arg15[%mul3A_246, %dma_start3A_251] : memref<10000x128xf32, #tpu.memory_space<vmem_shared>> -> memref<80x128xf32, #tpu.memory_space<vmem_shared>>
        %dma_start3A_253 = arith.constant 0 : i32
        %dma_start3A_254 = tpu.memref_slice %arg15[%mul3A_246, %dma_start3A_253] : memref<10000x128xf32, #tpu.memory_space<vmem_shared>> -> memref<80x128xf32, #tpu.memory_space<vmem_shared>>
        %dma_start3A_255 = arith.constant 0 : i32
        %dma_start3A_256 = arith.constant 0 : i32
        %dma_start3A_257 = tpu.memref_slice %arg12[%dma_start3A_255, %dma_start3A_256] : memref<128x128xf32, #tpu.memory_space<vmem>> -> memref<80x128xf32, #tpu.memory_space<vmem>>
        tpu.enqueue_dma source(%dma_start3A_257 : memref<80x128xf32, #tpu.memory_space<vmem>>) target(%dma_start3A_254 : memref<80x128xf32, #tpu.memory_space<vmem_shared>>) target_semaphore(%run_scoped3A_247 : memref<!tpu.dma_semaphore, #tpu.memory_space<semaphore_mem>>)
        %dma_wait3A_258 = arith.constant 0 : i32
        %dma_wait3A_259 = arith.constant 0 : i32
        %dma_wait3A_260 = tpu.memref_slice %arg12[%dma_wait3A_258, %dma_wait3A_259] : memref<128x128xf32, #tpu.memory_space<vmem>> -> memref<80x128xf32, #tpu.memory_space<vmem>>
        %dma_wait3A_261 = arith.constant 0 : i32
        %dma_wait3A_262 = tpu.memref_slice %arg15[%mul3A_246, %dma_wait3A_261] : memref<10000x128xf32, #tpu.memory_space<vmem_shared>> -> memref<80x128xf32, #tpu.memory_space<vmem_shared>>
        %dma_wait3A_263 = arith.constant 0 : i32
        %dma_wait3A_264 = tpu.memref_slice %arg15[%mul3A_246, %dma_wait3A_263] : memref<10000x128xf32, #tpu.memory_space<vmem_shared>> -> memref<80x128xf32, #tpu.memory_space<vmem_shared>>
        %dma_wait3A_265 = arith.constant 0 : i32
        %dma_wait3A_266 = arith.constant 0 : i32
        %dma_wait3A_267 = tpu.memref_slice %arg12[%dma_wait3A_265, %dma_wait3A_266] : memref<128x128xf32, #tpu.memory_space<vmem>> -> memref<80x128xf32, #tpu.memory_space<vmem>>
        tpu.wait_dma2 semaphore(%run_scoped3A_247 : memref<!tpu.dma_semaphore, #tpu.memory_space<semaphore_mem>>) src(%dma_wait3A_267 : memref<80x128xf32, #tpu.memory_space<vmem>>) dst(%dma_wait3A_264 : memref<80x128xf32, #tpu.memory_space<vmem_shared>>)
        tpu.yield
      }) : () -> ()
    }
    %while3A_21 = arith.constant 1 : i32
    scf.for %while3A_242 = %while3A_19 to %while3A_15 step %while3A_21  : i32 {
      %mul3A_243 = arith.muli %while3A_242, %while3A : i32
      %add3A_244 = arith.addi %arg1, %mul3A_243 : i32
      %mul3A_245 = arith.constant 80 : i32
      %mul3A_246 = arith.muli %add3A_244, %mul3A_245 : i32
      "tpu.region"() ({
        %run_scoped3A_247 = tpu.sem_alloc : memref<!tpu.dma_semaphore, #tpu.memory_space<semaphore_mem>>
        %dma_start3A_248 = arith.constant 0 : i32
        %dma_start3A_249 = arith.constant 0 : i32
        %dma_start3A_250 = tpu.memref_slice %arg12[%dma_start3A_248, %dma_start3A_249] : memref<128x128xf32, #tpu.memory_space<vmem>> -> memref<80x128xf32, #tpu.memory_space<vmem>>
        %dma_start3A_251 = arith.constant 0 : i32
        %dma_start3A_252 = tpu.memref_slice %arg15[%mul3A_246, %dma_start3A_251] : memref<10000x128xf32, #tpu.memory_space<vmem_shared>> -> memref<80x128xf32, #tpu.memory_space<vmem_shared>>
        %dma_start3A_253 = arith.constant 0 : i32
        %dma_start3A_254 = tpu.memref_slice %arg15[%mul3A_246, %dma_start3A_253] : memref<10000x128xf32, #tpu.memory_space<vmem_shared>> -> memref<80x128xf32, #tpu.memory_space<vmem_shared>>
        %dma_start3A_255 = arith.constant 0 : i32
        %dma_start3A_256 = arith.constant 0 : i32
        %dma_start3A_257 = tpu.memref_slice %arg12[%dma_start3A_255, %dma_start3A_256] : memref<128x128xf32, #tpu.memory_space<vmem>> -> memref<80x128xf32, #tpu.memory_space<vmem>>
        tpu.enqueue_dma source(%dma_start3A_257 : memref<80x128xf32, #tpu.memory_space<vmem>>) target(%dma_start3A_254 : memref<80x128xf32, #tpu.memory_space<vmem_shared>>) target_semaphore(%run_scoped3A_247 : memref<!tpu.dma_semaphore, #tpu.memory_space<semaphore_mem>>)
        %dma_wait3A_258 = arith.constant 0 : i32
        %dma_wait3A_259 = arith.constant 0 : i32
        %dma_wait3A_260 = tpu.memref_slice %arg12[%dma_wait3A_258, %dma_wait3A_259] : memref<128x128xf32, #tpu.memory_space<vmem>> -> memref<80x128xf32, #tpu.memory_space<vmem>>
        %dma_wait3A_261 = arith.constant 0 : i32
        %dma_wait3A_262 = tpu.memref_slice %arg15[%mul3A_246, %dma_wait3A_261] : memref<10000x128xf32, #tpu.memory_space<vmem_shared>> -> memref<80x128xf32, #tpu.memory_space<vmem_shared>>
        %dma_wait3A_263 = arith.constant 0 : i32
        %dma_wait3A_264 = tpu.memref_slice %arg15[%mul3A_246, %dma_wait3A_263] : memref<10000x128xf32, #tpu.memory_space<vmem_shared>> -> memref<80x128xf32, #tpu.memory_space<vmem_shared>>
        %dma_wait3A_265 = arith.constant 0 : i32
        %dma_wait3A_266 = arith.constant 0 : i32
        %dma_wait3A_267 = tpu.memref_slice %arg12[%dma_wait3A_265, %dma_wait3A_266] : memref<128x128xf32, #tpu.memory_space<vmem>> -> memref<80x128xf32, #tpu.memory_space<vmem>>
        tpu.wait_dma2 semaphore(%run_scoped3A_247 : memref<!tpu.dma_semaphore, #tpu.memory_space<semaphore_mem>>) src(%dma_wait3A_267 : memref<80x128xf32, #tpu.memory_space<vmem>>) dst(%dma_wait3A_264 : memref<80x128xf32, #tpu.memory_space<vmem_shared>>)
        tpu.yield
      }) : () -> ()
    }
    %barrier3A = arith.constant 0 : index
    tpu.barrier barrier_id(%barrier3A)
    %add3A_22 = arith.constant 0 : i32
    %add3A_23 = arith.addi %mul3A_2, %add3A_22 : i32
    %run_scoped3A = arith.constant 0 : i32
    "tpu.region"() ({
      %run_scoped3A_242 = tpu.sem_alloc : memref<!tpu.dma_semaphore, #tpu.memory_space<semaphore_mem>>
      %dma_start3A_243 = arith.constant 0 : i32
      %dma_start3A_244 = tpu.memref_slice %arg8[%run_scoped3A, %dma_start3A_243] : memref<2x128xi32, #tpu.memory_space<vmem>> -> memref<1x128xi32, #tpu.memory_space<vmem>>
      %dma_start3A_245 = tpu.memref_squeeze %dma_start3A_244 : memref<1x128xi32, #tpu.memory_space<vmem>> -> memref<128xi32, #tpu.memory_space<vmem>>
      %dma_start3A_246 = tpu.memref_slice %arg3[%add3A_23] : memref<320000xi32, #tpu.memory_space<hbm>> -> memref<128xi32, #tpu.memory_space<hbm>>
      %dma_start3A_247 = arith.constant 0 : i32
      %dma_start3A_248 = tpu.memref_slice %arg8[%run_scoped3A, %dma_start3A_247] : memref<2x128xi32, #tpu.memory_space<vmem>> -> memref<1x128xi32, #tpu.memory_space<vmem>>
      %dma_start3A_249 = tpu.memref_squeeze %dma_start3A_248 : memref<1x128xi32, #tpu.memory_space<vmem>> -> memref<128xi32, #tpu.memory_space<vmem>>
      %dma_start3A_250 = tpu.memref_slice %arg3[%add3A_23] : memref<320000xi32, #tpu.memory_space<hbm>> -> memref<128xi32, #tpu.memory_space<hbm>>
      tpu.enqueue_dma source(%dma_start3A_250 : memref<128xi32, #tpu.memory_space<hbm>>) target(%dma_start3A_249 : memref<128xi32, #tpu.memory_space<vmem>>) target_semaphore(%run_scoped3A_242 : memref<!tpu.dma_semaphore, #tpu.memory_space<semaphore_mem>>)
      %dma_wait3A_251 = arith.constant 0 : i32
      %dma_wait3A_252 = tpu.memref_slice %arg8[%run_scoped3A, %dma_wait3A_251] : memref<2x128xi32, #tpu.memory_space<vmem>> -> memref<1x128xi32, #tpu.memory_space<vmem>>
      %dma_wait3A_253 = tpu.memref_squeeze %dma_wait3A_252 : memref<1x128xi32, #tpu.memory_space<vmem>> -> memref<128xi32, #tpu.memory_space<vmem>>
      %dma_wait3A_254 = tpu.memref_slice %arg3[%add3A_23] : memref<320000xi32, #tpu.memory_space<hbm>> -> memref<128xi32, #tpu.memory_space<hbm>>
      %dma_wait3A_255 = arith.constant 0 : i32
      %dma_wait3A_256 = tpu.memref_slice %arg8[%run_scoped3A, %dma_wait3A_255] : memref<2x128xi32, #tpu.memory_space<vmem>> -> memref<1x128xi32, #tpu.memory_space<vmem>>
      %dma_wait3A_257 = tpu.memref_squeeze %dma_wait3A_256 : memref<1x128xi32, #tpu.memory_space<vmem>> -> memref<128xi32, #tpu.memory_space<vmem>>
      %dma_wait3A_258 = tpu.memref_slice %arg3[%add3A_23] : memref<320000xi32, #tpu.memory_space<hbm>> -> memref<128xi32, #tpu.memory_space<hbm>>
      tpu.wait_dma2 semaphore(%run_scoped3A_242 : memref<!tpu.dma_semaphore, #tpu.memory_space<semaphore_mem>>) src(%dma_wait3A_258 : memref<128xi32, #tpu.memory_space<hbm>>) dst(%dma_wait3A_257 : memref<128xi32, #tpu.memory_space<vmem>>)
      tpu.yield
    }) : () -> ()
    %run_scoped3A_24 = arith.constant 0 : i32
    "tpu.region"() ({
      %run_scoped3A_242 = tpu.sem_alloc : memref<!tpu.dma_semaphore, #tpu.memory_space<semaphore_mem>>
      %dma_start3A_243 = arith.constant 0 : i32
      %dma_start3A_244 = tpu.memref_slice %arg9[%run_scoped3A_24, %dma_start3A_243] : memref<2x128xi32, #tpu.memory_space<vmem>> -> memref<1x128xi32, #tpu.memory_space<vmem>>
      %dma_start3A_245 = tpu.memref_squeeze %dma_start3A_244 : memref<1x128xi32, #tpu.memory_space<vmem>> -> memref<128xi32, #tpu.memory_space<vmem>>
      %dma_start3A_246 = tpu.memref_slice %arg4[%add3A_23] : memref<320000xi32, #tpu.memory_space<hbm>> -> memref<128xi32, #tpu.memory_space<hbm>>
      %dma_start3A_247 = arith.constant 0 : i32
      %dma_start3A_248 = tpu.memref_slice %arg9[%run_scoped3A_24, %dma_start3A_247] : memref<2x128xi32, #tpu.memory_space<vmem>> -> memref<1x128xi32, #tpu.memory_space<vmem>>
      %dma_start3A_249 = tpu.memref_squeeze %dma_start3A_248 : memref<1x128xi32, #tpu.memory_space<vmem>> -> memref<128xi32, #tpu.memory_space<vmem>>
      %dma_start3A_250 = tpu.memref_slice %arg4[%add3A_23] : memref<320000xi32, #tpu.memory_space<hbm>> -> memref<128xi32, #tpu.memory_space<hbm>>
      tpu.enqueue_dma source(%dma_start3A_250 : memref<128xi32, #tpu.memory_space<hbm>>) target(%dma_start3A_249 : memref<128xi32, #tpu.memory_space<vmem>>) target_semaphore(%run_scoped3A_242 : memref<!tpu.dma_semaphore, #tpu.memory_space<semaphore_mem>>)
      %dma_wait3A_251 = arith.constant 0 : i32
      %dma_wait3A_252 = tpu.memref_slice %arg9[%run_scoped3A_24, %dma_wait3A_251] : memref<2x128xi32, #tpu.memory_space<vmem>> -> memref<1x128xi32, #tpu.memory_space<vmem>>
      %dma_wait3A_253 = tpu.memref_squeeze %dma_wait3A_252 : memref<1x128xi32, #tpu.memory_space<vmem>> -> memref<128xi32, #tpu.memory_space<vmem>>
      %dma_wait3A_254 = tpu.memref_slice %arg4[%add3A_23] : memref<320000xi32, #tpu.memory_space<hbm>> -> memref<128xi32, #tpu.memory_space<hbm>>
      %dma_wait3A_255 = arith.constant 0 : i32
      %dma_wait3A_256 = tpu.memref_slice %arg9[%run_scoped3A_24, %dma_wait3A_255] : memref<2x128xi32, #tpu.memory_space<vmem>> -> memref<1x128xi32, #tpu.memory_space<vmem>>
      %dma_wait3A_257 = tpu.memref_squeeze %dma_wait3A_256 : memref<1x128xi32, #tpu.memory_space<vmem>> -> memref<128xi32, #tpu.memory_space<vmem>>
      %dma_wait3A_258 = tpu.memref_slice %arg4[%add3A_23] : memref<320000xi32, #tpu.memory_space<hbm>> -> memref<128xi32, #tpu.memory_space<hbm>>
      tpu.wait_dma2 semaphore(%run_scoped3A_242 : memref<!tpu.dma_semaphore, #tpu.memory_space<semaphore_mem>>) src(%dma_wait3A_258 : memref<128xi32, #tpu.memory_space<hbm>>) dst(%dma_wait3A_257 : memref<128xi32, #tpu.memory_space<vmem>>)
      tpu.yield
    }) : () -> ()
    %add3A_25 = arith.constant 128 : i32
    %add3A_26 = arith.addi %mul3A_2, %add3A_25 : i32
    %dma_start3A = arith.constant 1 : i32
    %dma_start3A_27 = arith.constant 0 : i32
    %dma_start3A_28 = tpu.memref_slice %arg8[%dma_start3A, %dma_start3A_27] : memref<2x128xi32, #tpu.memory_space<vmem>> -> memref<1x128xi32, #tpu.memory_space<vmem>>
    %dma_start3A_29 = tpu.memref_squeeze %dma_start3A_28 : memref<1x128xi32, #tpu.memory_space<vmem>> -> memref<128xi32, #tpu.memory_space<vmem>>
    %dma_start3A_30 = tpu.memref_slice %arg3[%add3A_26] : memref<320000xi32, #tpu.memory_space<hbm>> -> memref<128xi32, #tpu.memory_space<hbm>>
    %dma_start3A_31 = arith.constant 0 : i32
    %dma_start3A_32 = tpu.memref_slice %arg8[%dma_start3A, %dma_start3A_31] : memref<2x128xi32, #tpu.memory_space<vmem>> -> memref<1x128xi32, #tpu.memory_space<vmem>>
    %dma_start3A_33 = tpu.memref_squeeze %dma_start3A_32 : memref<1x128xi32, #tpu.memory_space<vmem>> -> memref<128xi32, #tpu.memory_space<vmem>>
    %dma_start3A_34 = tpu.memref_slice %arg3[%add3A_26] : memref<320000xi32, #tpu.memory_space<hbm>> -> memref<128xi32, #tpu.memory_space<hbm>>
    tpu.enqueue_dma source(%dma_start3A_34 : memref<128xi32, #tpu.memory_space<hbm>>) target(%dma_start3A_33 : memref<128xi32, #tpu.memory_space<vmem>>) target_semaphore(%arg19 : memref<!tpu.dma_semaphore, #tpu.memory_space<semaphore_mem>>)
    %dma_start3A_35 = arith.constant 1 : i32
    %dma_start3A_36 = arith.constant 0 : i32
    %dma_start3A_37 = tpu.memref_slice %arg9[%dma_start3A_35, %dma_start3A_36] : memref<2x128xi32, #tpu.memory_space<vmem>> -> memref<1x128xi32, #tpu.memory_space<vmem>>
    %dma_start3A_38 = tpu.memref_squeeze %dma_start3A_37 : memref<1x128xi32, #tpu.memory_space<vmem>> -> memref<128xi32, #tpu.memory_space<vmem>>
    %dma_start3A_39 = tpu.memref_slice %arg4[%add3A_26] : memref<320000xi32, #tpu.memory_space<hbm>> -> memref<128xi32, #tpu.memory_space<hbm>>
    %dma_start3A_40 = arith.constant 0 : i32
    %dma_start3A_41 = tpu.memref_slice %arg9[%dma_start3A_35, %dma_start3A_40] : memref<2x128xi32, #tpu.memory_space<vmem>> -> memref<1x128xi32, #tpu.memory_space<vmem>>
    %dma_start3A_42 = tpu.memref_squeeze %dma_start3A_41 : memref<1x128xi32, #tpu.memory_space<vmem>> -> memref<128xi32, #tpu.memory_space<vmem>>
    %dma_start3A_43 = tpu.memref_slice %arg4[%add3A_26] : memref<320000xi32, #tpu.memory_space<hbm>> -> memref<128xi32, #tpu.memory_space<hbm>>
    tpu.enqueue_dma source(%dma_start3A_43 : memref<128xi32, #tpu.memory_space<hbm>>) target(%dma_start3A_42 : memref<128xi32, #tpu.memory_space<vmem>>) target_semaphore(%arg19 : memref<!tpu.dma_semaphore, #tpu.memory_space<semaphore_mem>>)
    %dma_start3A_44 = arith.constant 0 : i32
    %dma_start3A_45 = arith.constant 0 : i32
    %dma_start3A_46 = tpu.memref_slice %arg8[%dma_start3A_44, %dma_start3A_45] : memref<2x128xi32, #tpu.memory_space<vmem>> -> memref<1x128xi32, #tpu.memory_space<vmem>>
    %dma_start3A_47 = tpu.memref_squeeze %dma_start3A_46 : memref<1x128xi32, #tpu.memory_space<vmem>> -> memref<128xi32, #tpu.memory_space<vmem>>
    %dma_start3A_48 = arith.constant 0 : i32
    %dma_start3A_49 = arith.constant 0 : i32
    %dma_start3A_50 = tpu.memref_slice %arg2[%dma_start3A_48, %dma_start3A_49] : memref<10000x128xf32, #tpu.memory_space<hbm>> -> memref<10000x128xf32, #tpu.memory_space<hbm>>
    tpu.enqueue_indirect_dma source(%dma_start3A_50 : memref<10000x128xf32, #tpu.memory_space<hbm>>) target(%arg12 : memref<128x128xf32, #tpu.memory_space<vmem>>) offsets(%dma_start3A_47 : memref<128xi32, #tpu.memory_space<vmem>>) semaphore(%arg16 : memref<!tpu.dma_semaphore, #tpu.memory_space<semaphore_mem>>)
    %scan3A_51 = arith.constant 0 : i32
    %scan3A_52 = arith.constant 38 : i32
    %scan3A_53 = arith.addi %scan3A_51, %scan3A_52 : i32
    %scan3A_54 = arith.constant 1 : i32
    scf.for %scan3A_242 = %scan3A_51 to %scan3A_53 step %scan3A_54  : i32 {
      %mul3A_243 = arith.constant 1 : i32
      %mul3A_244 = arith.muli %scan3A_242, %mul3A_243 : i32
      %add3A_245 = arith.constant 0 : i32
      %add3A_246 = arith.addi %add3A_245, %mul3A_244 : i32
      %mul3A_247 = arith.constant 2 : i32
      %mul3A_248 = arith.muli %mul3A_247, %add3A_246 : i32
      %dma_wait3A_249 = arith.constant 1 : i32
      %dma_wait3A_250 = arith.constant 0 : i32
      %dma_wait3A_251 = tpu.memref_slice %arg8[%dma_wait3A_249, %dma_wait3A_250] : memref<2x128xi32, #tpu.memory_space<vmem>> -> memref<1x128xi32, #tpu.memory_space<vmem>>
      %dma_wait3A_252 = tpu.memref_squeeze %dma_wait3A_251 : memref<1x128xi32, #tpu.memory_space<vmem>> -> memref<128xi32, #tpu.memory_space<vmem>>
      %dma_wait3A_253 = arith.constant 0 : i32
      %dma_wait3A_254 = tpu.memref_slice %arg3[%dma_wait3A_253] : memref<320000xi32, #tpu.memory_space<hbm>> -> memref<128xi32, #tpu.memory_space<hbm>>
      %dma_wait3A_255 = arith.constant 0 : i32
      %dma_wait3A_256 = tpu.memref_slice %arg8[%dma_wait3A_249, %dma_wait3A_255] : memref<2x128xi32, #tpu.memory_space<vmem>> -> memref<1x128xi32, #tpu.memory_space<vmem>>
      %dma_wait3A_257 = tpu.memref_squeeze %dma_wait3A_256 : memref<1x128xi32, #tpu.memory_space<vmem>> -> memref<128xi32, #tpu.memory_space<vmem>>
      %dma_wait3A_258 = arith.constant 0 : i32
      %dma_wait3A_259 = tpu.memref_slice %arg3[%dma_wait3A_258] : memref<320000xi32, #tpu.memory_space<hbm>> -> memref<128xi32, #tpu.memory_space<hbm>>
      tpu.wait_dma2 semaphore(%arg19 : memref<!tpu.dma_semaphore, #tpu.memory_space<semaphore_mem>>) src(%dma_wait3A_259 : memref<128xi32, #tpu.memory_space<hbm>>) dst(%dma_wait3A_257 : memref<128xi32, #tpu.memory_space<vmem>>)
      %dma_wait3A_260 = arith.constant 1 : i32
      %dma_wait3A_261 = arith.constant 0 : i32
      %dma_wait3A_262 = tpu.memref_slice %arg9[%dma_wait3A_260, %dma_wait3A_261] : memref<2x128xi32, #tpu.memory_space<vmem>> -> memref<1x128xi32, #tpu.memory_space<vmem>>
      %dma_wait3A_263 = tpu.memref_squeeze %dma_wait3A_262 : memref<1x128xi32, #tpu.memory_space<vmem>> -> memref<128xi32, #tpu.memory_space<vmem>>
      %dma_wait3A_264 = arith.constant 0 : i32
      %dma_wait3A_265 = tpu.memref_slice %arg3[%dma_wait3A_264] : memref<320000xi32, #tpu.memory_space<hbm>> -> memref<128xi32, #tpu.memory_space<hbm>>
      %dma_wait3A_266 = arith.constant 0 : i32
      %dma_wait3A_267 = tpu.memref_slice %arg9[%dma_wait3A_260, %dma_wait3A_266] : memref<2x128xi32, #tpu.memory_space<vmem>> -> memref<1x128xi32, #tpu.memory_space<vmem>>
      %dma_wait3A_268 = tpu.memref_squeeze %dma_wait3A_267 : memref<1x128xi32, #tpu.memory_space<vmem>> -> memref<128xi32, #tpu.memory_space<vmem>>
      %dma_wait3A_269 = arith.constant 0 : i32
      %dma_wait3A_270 = tpu.memref_slice %arg3[%dma_wait3A_269] : memref<320000xi32, #tpu.memory_space<hbm>> -> memref<128xi32, #tpu.memory_space<hbm>>
      tpu.wait_dma2 semaphore(%arg19 : memref<!tpu.dma_semaphore, #tpu.memory_space<semaphore_mem>>) src(%dma_wait3A_270 : memref<128xi32, #tpu.memory_space<hbm>>) dst(%dma_wait3A_268 : memref<128xi32, #tpu.memory_space<vmem>>)
      %dma_start3A_271 = arith.constant 1 : i32
      %dma_start3A_272 = arith.constant 0 : i32
      %dma_start3A_273 = tpu.memref_slice %arg8[%dma_start3A_271, %dma_start3A_272] : memref<2x128xi32, #tpu.memory_space<vmem>> -> memref<1x128xi32, #tpu.memory_space<vmem>>
      %dma_start3A_274 = tpu.memref_squeeze %dma_start3A_273 : memref<1x128xi32, #tpu.memory_space<vmem>> -> memref<128xi32, #tpu.memory_space<vmem>>
      %dma_start3A_275 = arith.constant 0 : i32
      %dma_start3A_276 = arith.constant 0 : i32
      %dma_start3A_277 = tpu.memref_slice %arg2[%dma_start3A_275, %dma_start3A_276] : memref<10000x128xf32, #tpu.memory_space<hbm>> -> memref<10000x128xf32, #tpu.memory_space<hbm>>
      tpu.enqueue_indirect_dma source(%dma_start3A_277 : memref<10000x128xf32, #tpu.memory_space<hbm>>) target(%arg13 : memref<128x128xf32, #tpu.memory_space<vmem>>) offsets(%dma_start3A_274 : memref<128xi32, #tpu.memory_space<vmem>>) semaphore(%arg17 : memref<!tpu.dma_semaphore, #tpu.memory_space<semaphore_mem>>)
      %get3A_278 = arith.constant 0 : i32
      %get3A_279 = arith.index_cast %get3A_278 : i32 to index
      %get3A_280 = arith.constant 0 : index
      %get3A_281 = tpu.vector_load %arg9[%get3A_279, %get3A_280] {strides = array<i32>} : memref<2x128xi32, #tpu.memory_space<vmem>>, vector<16xi32>,
      %broadcast_in_dim3A_282 = arith.constant 1.000000e+00 : f32
      %broadcast_in_dim3A_283 = vector.broadcast %broadcast_in_dim3A_282 : f32 to vector<16xf32>
      tpu.vector_store_idx %arg14[%get3A_281], %broadcast_in_dim3A_283 {add = true} : memref<10240xf32, #tpu.memory_space<vmem>>[vector<16xi32>], vector<16xf32>,
      %get3A_284 = arith.constant 0 : i32
      %get3A_285 = arith.index_cast %get3A_284 : i32 to index
      %get3A_286 = arith.constant 16 : index
      %get3A_287 = tpu.vector_load %arg9[%get3A_285, %get3A_286] {strides = array<i32>} : memref<2x128xi32, #tpu.memory_space<vmem>>, vector<16xi32>,
      %broadcast_in_dim3A_288 = arith.constant 1.000000e+00 : f32
      %broadcast_in_dim3A_289 = vector.broadcast %broadcast_in_dim3A_288 : f32 to vector<16xf32>
      tpu.vector_store_idx %arg14[%get3A_287], %broadcast_in_dim3A_289 {add = true} : memref<10240xf32, #tpu.memory_space<vmem>>[vector<16xi32>], vector<16xf32>,
      %get3A_290 = arith.constant 0 : i32
      %get3A_291 = arith.index_cast %get3A_290 : i32 to index
      %get3A_292 = arith.constant 32 : index
      %get3A_293 = tpu.vector_load %arg9[%get3A_291, %get3A_292] {strides = array<i32>} : memref<2x128xi32, #tpu.memory_space<vmem>>, vector<16xi32>,
      %broadcast_in_dim3A_294 = arith.constant 1.000000e+00 : f32
      %broadcast_in_dim3A_295 = vector.broadcast %broadcast_in_dim3A_294 : f32 to vector<16xf32>
      tpu.vector_store_idx %arg14[%get3A_293], %broadcast_in_dim3A_295 {add = true} : memref<10240xf32, #tpu.memory_space<vmem>>[vector<16xi32>], vector<16xf32>,
      %get3A_296 = arith.constant 0 : i32
      %get3A_297 = arith.index_cast %get3A_296 : i32 to index
      %get3A_298 = arith.constant 48 : index
      %get3A_299 = tpu.vector_load %arg9[%get3A_297, %get3A_298] {strides = array<i32>} : memref<2x128xi32, #tpu.memory_space<vmem>>, vector<16xi32>,
      %broadcast_in_dim3A_300 = arith.constant 1.000000e+00 : f32
      %broadcast_in_dim3A_301 = vector.broadcast %broadcast_in_dim3A_300 : f32 to vector<16xf32>
      tpu.vector_store_idx %arg14[%get3A_299], %broadcast_in_dim3A_301 {add = true} : memref<10240xf32, #tpu.memory_space<vmem>>[vector<16xi32>], vector<16xf32>,
      %get3A_302 = arith.constant 0 : i32
      %get3A_303 = arith.index_cast %get3A_302 : i32 to index
      %get3A_304 = arith.constant 64 : index
      %get3A_305 = tpu.vector_load %arg9[%get3A_303, %get3A_304] {strides = array<i32>} : memref<2x128xi32, #tpu.memory_space<vmem>>, vector<16xi32>,
      %broadcast_in_dim3A_306 = arith.constant 1.000000e+00 : f32
      %broadcast_in_dim3A_307 = vector.broadcast %broadcast_in_dim3A_306 : f32 to vector<16xf32>
      tpu.vector_store_idx %arg14[%get3A_305], %broadcast_in_dim3A_307 {add = true} : memref<10240xf32, #tpu.memory_space<vmem>>[vector<16xi32>], vector<16xf32>,
      %get3A_308 = arith.constant 0 : i32
      %get3A_309 = arith.index_cast %get3A_308 : i32 to index
      %get3A_310 = arith.constant 80 : index
      %get3A_311 = tpu.vector_load %arg9[%get3A_309, %get3A_310] {strides = array<i32>} : memref<2x128xi32, #tpu.memory_space<vmem>>, vector<16xi32>,
      %broadcast_in_dim3A_312 = arith.constant 1.000000e+00 : f32
      %broadcast_in_dim3A_313 = vector.broadcast %broadcast_in_dim3A_312 : f32 to vector<16xf32>
      tpu.vector_store_idx %arg14[%get3A_311], %broadcast_in_dim3A_313 {add = true} : memref<10240xf32, #tpu.memory_space<vmem>>[vector<16xi32>], vector<16xf32>,
      %get3A_314 = arith.constant 0 : i32
      %get3A_315 = arith.index_cast %get3A_314 : i32 to index
      %get3A_316 = arith.constant 96 : index
      %get3A_317 = tpu.vector_load %arg9[%get3A_315, %get3A_316] {strides = array<i32>} : memref<2x128xi32, #tpu.memory_space<vmem>>, vector<16xi32>,
      %broadcast_in_dim3A_318 = arith.constant 1.000000e+00 : f32
      %broadcast_in_dim3A_319 = vector.broadcast %broadcast_in_dim3A_318 : f32 to vector<16xf32>
      tpu.vector_store_idx %arg14[%get3A_317], %broadcast_in_dim3A_319 {add = true} : memref<10240xf32, #tpu.memory_space<vmem>>[vector<16xi32>], vector<16xf32>,
      %get3A_320 = arith.constant 0 : i32
      %get3A_321 = arith.index_cast %get3A_320 : i32 to index
      %get3A_322 = arith.constant 112 : index
      %get3A_323 = tpu.vector_load %arg9[%get3A_321, %get3A_322] {strides = array<i32>} : memref<2x128xi32, #tpu.memory_space<vmem>>, vector<16xi32>,
      %broadcast_in_dim3A_324 = arith.constant 1.000000e+00 : f32
      %broadcast_in_dim3A_325 = vector.broadcast %broadcast_in_dim3A_324 : f32 to vector<16xf32>
      tpu.vector_store_idx %arg14[%get3A_323], %broadcast_in_dim3A_325 {add = true} : memref<10240xf32, #tpu.memory_space<vmem>>[vector<16xi32>], vector<16xf32>,
      %dma_wait3A_326 = arith.constant 0 : i32
      %dma_wait3A_327 = arith.constant 0 : i32
      %dma_wait3A_328 = tpu.memref_slice %arg2[%dma_wait3A_326, %dma_wait3A_327] : memref<10000x128xf32, #tpu.memory_space<hbm>> -> memref<128x128xf32, #tpu.memory_space<hbm>>
      %dma_wait3A_329 = arith.constant 0 : i32
      %dma_wait3A_330 = arith.constant 0 : i32
      %dma_wait3A_331 = tpu.memref_slice %arg2[%dma_wait3A_329, %dma_wait3A_330] : memref<10000x128xf32, #tpu.memory_space<hbm>> -> memref<128x128xf32, #tpu.memory_space<hbm>>
      tpu.wait_dma2 semaphore(%arg16 : memref<!tpu.dma_semaphore, #tpu.memory_space<semaphore_mem>>) src(%dma_wait3A_331 : memref<128x128xf32, #tpu.memory_space<hbm>>) dst(%arg12 : memref<128x128xf32, #tpu.memory_space<vmem>>)
      %run_scoped3A_332 = arith.constant 0 : i32
      "tpu.region"() ({
        %run_scoped3A_463 = tpu.sem_alloc : memref<!tpu.dma_semaphore, #tpu.memory_space<semaphore_mem>>
        %dma_start3A_464 = arith.constant 0 : i32
        %dma_start3A_465 = tpu.memref_slice %arg9[%run_scoped3A_332, %dma_start3A_464] : memref<2x128xi32, #tpu.memory_space<vmem>> -> memref<1x128xi32, #tpu.memory_space<vmem>>
        %dma_start3A_466 = tpu.memref_squeeze %dma_start3A_465 : memref<1x128xi32, #tpu.memory_space<vmem>> -> memref<128xi32, #tpu.memory_space<vmem>>
        %dma_start3A_467 = arith.constant 0 : i32
        %dma_start3A_468 = arith.constant 0 : i32
        %dma_start3A_469 = tpu.memref_slice %arg15[%dma_start3A_467, %dma_start3A_468] : memref<10000x128xf32, #tpu.memory_space<vmem_shared>> -> memref<10000x128xf32, #tpu.memory_space<vmem_shared>>
        tpu.enqueue_indirect_dma source(%arg12 : memref<128x128xf32, #tpu.memory_space<vmem>>) target(%dma_start3A_469 : memref<10000x128xf32, #tpu.memory_space<vmem_shared>>) offsets(%dma_start3A_466 : memref<128xi32, #tpu.memory_space<vmem>>) semaphore(%run_scoped3A_463 : memref<!tpu.dma_semaphore, #tpu.memory_space<semaphore_mem>>) {add = true}
        %dma_wait3A_470 = arith.constant 0 : i32
        %dma_wait3A_471 = tpu.memref_slice %arg9[%run_scoped3A_332, %dma_wait3A_470] : memref<2x128xi32, #tpu.memory_space<vmem>> -> memref<1x128xi32, #tpu.memory_space<vmem>>
        %dma_wait3A_472 = tpu.memref_squeeze %dma_wait3A_471 : memref<1x128xi32, #tpu.memory_space<vmem>> -> memref<128xi32, #tpu.memory_space<vmem>>
        %dma_wait3A_473 = arith.constant 0 : i32
        %dma_wait3A_474 = arith.constant 0 : i32
        %dma_wait3A_475 = tpu.memref_slice %arg15[%dma_wait3A_473, %dma_wait3A_474] : memref<10000x128xf32, #tpu.memory_space<vmem_shared>> -> memref<10000x128xf32, #tpu.memory_space<vmem_shared>>
        tpu.wait_indirect_dma semaphore(%run_scoped3A_463 : memref<!tpu.dma_semaphore, #tpu.memory_space<semaphore_mem>>) src(%arg12 : memref<128x128xf32, #tpu.memory_space<vmem>>) dst(%dma_wait3A_475 : memref<10000x128xf32, #tpu.memory_space<vmem_shared>>)
        tpu.yield
      }) : () -> ()
      %add3A_333 = arith.constant 2 : i32
      %add3A_334 = arith.addi %mul3A_248, %add3A_333 : i32
      %mul3A_335 = arith.constant 128 : i32
      %mul3A_336 = arith.muli %add3A_334, %mul3A_335 : i32
      %add3A_337 = arith.addi %mul3A_2, %mul3A_336 : i32
      %dma_start3A_338 = arith.constant 0 : i32
      %dma_start3A_339 = arith.constant 0 : i32
      %dma_start3A_340 = tpu.memref_slice %arg8[%dma_start3A_338, %dma_start3A_339] : memref<2x128xi32, #tpu.memory_space<vmem>> -> memref<1x128xi32, #tpu.memory_space<vmem>>
      %dma_start3A_341 = tpu.memref_squeeze %dma_start3A_340 : memref<1x128xi32, #tpu.memory_space<vmem>> -> memref<128xi32, #tpu.memory_space<vmem>>
      %dma_start3A_342 = tpu.memref_slice %arg3[%add3A_337] : memref<320000xi32, #tpu.memory_space<hbm>> -> memref<128xi32, #tpu.memory_space<hbm>>
      %dma_start3A_343 = arith.constant 0 : i32
      %dma_start3A_344 = tpu.memref_slice %arg8[%dma_start3A_338, %dma_start3A_343] : memref<2x128xi32, #tpu.memory_space<vmem>> -> memref<1x128xi32, #tpu.memory_space<vmem>>
      %dma_start3A_345 = tpu.memref_squeeze %dma_start3A_344 : memref<1x128xi32, #tpu.memory_space<vmem>> -> memref<128xi32, #tpu.memory_space<vmem>>
      %dma_start3A_346 = tpu.memref_slice %arg3[%add3A_337] : memref<320000xi32, #tpu.memory_space<hbm>> -> memref<128xi32, #tpu.memory_space<hbm>>
      tpu.enqueue_dma source(%dma_start3A_346 : memref<128xi32, #tpu.memory_space<hbm>>) target(%dma_start3A_345 : memref<128xi32, #tpu.memory_space<vmem>>) target_semaphore(%arg18 : memref<!tpu.dma_semaphore, #tpu.memory_space<semaphore_mem>>)
      %dma_start3A_347 = arith.constant 0 : i32
      %dma_start3A_348 = arith.constant 0 : i32
      %dma_start3A_349 = tpu.memref_slice %arg9[%dma_start3A_347, %dma_start3A_348] : memref<2x128xi32, #tpu.memory_space<vmem>> -> memref<1x128xi32, #tpu.memory_space<vmem>>
      %dma_start3A_350 = tpu.memref_squeeze %dma_start3A_349 : memref<1x128xi32, #tpu.memory_space<vmem>> -> memref<128xi32, #tpu.memory_space<vmem>>
      %dma_start3A_351 = tpu.memref_slice %arg4[%add3A_337] : memref<320000xi32, #tpu.memory_space<hbm>> -> memref<128xi32, #tpu.memory_space<hbm>>
      %dma_start3A_352 = arith.constant 0 : i32
      %dma_start3A_353 = tpu.memref_slice %arg9[%dma_start3A_347, %dma_start3A_352] : memref<2x128xi32, #tpu.memory_space<vmem>> -> memref<1x128xi32, #tpu.memory_space<vmem>>
      %dma_start3A_354 = tpu.memref_squeeze %dma_start3A_353 : memref<1x128xi32, #tpu.memory_space<vmem>> -> memref<128xi32, #tpu.memory_space<vmem>>
      %dma_start3A_355 = tpu.memref_slice %arg4[%add3A_337] : memref<320000xi32, #tpu.memory_space<hbm>> -> memref<128xi32, #tpu.memory_space<hbm>>
      tpu.enqueue_dma source(%dma_start3A_355 : memref<128xi32, #tpu.memory_space<hbm>>) target(%dma_start3A_354 : memref<128xi32, #tpu.memory_space<vmem>>) target_semaphore(%arg18 : memref<!tpu.dma_semaphore, #tpu.memory_space<semaphore_mem>>)
      %dma_wait3A_356 = arith.constant 0 : i32
      %dma_wait3A_357 = arith.constant 0 : i32
      %dma_wait3A_358 = tpu.memref_slice %arg8[%dma_wait3A_356, %dma_wait3A_357] : memref<2x128xi32, #tpu.memory_space<vmem>> -> memref<1x128xi32, #tpu.memory_space<vmem>>
      %dma_wait3A_359 = tpu.memref_squeeze %dma_wait3A_358 : memref<1x128xi32, #tpu.memory_space<vmem>> -> memref<128xi32, #tpu.memory_space<vmem>>
      %dma_wait3A_360 = arith.constant 0 : i32
      %dma_wait3A_361 = tpu.memref_slice %arg3[%dma_wait3A_360] : memref<320000xi32, #tpu.memory_space<hbm>> -> memref<128xi32, #tpu.memory_space<hbm>>
      %dma_wait3A_362 = arith.constant 0 : i32
      %dma_wait3A_363 = tpu.memref_slice %arg8[%dma_wait3A_356, %dma_wait3A_362] : memref<2x128xi32, #tpu.memory_space<vmem>> -> memref<1x128xi32, #tpu.memory_space<vmem>>
      %dma_wait3A_364 = tpu.memref_squeeze %dma_wait3A_363 : memref<1x128xi32, #tpu.memory_space<vmem>> -> memref<128xi32, #tpu.memory_space<vmem>>
      %dma_wait3A_365 = arith.constant 0 : i32
      %dma_wait3A_366 = tpu.memref_slice %arg3[%dma_wait3A_365] : memref<320000xi32, #tpu.memory_space<hbm>> -> memref<128xi32, #tpu.memory_space<hbm>>
      tpu.wait_dma2 semaphore(%arg18 : memref<!tpu.dma_semaphore, #tpu.memory_space<semaphore_mem>>) src(%dma_wait3A_366 : memref<128xi32, #tpu.memory_space<hbm>>) dst(%dma_wait3A_364 : memref<128xi32, #tpu.memory_space<vmem>>)
      %dma_wait3A_367 = arith.constant 0 : i32
      %dma_wait3A_368 = arith.constant 0 : i32
      %dma_wait3A_369 = tpu.memref_slice %arg9[%dma_wait3A_367, %dma_wait3A_368] : memref<2x128xi32, #tpu.memory_space<vmem>> -> memref<1x128xi32, #tpu.memory_space<vmem>>
      %dma_wait3A_370 = tpu.memref_squeeze %dma_wait3A_369 : memref<1x128xi32, #tpu.memory_space<vmem>> -> memref<128xi32, #tpu.memory_space<vmem>>
      %dma_wait3A_371 = arith.constant 0 : i32
      %dma_wait3A_372 = tpu.memref_slice %arg3[%dma_wait3A_371] : memref<320000xi32, #tpu.memory_space<hbm>> -> memref<128xi32, #tpu.memory_space<hbm>>
      %dma_wait3A_373 = arith.constant 0 : i32
      %dma_wait3A_374 = tpu.memref_slice %arg9[%dma_wait3A_367, %dma_wait3A_373] : memref<2x128xi32, #tpu.memory_space<vmem>> -> memref<1x128xi32, #tpu.memory_space<vmem>>
      %dma_wait3A_375 = tpu.memref_squeeze %dma_wait3A_374 : memref<1x128xi32, #tpu.memory_space<vmem>> -> memref<128xi32, #tpu.memory_space<vmem>>
      %dma_wait3A_376 = arith.constant 0 : i32
      %dma_wait3A_377 = tpu.memref_slice %arg3[%dma_wait3A_376] : memref<320000xi32, #tpu.memory_space<hbm>> -> memref<128xi32, #tpu.memory_space<hbm>>
      tpu.wait_dma2 semaphore(%arg18 : memref<!tpu.dma_semaphore, #tpu.memory_space<semaphore_mem>>) src(%dma_wait3A_377 : memref<128xi32, #tpu.memory_space<hbm>>) dst(%dma_wait3A_375 : memref<128xi32, #tpu.memory_space<vmem>>)
      %dma_start3A_378 = arith.constant 0 : i32
      %dma_start3A_379 = arith.constant 0 : i32
      %dma_start3A_380 = tpu.memref_slice %arg8[%dma_start3A_378, %dma_start3A_379] : memref<2x128xi32, #tpu.memory_space<vmem>> -> memref<1x128xi32, #tpu.memory_space<vmem>>
      %dma_start3A_381 = tpu.memref_squeeze %dma_start3A_380 : memref<1x128xi32, #tpu.memory_space<vmem>> -> memref<128xi32, #tpu.memory_space<vmem>>
      %dma_start3A_382 = arith.constant 0 : i32
      %dma_start3A_383 = arith.constant 0 : i32
      %dma_start3A_384 = tpu.memref_slice %arg2[%dma_start3A_382, %dma_start3A_383] : memref<10000x128xf32, #tpu.memory_space<hbm>> -> memref<10000x128xf32, #tpu.memory_space<hbm>>
      tpu.enqueue_indirect_dma source(%dma_start3A_384 : memref<10000x128xf32, #tpu.memory_space<hbm>>) target(%arg12 : memref<128x128xf32, #tpu.memory_space<vmem>>) offsets(%dma_start3A_381 : memref<128xi32, #tpu.memory_space<vmem>>) semaphore(%arg16 : memref<!tpu.dma_semaphore, #tpu.memory_space<semaphore_mem>>)
      %get3A_385 = arith.constant 1 : i32
      %get3A_386 = arith.index_cast %get3A_385 : i32 to index
      %get3A_387 = arith.constant 0 : index
      %get3A_388 = tpu.vector_load %arg9[%get3A_386, %get3A_387] {strides = array<i32>} : memref<2x128xi32, #tpu.memory_space<vmem>>, vector<16xi32>,
      %broadcast_in_dim3A_389 = arith.constant 1.000000e+00 : f32
      %broadcast_in_dim3A_390 = vector.broadcast %broadcast_in_dim3A_389 : f32 to vector<16xf32>
      tpu.vector_store_idx %arg14[%get3A_388], %broadcast_in_dim3A_390 {add = true} : memref<10240xf32, #tpu.memory_space<vmem>>[vector<16xi32>], vector<16xf32>,
      %get3A_391 = arith.constant 1 : i32
      %get3A_392 = arith.index_cast %get3A_391 : i32 to index
      %get3A_393 = arith.constant 16 : index
      %get3A_394 = tpu.vector_load %arg9[%get3A_392, %get3A_393] {strides = array<i32>} : memref<2x128xi32, #tpu.memory_space<vmem>>, vector<16xi32>,
      %broadcast_in_dim3A_395 = arith.constant 1.000000e+00 : f32
      %broadcast_in_dim3A_396 = vector.broadcast %broadcast_in_dim3A_395 : f32 to vector<16xf32>
      tpu.vector_store_idx %arg14[%get3A_394], %broadcast_in_dim3A_396 {add = true} : memref<10240xf32, #tpu.memory_space<vmem>>[vector<16xi32>], vector<16xf32>,
      %get3A_397 = arith.constant 1 : i32
      %get3A_398 = arith.index_cast %get3A_397 : i32 to index
      %get3A_399 = arith.constant 32 : index
      %get3A_400 = tpu.vector_load %arg9[%get3A_398, %get3A_399] {strides = array<i32>} : memref<2x128xi32, #tpu.memory_space<vmem>>, vector<16xi32>,
      %broadcast_in_dim3A_401 = arith.constant 1.000000e+00 : f32
      %broadcast_in_dim3A_402 = vector.broadcast %broadcast_in_dim3A_401 : f32 to vector<16xf32>
      tpu.vector_store_idx %arg14[%get3A_400], %broadcast_in_dim3A_402 {add = true} : memref<10240xf32, #tpu.memory_space<vmem>>[vector<16xi32>], vector<16xf32>,
      %get3A_403 = arith.constant 1 : i32
      %get3A_404 = arith.index_cast %get3A_403 : i32 to index
      %get3A_405 = arith.constant 48 : index
      %get3A_406 = tpu.vector_load %arg9[%get3A_404, %get3A_405] {strides = array<i32>} : memref<2x128xi32, #tpu.memory_space<vmem>>, vector<16xi32>,
      %broadcast_in_dim3A_407 = arith.constant 1.000000e+00 : f32
      %broadcast_in_dim3A_408 = vector.broadcast %broadcast_in_dim3A_407 : f32 to vector<16xf32>
      tpu.vector_store_idx %arg14[%get3A_406], %broadcast_in_dim3A_408 {add = true} : memref<10240xf32, #tpu.memory_space<vmem>>[vector<16xi32>], vector<16xf32>,
      %get3A_409 = arith.constant 1 : i32
      %get3A_410 = arith.index_cast %get3A_409 : i32 to index
      %get3A_411 = arith.constant 64 : index
      %get3A_412 = tpu.vector_load %arg9[%get3A_410, %get3A_411] {strides = array<i32>} : memref<2x128xi32, #tpu.memory_space<vmem>>, vector<16xi32>,
      %broadcast_in_dim3A_413 = arith.constant 1.000000e+00 : f32
      %broadcast_in_dim3A_414 = vector.broadcast %broadcast_in_dim3A_413 : f32 to vector<16xf32>
      tpu.vector_store_idx %arg14[%get3A_412], %broadcast_in_dim3A_414 {add = true} : memref<10240xf32, #tpu.memory_space<vmem>>[vector<16xi32>], vector<16xf32>,
      %get3A_415 = arith.constant 1 : i32
      %get3A_416 = arith.index_cast %get3A_415 : i32 to index
      %get3A_417 = arith.constant 80 : index
      %get3A_418 = tpu.vector_load %arg9[%get3A_416, %get3A_417] {strides = array<i32>} : memref<2x128xi32, #tpu.memory_space<vmem>>, vector<16xi32>,
      %broadcast_in_dim3A_419 = arith.constant 1.000000e+00 : f32
      %broadcast_in_dim3A_420 = vector.broadcast %broadcast_in_dim3A_419 : f32 to vector<16xf32>
      tpu.vector_store_idx %arg14[%get3A_418], %broadcast_in_dim3A_420 {add = true} : memref<10240xf32, #tpu.memory_space<vmem>>[vector<16xi32>], vector<16xf32>,
      %get3A_421 = arith.constant 1 : i32
      %get3A_422 = arith.index_cast %get3A_421 : i32 to index
      %get3A_423 = arith.constant 96 : index
      %get3A_424 = tpu.vector_load %arg9[%get3A_422, %get3A_423] {strides = array<i32>} : memref<2x128xi32, #tpu.memory_space<vmem>>, vector<16xi32>,
      %broadcast_in_dim3A_425 = arith.constant 1.000000e+00 : f32
      %broadcast_in_dim3A_426 = vector.broadcast %broadcast_in_dim3A_425 : f32 to vector<16xf32>
      tpu.vector_store_idx %arg14[%get3A_424], %broadcast_in_dim3A_426 {add = true} : memref<10240xf32, #tpu.memory_space<vmem>>[vector<16xi32>], vector<16xf32>,
      %get3A_427 = arith.constant 1 : i32
      %get3A_428 = arith.index_cast %get3A_427 : i32 to index
      %get3A_429 = arith.constant 112 : index
      %get3A_430 = tpu.vector_load %arg9[%get3A_428, %get3A_429] {strides = array<i32>} : memref<2x128xi32, #tpu.memory_space<vmem>>, vector<16xi32>,
      %broadcast_in_dim3A_431 = arith.constant 1.000000e+00 : f32
      %broadcast_in_dim3A_432 = vector.broadcast %broadcast_in_dim3A_431 : f32 to vector<16xf32>
      tpu.vector_store_idx %arg14[%get3A_430], %broadcast_in_dim3A_432 {add = true} : memref<10240xf32, #tpu.memory_space<vmem>>[vector<16xi32>], vector<16xf32>,
      %dma_wait3A_433 = arith.constant 0 : i32
      %dma_wait3A_434 = arith.constant 0 : i32
      %dma_wait3A_435 = tpu.memref_slice %arg2[%dma_wait3A_433, %dma_wait3A_434] : memref<10000x128xf32, #tpu.memory_space<hbm>> -> memref<128x128xf32, #tpu.memory_space<hbm>>
      %dma_wait3A_436 = arith.constant 0 : i32
      %dma_wait3A_437 = arith.constant 0 : i32
      %dma_wait3A_438 = tpu.memref_slice %arg2[%dma_wait3A_436, %dma_wait3A_437] : memref<10000x128xf32, #tpu.memory_space<hbm>> -> memref<128x128xf32, #tpu.memory_space<hbm>>
      tpu.wait_dma2 semaphore(%arg17 : memref<!tpu.dma_semaphore, #tpu.memory_space<semaphore_mem>>) src(%dma_wait3A_438 : memref<128x128xf32, #tpu.memory_space<hbm>>) dst(%arg13 : memref<128x128xf32, #tpu.memory_space<vmem>>)
      %run_scoped3A_439 = arith.constant 1 : i32
      "tpu.region"() ({
        %run_scoped3A_463 = tpu.sem_alloc : memref<!tpu.dma_semaphore, #tpu.memory_space<semaphore_mem>>
        %dma_start3A_464 = arith.constant 0 : i32
        %dma_start3A_465 = tpu.memref_slice %arg9[%run_scoped3A_439, %dma_start3A_464] : memref<2x128xi32, #tpu.memory_space<vmem>> -> memref<1x128xi32, #tpu.memory_space<vmem>>
        %dma_start3A_466 = tpu.memref_squeeze %dma_start3A_465 : memref<1x128xi32, #tpu.memory_space<vmem>> -> memref<128xi32, #tpu.memory_space<vmem>>
        %dma_start3A_467 = arith.constant 0 : i32
        %dma_start3A_468 = arith.constant 0 : i32
        %dma_start3A_469 = tpu.memref_slice %arg15[%dma_start3A_467, %dma_start3A_468] : memref<10000x128xf32, #tpu.memory_space<vmem_shared>> -> memref<10000x128xf32, #tpu.memory_space<vmem_shared>>
        tpu.enqueue_indirect_dma source(%arg13 : memref<128x128xf32, #tpu.memory_space<vmem>>) target(%dma_start3A_469 : memref<10000x128xf32, #tpu.memory_space<vmem_shared>>) offsets(%dma_start3A_466 : memref<128xi32, #tpu.memory_space<vmem>>) semaphore(%run_scoped3A_463 : memref<!tpu.dma_semaphore, #tpu.memory_space<semaphore_mem>>) {add = true}
        %dma_wait3A_470 = arith.constant 0 : i32
        %dma_wait3A_471 = tpu.memref_slice %arg9[%run_scoped3A_439, %dma_wait3A_470] : memref<2x128xi32, #tpu.memory_space<vmem>> -> memref<1x128xi32, #tpu.memory_space<vmem>>
        %dma_wait3A_472 = tpu.memref_squeeze %dma_wait3A_471 : memref<1x128xi32, #tpu.memory_space<vmem>> -> memref<128xi32, #tpu.memory_space<vmem>>
        %dma_wait3A_473 = arith.constant 0 : i32
        %dma_wait3A_474 = arith.constant 0 : i32
        %dma_wait3A_475 = tpu.memref_slice %arg15[%dma_wait3A_473, %dma_wait3A_474] : memref<10000x128xf32, #tpu.memory_space<vmem_shared>> -> memref<10000x128xf32, #tpu.memory_space<vmem_shared>>
        tpu.wait_indirect_dma semaphore(%run_scoped3A_463 : memref<!tpu.dma_semaphore, #tpu.memory_space<semaphore_mem>>) src(%arg13 : memref<128x128xf32, #tpu.memory_space<vmem>>) dst(%dma_wait3A_475 : memref<10000x128xf32, #tpu.memory_space<vmem_shared>>)
        tpu.yield
      }) : () -> ()
      %add3A_440 = arith.constant 3 : i32
      %add3A_441 = arith.addi %mul3A_248, %add3A_440 : i32
      %mul3A_442 = arith.constant 128 : i32
      %mul3A_443 = arith.muli %add3A_441, %mul3A_442 : i32
      %add3A_444 = arith.addi %mul3A_2, %mul3A_443 : i32
      %dma_start3A_445 = arith.constant 1 : i32
      %dma_start3A_446 = arith.constant 0 : i32
      %dma_start3A_447 = tpu.memref_slice %arg8[%dma_start3A_445, %dma_start3A_446] : memref<2x128xi32, #tpu.memory_space<vmem>> -> memref<1x128xi32, #tpu.memory_space<vmem>>
      %dma_start3A_448 = tpu.memref_squeeze %dma_start3A_447 : memref<1x128xi32, #tpu.memory_space<vmem>> -> memref<128xi32, #tpu.memory_space<vmem>>
      %dma_start3A_449 = tpu.memref_slice %arg3[%add3A_444] : memref<320000xi32, #tpu.memory_space<hbm>> -> memref<128xi32, #tpu.memory_space<hbm>>
      %dma_start3A_450 = arith.constant 0 : i32
      %dma_start3A_451 = tpu.memref_slice %arg8[%dma_start3A_445, %dma_start3A_450] : memref<2x128xi32, #tpu.memory_space<vmem>> -> memref<1x128xi32, #tpu.memory_space<vmem>>
      %dma_start3A_452 = tpu.memref_squeeze %dma_start3A_451 : memref<1x128xi32, #tpu.memory_space<vmem>> -> memref<128xi32, #tpu.memory_space<vmem>>
      %dma_start3A_453 = tpu.memref_slice %arg3[%add3A_444] : memref<320000xi32, #tpu.memory_space<hbm>> -> memref<128xi32, #tpu.memory_space<hbm>>
      tpu.enqueue_dma source(%dma_start3A_453 : memref<128xi32, #tpu.memory_space<hbm>>) target(%dma_start3A_452 : memref<128xi32, #tpu.memory_space<vmem>>) target_semaphore(%arg19 : memref<!tpu.dma_semaphore, #tpu.memory_space<semaphore_mem>>)
      %dma_start3A_454 = arith.constant 1 : i32
      %dma_start3A_455 = arith.constant 0 : i32
      %dma_start3A_456 = tpu.memref_slice %arg9[%dma_start3A_454, %dma_start3A_455] : memref<2x128xi32, #tpu.memory_space<vmem>> -> memref<1x128xi32, #tpu.memory_space<vmem>>
      %dma_start3A_457 = tpu.memref_squeeze %dma_start3A_456 : memref<1x128xi32, #tpu.memory_space<vmem>> -> memref<128xi32, #tpu.memory_space<vmem>>
      %dma_start3A_458 = tpu.memref_slice %arg4[%add3A_444] : memref<320000xi32, #tpu.memory_space<hbm>> -> memref<128xi32, #tpu.memory_space<hbm>>
      %dma_start3A_459 = arith.constant 0 : i32
      %dma_start3A_460 = tpu.memref_slice %arg9[%dma_start3A_454, %dma_start3A_459] : memref<2x128xi32, #tpu.memory_space<vmem>> -> memref<1x128xi32, #tpu.memory_space<vmem>>
      %dma_start3A_461 = tpu.memref_squeeze %dma_start3A_460 : memref<1x128xi32, #tpu.memory_space<vmem>> -> memref<128xi32, #tpu.memory_space<vmem>>
      %dma_start3A_462 = tpu.memref_slice %arg4[%add3A_444] : memref<320000xi32, #tpu.memory_space<hbm>> -> memref<128xi32, #tpu.memory_space<hbm>>
      tpu.enqueue_dma source(%dma_start3A_462 : memref<128xi32, #tpu.memory_space<hbm>>) target(%dma_start3A_461 : memref<128xi32, #tpu.memory_space<vmem>>) target_semaphore(%arg19 : memref<!tpu.dma_semaphore, #tpu.memory_space<semaphore_mem>>)
    }
    %scan3A_55 = arith.constant 38 : i32
    %dma_wait3A = arith.constant 1 : i32
    %dma_wait3A_56 = arith.constant 0 : i32
    %dma_wait3A_57 = tpu.memref_slice %arg8[%dma_wait3A, %dma_wait3A_56] : memref<2x128xi32, #tpu.memory_space<vmem>> -> memref<1x128xi32, #tpu.memory_space<vmem>>
    %dma_wait3A_58 = tpu.memref_squeeze %dma_wait3A_57 : memref<1x128xi32, #tpu.memory_space<vmem>> -> memref<128xi32, #tpu.memory_space<vmem>>
    %dma_wait3A_59 = arith.constant 0 : i32
    %dma_wait3A_60 = tpu.memref_slice %arg3[%dma_wait3A_59] : memref<320000xi32, #tpu.memory_space<hbm>> -> memref<128xi32, #tpu.memory_space<hbm>>
    %dma_wait3A_61 = arith.constant 0 : i32
    %dma_wait3A_62 = tpu.memref_slice %arg8[%dma_wait3A, %dma_wait3A_61] : memref<2x128xi32, #tpu.memory_space<vmem>> -> memref<1x128xi32, #tpu.memory_space<vmem>>
    %dma_wait3A_63 = tpu.memref_squeeze %dma_wait3A_62 : memref<1x128xi32, #tpu.memory_space<vmem>> -> memref<128xi32, #tpu.memory_space<vmem>>
    %dma_wait3A_64 = arith.constant 0 : i32
    %dma_wait3A_65 = tpu.memref_slice %arg3[%dma_wait3A_64] : memref<320000xi32, #tpu.memory_space<hbm>> -> memref<128xi32, #tpu.memory_space<hbm>>
    tpu.wait_dma2 semaphore(%arg19 : memref<!tpu.dma_semaphore, #tpu.memory_space<semaphore_mem>>) src(%dma_wait3A_65 : memref<128xi32, #tpu.memory_space<hbm>>) dst(%dma_wait3A_63 : memref<128xi32, #tpu.memory_space<vmem>>)
    %dma_wait3A_66 = arith.constant 1 : i32
    %dma_wait3A_67 = arith.constant 0 : i32
    %dma_wait3A_68 = tpu.memref_slice %arg9[%dma_wait3A_66, %dma_wait3A_67] : memref<2x128xi32, #tpu.memory_space<vmem>> -> memref<1x128xi32, #tpu.memory_space<vmem>>
    %dma_wait3A_69 = tpu.memref_squeeze %dma_wait3A_68 : memref<1x128xi32, #tpu.memory_space<vmem>> -> memref<128xi32, #tpu.memory_space<vmem>>
    %dma_wait3A_70 = arith.constant 0 : i32
    %dma_wait3A_71 = tpu.memref_slice %arg3[%dma_wait3A_70] : memref<320000xi32, #tpu.memory_space<hbm>> -> memref<128xi32, #tpu.memory_space<hbm>>
    %dma_wait3A_72 = arith.constant 0 : i32
    %dma_wait3A_73 = tpu.memref_slice %arg9[%dma_wait3A_66, %dma_wait3A_72] : memref<2x128xi32, #tpu.memory_space<vmem>> -> memref<1x128xi32, #tpu.memory_space<vmem>>
    %dma_wait3A_74 = tpu.memref_squeeze %dma_wait3A_73 : memref<1x128xi32, #tpu.memory_space<vmem>> -> memref<128xi32, #tpu.memory_space<vmem>>
    %dma_wait3A_75 = arith.constant 0 : i32
    %dma_wait3A_76 = tpu.memref_slice %arg3[%dma_wait3A_75] : memref<320000xi32, #tpu.memory_space<hbm>> -> memref<128xi32, #tpu.memory_space<hbm>>
    tpu.wait_dma2 semaphore(%arg19 : memref<!tpu.dma_semaphore, #tpu.memory_space<semaphore_mem>>) src(%dma_wait3A_76 : memref<128xi32, #tpu.memory_space<hbm>>) dst(%dma_wait3A_74 : memref<128xi32, #tpu.memory_space<vmem>>)
    %dma_start3A_77 = arith.constant 1 : i32
    %dma_start3A_78 = arith.constant 0 : i32
    %dma_start3A_79 = tpu.memref_slice %arg8[%dma_start3A_77, %dma_start3A_78] : memref<2x128xi32, #tpu.memory_space<vmem>> -> memref<1x128xi32, #tpu.memory_space<vmem>>
    %dma_start3A_80 = tpu.memref_squeeze %dma_start3A_79 : memref<1x128xi32, #tpu.memory_space<vmem>> -> memref<128xi32, #tpu.memory_space<vmem>>
    %dma_start3A_81 = arith.constant 0 : i32
    %dma_start3A_82 = arith.constant 0 : i32
    %dma_start3A_83 = tpu.memref_slice %arg2[%dma_start3A_81, %dma_start3A_82] : memref<10000x128xf32, #tpu.memory_space<hbm>> -> memref<10000x128xf32, #tpu.memory_space<hbm>>
    tpu.enqueue_indirect_dma source(%dma_start3A_83 : memref<10000x128xf32, #tpu.memory_space<hbm>>) target(%arg13 : memref<128x128xf32, #tpu.memory_space<vmem>>) offsets(%dma_start3A_80 : memref<128xi32, #tpu.memory_space<vmem>>) semaphore(%arg17 : memref<!tpu.dma_semaphore, #tpu.memory_space<semaphore_mem>>)
    %get3A = arith.constant 0 : i32
    %get3A_84 = arith.index_cast %get3A : i32 to index
    %get3A_85 = arith.constant 0 : index
    %get3A_86 = tpu.vector_load %arg9[%get3A_84, %get3A_85] {strides = array<i32>} : memref<2x128xi32, #tpu.memory_space<vmem>>, vector<16xi32>,
    %broadcast_in_dim3A = arith.constant 1.000000e+00 : f32
    %broadcast_in_dim3A_87 = vector.broadcast %broadcast_in_dim3A : f32 to vector<16xf32>
    tpu.vector_store_idx %arg14[%get3A_86], %broadcast_in_dim3A_87 {add = true} : memref<10240xf32, #tpu.memory_space<vmem>>[vector<16xi32>], vector<16xf32>,
    %get3A_88 = arith.constant 0 : i32
    %get3A_89 = arith.index_cast %get3A_88 : i32 to index
    %get3A_90 = arith.constant 16 : index
    %get3A_91 = tpu.vector_load %arg9[%get3A_89, %get3A_90] {strides = array<i32>} : memref<2x128xi32, #tpu.memory_space<vmem>>, vector<16xi32>,
    %broadcast_in_dim3A_92 = arith.constant 1.000000e+00 : f32
    %broadcast_in_dim3A_93 = vector.broadcast %broadcast_in_dim3A_92 : f32 to vector<16xf32>
    tpu.vector_store_idx %arg14[%get3A_91], %broadcast_in_dim3A_93 {add = true} : memref<10240xf32, #tpu.memory_space<vmem>>[vector<16xi32>], vector<16xf32>,
    %get3A_94 = arith.constant 0 : i32
    %get3A_95 = arith.index_cast %get3A_94 : i32 to index
    %get3A_96 = arith.constant 32 : index
    %get3A_97 = tpu.vector_load %arg9[%get3A_95, %get3A_96] {strides = array<i32>} : memref<2x128xi32, #tpu.memory_space<vmem>>, vector<16xi32>,
    %broadcast_in_dim3A_98 = arith.constant 1.000000e+00 : f32
    %broadcast_in_dim3A_99 = vector.broadcast %broadcast_in_dim3A_98 : f32 to vector<16xf32>
    tpu.vector_store_idx %arg14[%get3A_97], %broadcast_in_dim3A_99 {add = true} : memref<10240xf32, #tpu.memory_space<vmem>>[vector<16xi32>], vector<16xf32>,
    %get3A_100 = arith.constant 0 : i32
    %get3A_101 = arith.index_cast %get3A_100 : i32 to index
    %get3A_102 = arith.constant 48 : index
    %get3A_103 = tpu.vector_load %arg9[%get3A_101, %get3A_102] {strides = array<i32>} : memref<2x128xi32, #tpu.memory_space<vmem>>, vector<16xi32>,
    %broadcast_in_dim3A_104 = arith.constant 1.000000e+00 : f32
    %broadcast_in_dim3A_105 = vector.broadcast %broadcast_in_dim3A_104 : f32 to vector<16xf32>
    tpu.vector_store_idx %arg14[%get3A_103], %broadcast_in_dim3A_105 {add = true} : memref<10240xf32, #tpu.memory_space<vmem>>[vector<16xi32>], vector<16xf32>,
    %get3A_106 = arith.constant 0 : i32
    %get3A_107 = arith.index_cast %get3A_106 : i32 to index
    %get3A_108 = arith.constant 64 : index
    %get3A_109 = tpu.vector_load %arg9[%get3A_107, %get3A_108] {strides = array<i32>} : memref<2x128xi32, #tpu.memory_space<vmem>>, vector<16xi32>,
    %broadcast_in_dim3A_110 = arith.constant 1.000000e+00 : f32
    %broadcast_in_dim3A_111 = vector.broadcast %broadcast_in_dim3A_110 : f32 to vector<16xf32>
    tpu.vector_store_idx %arg14[%get3A_109], %broadcast_in_dim3A_111 {add = true} : memref<10240xf32, #tpu.memory_space<vmem>>[vector<16xi32>], vector<16xf32>,
    %get3A_112 = arith.constant 0 : i32
    %get3A_113 = arith.index_cast %get3A_112 : i32 to index
    %get3A_114 = arith.constant 80 : index
    %get3A_115 = tpu.vector_load %arg9[%get3A_113, %get3A_114] {strides = array<i32>} : memref<2x128xi32, #tpu.memory_space<vmem>>, vector<16xi32>,
    %broadcast_in_dim3A_116 = arith.constant 1.000000e+00 : f32
    %broadcast_in_dim3A_117 = vector.broadcast %broadcast_in_dim3A_116 : f32 to vector<16xf32>
    tpu.vector_store_idx %arg14[%get3A_115], %broadcast_in_dim3A_117 {add = true} : memref<10240xf32, #tpu.memory_space<vmem>>[vector<16xi32>], vector<16xf32>,
    %get3A_118 = arith.constant 0 : i32
    %get3A_119 = arith.index_cast %get3A_118 : i32 to index
    %get3A_120 = arith.constant 96 : index
    %get3A_121 = tpu.vector_load %arg9[%get3A_119, %get3A_120] {strides = array<i32>} : memref<2x128xi32, #tpu.memory_space<vmem>>, vector<16xi32>,
    %broadcast_in_dim3A_122 = arith.constant 1.000000e+00 : f32
    %broadcast_in_dim3A_123 = vector.broadcast %broadcast_in_dim3A_122 : f32 to vector<16xf32>
    tpu.vector_store_idx %arg14[%get3A_121], %broadcast_in_dim3A_123 {add = true} : memref<10240xf32, #tpu.memory_space<vmem>>[vector<16xi32>], vector<16xf32>,
    %get3A_124 = arith.constant 0 : i32
    %get3A_125 = arith.index_cast %get3A_124 : i32 to index
    %get3A_126 = arith.constant 112 : index
    %get3A_127 = tpu.vector_load %arg9[%get3A_125, %get3A_126] {strides = array<i32>} : memref<2x128xi32, #tpu.memory_space<vmem>>, vector<16xi32>,
    %broadcast_in_dim3A_128 = arith.constant 1.000000e+00 : f32
    %broadcast_in_dim3A_129 = vector.broadcast %broadcast_in_dim3A_128 : f32 to vector<16xf32>
    tpu.vector_store_idx %arg14[%get3A_127], %broadcast_in_dim3A_129 {add = true} : memref<10240xf32, #tpu.memory_space<vmem>>[vector<16xi32>], vector<16xf32>,
    %dma_wait3A_130 = arith.constant 0 : i32
    %dma_wait3A_131 = arith.constant 0 : i32
    %dma_wait3A_132 = tpu.memref_slice %arg2[%dma_wait3A_130, %dma_wait3A_131] : memref<10000x128xf32, #tpu.memory_space<hbm>> -> memref<128x128xf32, #tpu.memory_space<hbm>>
    %dma_wait3A_133 = arith.constant 0 : i32
    %dma_wait3A_134 = arith.constant 0 : i32
    %dma_wait3A_135 = tpu.memref_slice %arg2[%dma_wait3A_133, %dma_wait3A_134] : memref<10000x128xf32, #tpu.memory_space<hbm>> -> memref<128x128xf32, #tpu.memory_space<hbm>>
    tpu.wait_dma2 semaphore(%arg16 : memref<!tpu.dma_semaphore, #tpu.memory_space<semaphore_mem>>) src(%dma_wait3A_135 : memref<128x128xf32, #tpu.memory_space<hbm>>) dst(%arg12 : memref<128x128xf32, #tpu.memory_space<vmem>>)
    %run_scoped3A_136 = arith.constant 0 : i32
    "tpu.region"() ({
      %run_scoped3A_242 = tpu.sem_alloc : memref<!tpu.dma_semaphore, #tpu.memory_space<semaphore_mem>>
      %dma_start3A_243 = arith.constant 0 : i32
      %dma_start3A_244 = tpu.memref_slice %arg9[%run_scoped3A_136, %dma_start3A_243] : memref<2x128xi32, #tpu.memory_space<vmem>> -> memref<1x128xi32, #tpu.memory_space<vmem>>
      %dma_start3A_245 = tpu.memref_squeeze %dma_start3A_244 : memref<1x128xi32, #tpu.memory_space<vmem>> -> memref<128xi32, #tpu.memory_space<vmem>>
      %dma_start3A_246 = arith.constant 0 : i32
      %dma_start3A_247 = arith.constant 0 : i32
      %dma_start3A_248 = tpu.memref_slice %arg15[%dma_start3A_246, %dma_start3A_247] : memref<10000x128xf32, #tpu.memory_space<vmem_shared>> -> memref<10000x128xf32, #tpu.memory_space<vmem_shared>>
      tpu.enqueue_indirect_dma source(%arg12 : memref<128x128xf32, #tpu.memory_space<vmem>>) target(%dma_start3A_248 : memref<10000x128xf32, #tpu.memory_space<vmem_shared>>) offsets(%dma_start3A_245 : memref<128xi32, #tpu.memory_space<vmem>>) semaphore(%run_scoped3A_242 : memref<!tpu.dma_semaphore, #tpu.memory_space<semaphore_mem>>) {add = true}
      %dma_wait3A_249 = arith.constant 0 : i32
      %dma_wait3A_250 = tpu.memref_slice %arg9[%run_scoped3A_136, %dma_wait3A_249] : memref<2x128xi32, #tpu.memory_space<vmem>> -> memref<1x128xi32, #tpu.memory_space<vmem>>
      %dma_wait3A_251 = tpu.memref_squeeze %dma_wait3A_250 : memref<1x128xi32, #tpu.memory_space<vmem>> -> memref<128xi32, #tpu.memory_space<vmem>>
      %dma_wait3A_252 = arith.constant 0 : i32
      %dma_wait3A_253 = arith.constant 0 : i32
      %dma_wait3A_254 = tpu.memref_slice %arg15[%dma_wait3A_252, %dma_wait3A_253] : memref<10000x128xf32, #tpu.memory_space<vmem_shared>> -> memref<10000x128xf32, #tpu.memory_space<vmem_shared>>
      tpu.wait_indirect_dma semaphore(%run_scoped3A_242 : memref<!tpu.dma_semaphore, #tpu.memory_space<semaphore_mem>>) src(%arg12 : memref<128x128xf32, #tpu.memory_space<vmem>>) dst(%dma_wait3A_254 : memref<10000x128xf32, #tpu.memory_space<vmem_shared>>)
      tpu.yield
    }) : () -> ()
    %get3A_137 = arith.constant 1 : i32
    %get3A_138 = arith.index_cast %get3A_137 : i32 to index
    %get3A_139 = arith.constant 0 : index
    %get3A_140 = tpu.vector_load %arg9[%get3A_138, %get3A_139] {strides = array<i32>} : memref<2x128xi32, #tpu.memory_space<vmem>>, vector<16xi32>,
    %broadcast_in_dim3A_141 = arith.constant 1.000000e+00 : f32
    %broadcast_in_dim3A_142 = vector.broadcast %broadcast_in_dim3A_141 : f32 to vector<16xf32>
    tpu.vector_store_idx %arg14[%get3A_140], %broadcast_in_dim3A_142 {add = true} : memref<10240xf32, #tpu.memory_space<vmem>>[vector<16xi32>], vector<16xf32>,
    %get3A_143 = arith.constant 1 : i32
    %get3A_144 = arith.index_cast %get3A_143 : i32 to index
    %get3A_145 = arith.constant 16 : index
    %get3A_146 = tpu.vector_load %arg9[%get3A_144, %get3A_145] {strides = array<i32>} : memref<2x128xi32, #tpu.memory_space<vmem>>, vector<16xi32>,
    %broadcast_in_dim3A_147 = arith.constant 1.000000e+00 : f32
    %broadcast_in_dim3A_148 = vector.broadcast %broadcast_in_dim3A_147 : f32 to vector<16xf32>
    tpu.vector_store_idx %arg14[%get3A_146], %broadcast_in_dim3A_148 {add = true} : memref<10240xf32, #tpu.memory_space<vmem>>[vector<16xi32>], vector<16xf32>,
    %get3A_149 = arith.constant 1 : i32
    %get3A_150 = arith.index_cast %get3A_149 : i32 to index
    %get3A_151 = arith.constant 32 : index
    %get3A_152 = tpu.vector_load %arg9[%get3A_150, %get3A_151] {strides = array<i32>} : memref<2x128xi32, #tpu.memory_space<vmem>>, vector<16xi32>,
    %broadcast_in_dim3A_153 = arith.constant 1.000000e+00 : f32
    %broadcast_in_dim3A_154 = vector.broadcast %broadcast_in_dim3A_153 : f32 to vector<16xf32>
    tpu.vector_store_idx %arg14[%get3A_152], %broadcast_in_dim3A_154 {add = true} : memref<10240xf32, #tpu.memory_space<vmem>>[vector<16xi32>], vector<16xf32>,
    %get3A_155 = arith.constant 1 : i32
    %get3A_156 = arith.index_cast %get3A_155 : i32 to index
    %get3A_157 = arith.constant 48 : index
    %get3A_158 = tpu.vector_load %arg9[%get3A_156, %get3A_157] {strides = array<i32>} : memref<2x128xi32, #tpu.memory_space<vmem>>, vector<16xi32>,
    %broadcast_in_dim3A_159 = arith.constant 1.000000e+00 : f32
    %broadcast_in_dim3A_160 = vector.broadcast %broadcast_in_dim3A_159 : f32 to vector<16xf32>
    tpu.vector_store_idx %arg14[%get3A_158], %broadcast_in_dim3A_160 {add = true} : memref<10240xf32, #tpu.memory_space<vmem>>[vector<16xi32>], vector<16xf32>,
    %get3A_161 = arith.constant 1 : i32
    %get3A_162 = arith.index_cast %get3A_161 : i32 to index
    %get3A_163 = arith.constant 64 : index
    %get3A_164 = tpu.vector_load %arg9[%get3A_162, %get3A_163] {strides = array<i32>} : memref<2x128xi32, #tpu.memory_space<vmem>>, vector<16xi32>,
    %broadcast_in_dim3A_165 = arith.constant 1.000000e+00 : f32
    %broadcast_in_dim3A_166 = vector.broadcast %broadcast_in_dim3A_165 : f32 to vector<16xf32>
    tpu.vector_store_idx %arg14[%get3A_164], %broadcast_in_dim3A_166 {add = true} : memref<10240xf32, #tpu.memory_space<vmem>>[vector<16xi32>], vector<16xf32>,
    %get3A_167 = arith.constant 1 : i32
    %get3A_168 = arith.index_cast %get3A_167 : i32 to index
    %get3A_169 = arith.constant 80 : index
    %get3A_170 = tpu.vector_load %arg9[%get3A_168, %get3A_169] {strides = array<i32>} : memref<2x128xi32, #tpu.memory_space<vmem>>, vector<16xi32>,
    %broadcast_in_dim3A_171 = arith.constant 1.000000e+00 : f32
    %broadcast_in_dim3A_172 = vector.broadcast %broadcast_in_dim3A_171 : f32 to vector<16xf32>
    tpu.vector_store_idx %arg14[%get3A_170], %broadcast_in_dim3A_172 {add = true} : memref<10240xf32, #tpu.memory_space<vmem>>[vector<16xi32>], vector<16xf32>,
    %get3A_173 = arith.constant 1 : i32
    %get3A_174 = arith.index_cast %get3A_173 : i32 to index
    %get3A_175 = arith.constant 96 : index
    %get3A_176 = tpu.vector_load %arg9[%get3A_174, %get3A_175] {strides = array<i32>} : memref<2x128xi32, #tpu.memory_space<vmem>>, vector<16xi32>,
    %broadcast_in_dim3A_177 = arith.constant 1.000000e+00 : f32
    %broadcast_in_dim3A_178 = vector.broadcast %broadcast_in_dim3A_177 : f32 to vector<16xf32>
    tpu.vector_store_idx %arg14[%get3A_176], %broadcast_in_dim3A_178 {add = true} : memref<10240xf32, #tpu.memory_space<vmem>>[vector<16xi32>], vector<16xf32>,
    %get3A_179 = arith.constant 1 : i32
    %get3A_180 = arith.index_cast %get3A_179 : i32 to index
    %get3A_181 = arith.constant 112 : index
    %get3A_182 = tpu.vector_load %arg9[%get3A_180, %get3A_181] {strides = array<i32>} : memref<2x128xi32, #tpu.memory_space<vmem>>, vector<16xi32>,
    %broadcast_in_dim3A_183 = arith.constant 1.000000e+00 : f32
    %broadcast_in_dim3A_184 = vector.broadcast %broadcast_in_dim3A_183 : f32 to vector<16xf32>
    tpu.vector_store_idx %arg14[%get3A_182], %broadcast_in_dim3A_184 {add = true} : memref<10240xf32, #tpu.memory_space<vmem>>[vector<16xi32>], vector<16xf32>,
    %dma_wait3A_185 = arith.constant 0 : i32
    %dma_wait3A_186 = arith.constant 0 : i32
    %dma_wait3A_187 = tpu.memref_slice %arg2[%dma_wait3A_185, %dma_wait3A_186] : memref<10000x128xf32, #tpu.memory_space<hbm>> -> memref<128x128xf32, #tpu.memory_space<hbm>>
    %dma_wait3A_188 = arith.constant 0 : i32
    %dma_wait3A_189 = arith.constant 0 : i32
    %dma_wait3A_190 = tpu.memref_slice %arg2[%dma_wait3A_188, %dma_wait3A_189] : memref<10000x128xf32, #tpu.memory_space<hbm>> -> memref<128x128xf32, #tpu.memory_space<hbm>>
    tpu.wait_dma2 semaphore(%arg17 : memref<!tpu.dma_semaphore, #tpu.memory_space<semaphore_mem>>) src(%dma_wait3A_190 : memref<128x128xf32, #tpu.memory_space<hbm>>) dst(%arg13 : memref<128x128xf32, #tpu.memory_space<vmem>>)
    %run_scoped3A_191 = arith.constant 1 : i32
    "tpu.region"() ({
      %run_scoped3A_242 = tpu.sem_alloc : memref<!tpu.dma_semaphore, #tpu.memory_space<semaphore_mem>>
      %dma_start3A_243 = arith.constant 0 : i32
      %dma_start3A_244 = tpu.memref_slice %arg9[%run_scoped3A_191, %dma_start3A_243] : memref<2x128xi32, #tpu.memory_space<vmem>> -> memref<1x128xi32, #tpu.memory_space<vmem>>
      %dma_start3A_245 = tpu.memref_squeeze %dma_start3A_244 : memref<1x128xi32, #tpu.memory_space<vmem>> -> memref<128xi32, #tpu.memory_space<vmem>>
      %dma_start3A_246 = arith.constant 0 : i32
      %dma_start3A_247 = arith.constant 0 : i32
      %dma_start3A_248 = tpu.memref_slice %arg15[%dma_start3A_246, %dma_start3A_247] : memref<10000x128xf32, #tpu.memory_space<vmem_shared>> -> memref<10000x128xf32, #tpu.memory_space<vmem_shared>>
      tpu.enqueue_indirect_dma source(%arg13 : memref<128x128xf32, #tpu.memory_space<vmem>>) target(%dma_start3A_248 : memref<10000x128xf32, #tpu.memory_space<vmem_shared>>) offsets(%dma_start3A_245 : memref<128xi32, #tpu.memory_space<vmem>>) semaphore(%run_scoped3A_242 : memref<!tpu.dma_semaphore, #tpu.memory_space<semaphore_mem>>) {add = true}
      %dma_wait3A_249 = arith.constant 0 : i32
      %dma_wait3A_250 = tpu.memref_slice %arg9[%run_scoped3A_191, %dma_wait3A_249] : memref<2x128xi32, #tpu.memory_space<vmem>> -> memref<1x128xi32, #tpu.memory_space<vmem>>
      %dma_wait3A_251 = tpu.memref_squeeze %dma_wait3A_250 : memref<1x128xi32, #tpu.memory_space<vmem>> -> memref<128xi32, #tpu.memory_space<vmem>>
      %dma_wait3A_252 = arith.constant 0 : i32
      %dma_wait3A_253 = arith.constant 0 : i32
      %dma_wait3A_254 = tpu.memref_slice %arg15[%dma_wait3A_252, %dma_wait3A_253] : memref<10000x128xf32, #tpu.memory_space<vmem_shared>> -> memref<10000x128xf32, #tpu.memory_space<vmem_shared>>
      tpu.wait_indirect_dma semaphore(%run_scoped3A_242 : memref<!tpu.dma_semaphore, #tpu.memory_space<semaphore_mem>>) src(%arg13 : memref<128x128xf32, #tpu.memory_space<vmem>>) dst(%dma_wait3A_254 : memref<10000x128xf32, #tpu.memory_space<vmem_shared>>)
      tpu.yield
    }) : () -> ()
    %add3A_192 = arith.constant 9984 : i32
    %add3A_193 = arith.addi %mul3A_2, %add3A_192 : i32
    %run_scoped3A_194 = arith.constant 0 : i32
    "tpu.region"() ({
      %run_scoped3A_242 = tpu.sem_alloc : memref<!tpu.dma_semaphore, #tpu.memory_space<semaphore_mem>>
      %dma_start3A_243 = arith.constant 0 : i32
      %dma_start3A_244 = tpu.memref_slice %arg10[%run_scoped3A_194, %dma_start3A_243] : memref<1x16xi32, #tpu.memory_space<vmem>> -> memref<1x16xi32, #tpu.memory_space<vmem>>
      %dma_start3A_245 = tpu.memref_squeeze %dma_start3A_244 : memref<1x16xi32, #tpu.memory_space<vmem>> -> memref<16xi32, #tpu.memory_space<vmem>>
      %dma_start3A_246 = tpu.memref_slice %arg3[%add3A_193] : memref<320000xi32, #tpu.memory_space<hbm>> -> memref<16xi32, #tpu.memory_space<hbm>>
      %dma_start3A_247 = arith.constant 0 : i32
      %dma_start3A_248 = tpu.memref_slice %arg10[%run_scoped3A_194, %dma_start3A_247] : memref<1x16xi32, #tpu.memory_space<vmem>> -> memref<1x16xi32, #tpu.memory_space<vmem>>
      %dma_start3A_249 = tpu.memref_squeeze %dma_start3A_248 : memref<1x16xi32, #tpu.memory_space<vmem>> -> memref<16xi32, #tpu.memory_space<vmem>>
      %dma_start3A_250 = tpu.memref_slice %arg3[%add3A_193] : memref<320000xi32, #tpu.memory_space<hbm>> -> memref<16xi32, #tpu.memory_space<hbm>>
      tpu.enqueue_dma source(%dma_start3A_250 : memref<16xi32, #tpu.memory_space<hbm>>) target(%dma_start3A_249 : memref<16xi32, #tpu.memory_space<vmem>>) target_semaphore(%run_scoped3A_242 : memref<!tpu.dma_semaphore, #tpu.memory_space<semaphore_mem>>)
      %dma_wait3A_251 = arith.constant 0 : i32
      %dma_wait3A_252 = tpu.memref_slice %arg10[%run_scoped3A_194, %dma_wait3A_251] : memref<1x16xi32, #tpu.memory_space<vmem>> -> memref<1x16xi32, #tpu.memory_space<vmem>>
      %dma_wait3A_253 = tpu.memref_squeeze %dma_wait3A_252 : memref<1x16xi32, #tpu.memory_space<vmem>> -> memref<16xi32, #tpu.memory_space<vmem>>
      %dma_wait3A_254 = tpu.memref_slice %arg3[%add3A_193] : memref<320000xi32, #tpu.memory_space<hbm>> -> memref<16xi32, #tpu.memory_space<hbm>>
      %dma_wait3A_255 = arith.constant 0 : i32
      %dma_wait3A_256 = tpu.memref_slice %arg10[%run_scoped3A_194, %dma_wait3A_255] : memref<1x16xi32, #tpu.memory_space<vmem>> -> memref<1x16xi32, #tpu.memory_space<vmem>>
      %dma_wait3A_257 = tpu.memref_squeeze %dma_wait3A_256 : memref<1x16xi32, #tpu.memory_space<vmem>> -> memref<16xi32, #tpu.memory_space<vmem>>
      %dma_wait3A_258 = tpu.memref_slice %arg3[%add3A_193] : memref<320000xi32, #tpu.memory_space<hbm>> -> memref<16xi32, #tpu.memory_space<hbm>>
      tpu.wait_dma2 semaphore(%run_scoped3A_242 : memref<!tpu.dma_semaphore, #tpu.memory_space<semaphore_mem>>) src(%dma_wait3A_258 : memref<16xi32, #tpu.memory_space<hbm>>) dst(%dma_wait3A_257 : memref<16xi32, #tpu.memory_space<vmem>>)
      tpu.yield
    }) : () -> ()
    %run_scoped3A_195 = arith.constant 0 : i32
    "tpu.region"() ({
      %run_scoped3A_242 = tpu.sem_alloc : memref<!tpu.dma_semaphore, #tpu.memory_space<semaphore_mem>>
      %dma_start3A_243 = arith.constant 0 : i32
      %dma_start3A_244 = tpu.memref_slice %arg11[%run_scoped3A_195, %dma_start3A_243] : memref<1x16xi32, #tpu.memory_space<vmem>> -> memref<1x16xi32, #tpu.memory_space<vmem>>
      %dma_start3A_245 = tpu.memref_squeeze %dma_start3A_244 : memref<1x16xi32, #tpu.memory_space<vmem>> -> memref<16xi32, #tpu.memory_space<vmem>>
      %dma_start3A_246 = tpu.memref_slice %arg4[%add3A_193] : memref<320000xi32, #tpu.memory_space<hbm>> -> memref<16xi32, #tpu.memory_space<hbm>>
      %dma_start3A_247 = arith.constant 0 : i32
      %dma_start3A_248 = tpu.memref_slice %arg11[%run_scoped3A_195, %dma_start3A_247] : memref<1x16xi32, #tpu.memory_space<vmem>> -> memref<1x16xi32, #tpu.memory_space<vmem>>
      %dma_start3A_249 = tpu.memref_squeeze %dma_start3A_248 : memref<1x16xi32, #tpu.memory_space<vmem>> -> memref<16xi32, #tpu.memory_space<vmem>>
      %dma_start3A_250 = tpu.memref_slice %arg4[%add3A_193] : memref<320000xi32, #tpu.memory_space<hbm>> -> memref<16xi32, #tpu.memory_space<hbm>>
      tpu.enqueue_dma source(%dma_start3A_250 : memref<16xi32, #tpu.memory_space<hbm>>) target(%dma_start3A_249 : memref<16xi32, #tpu.memory_space<vmem>>) target_semaphore(%run_scoped3A_242 : memref<!tpu.dma_semaphore, #tpu.memory_space<semaphore_mem>>)
      %dma_wait3A_251 = arith.constant 0 : i32
      %dma_wait3A_252 = tpu.memref_slice %arg11[%run_scoped3A_195, %dma_wait3A_251] : memref<1x16xi32, #tpu.memory_space<vmem>> -> memref<1x16xi32, #tpu.memory_space<vmem>>
      %dma_wait3A_253 = tpu.memref_squeeze %dma_wait3A_252 : memref<1x16xi32, #tpu.memory_space<vmem>> -> memref<16xi32, #tpu.memory_space<vmem>>
      %dma_wait3A_254 = tpu.memref_slice %arg4[%add3A_193] : memref<320000xi32, #tpu.memory_space<hbm>> -> memref<16xi32, #tpu.memory_space<hbm>>
      %dma_wait3A_255 = arith.constant 0 : i32
      %dma_wait3A_256 = tpu.memref_slice %arg11[%run_scoped3A_195, %dma_wait3A_255] : memref<1x16xi32, #tpu.memory_space<vmem>> -> memref<1x16xi32, #tpu.memory_space<vmem>>
      %dma_wait3A_257 = tpu.memref_squeeze %dma_wait3A_256 : memref<1x16xi32, #tpu.memory_space<vmem>> -> memref<16xi32, #tpu.memory_space<vmem>>
      %dma_wait3A_258 = tpu.memref_slice %arg4[%add3A_193] : memref<320000xi32, #tpu.memory_space<hbm>> -> memref<16xi32, #tpu.memory_space<hbm>>
      tpu.wait_dma2 semaphore(%run_scoped3A_242 : memref<!tpu.dma_semaphore, #tpu.memory_space<semaphore_mem>>) src(%dma_wait3A_258 : memref<16xi32, #tpu.memory_space<hbm>>) dst(%dma_wait3A_257 : memref<16xi32, #tpu.memory_space<vmem>>)
      tpu.yield
    }) : () -> ()
    %dma_start3A_196 = arith.constant 0 : i32
    %dma_start3A_197 = arith.constant 0 : i32
    %dma_start3A_198 = arith.constant 0 : i32
    %dma_start3A_199 = tpu.memref_slice %arg12[%dma_start3A_197, %dma_start3A_198] : memref<128x128xf32, #tpu.memory_space<vmem>> -> memref<16x128xf32, #tpu.memory_space<vmem>>
    %dma_start3A_200 = arith.constant 0 : i32
    %dma_start3A_201 = tpu.memref_slice %arg10[%dma_start3A_196, %dma_start3A_200] : memref<1x16xi32, #tpu.memory_space<vmem>> -> memref<1x16xi32, #tpu.memory_space<vmem>>
    %dma_start3A_202 = tpu.memref_squeeze %dma_start3A_201 : memref<1x16xi32, #tpu.memory_space<vmem>> -> memref<16xi32, #tpu.memory_space<vmem>>
    %dma_start3A_203 = arith.constant 0 : i32
    %dma_start3A_204 = arith.constant 0 : i32
    %dma_start3A_205 = tpu.memref_slice %arg2[%dma_start3A_203, %dma_start3A_204] : memref<10000x128xf32, #tpu.memory_space<hbm>> -> memref<10000x128xf32, #tpu.memory_space<hbm>>
    tpu.enqueue_indirect_dma source(%dma_start3A_205 : memref<10000x128xf32, #tpu.memory_space<hbm>>) target(%dma_start3A_199 : memref<16x128xf32, #tpu.memory_space<vmem>>) offsets(%dma_start3A_202 : memref<16xi32, #tpu.memory_space<vmem>>) semaphore(%arg16 : memref<!tpu.dma_semaphore, #tpu.memory_space<semaphore_mem>>)
    %dma_wait3A_206 = arith.constant 0 : i32
    %dma_wait3A_207 = arith.constant 0 : i32
    %dma_wait3A_208 = arith.constant 0 : i32
    %dma_wait3A_209 = tpu.memref_slice %arg12[%dma_wait3A_207, %dma_wait3A_208] : memref<128x128xf32, #tpu.memory_space<vmem>> -> memref<16x128xf32, #tpu.memory_space<vmem>>
    %dma_wait3A_210 = arith.constant 0 : i32
    %dma_wait3A_211 = tpu.memref_slice %arg10[%dma_wait3A_206, %dma_wait3A_210] : memref<1x16xi32, #tpu.memory_space<vmem>> -> memref<1x16xi32, #tpu.memory_space<vmem>>
    %dma_wait3A_212 = tpu.memref_squeeze %dma_wait3A_211 : memref<1x16xi32, #tpu.memory_space<vmem>> -> memref<16xi32, #tpu.memory_space<vmem>>
    %dma_wait3A_213 = arith.constant 0 : i32
    %dma_wait3A_214 = arith.constant 0 : i32
    %dma_wait3A_215 = tpu.memref_slice %arg2[%dma_wait3A_213, %dma_wait3A_214] : memref<10000x128xf32, #tpu.memory_space<hbm>> -> memref<10000x128xf32, #tpu.memory_space<hbm>>
    tpu.wait_indirect_dma semaphore(%arg16 : memref<!tpu.dma_semaphore, #tpu.memory_space<semaphore_mem>>) src(%dma_wait3A_215 : memref<10000x128xf32, #tpu.memory_space<hbm>>) dst(%dma_wait3A_209 : memref<16x128xf32, #tpu.memory_space<vmem>>)
    %get3A_216 = arith.constant 0 : i32
    %get3A_217 = arith.index_cast %get3A_216 : i32 to index
    %get3A_218 = arith.constant 0 : index
    %get3A_219 = tpu.vector_load %arg11[%get3A_217, %get3A_218] {strides = array<i32>} : memref<1x16xi32, #tpu.memory_space<vmem>>, vector<16xi32>,
    %broadcast_in_dim3A_220 = arith.constant 1.000000e+00 : f32
    %broadcast_in_dim3A_221 = vector.broadcast %broadcast_in_dim3A_220 : f32 to vector<16xf32>
    tpu.vector_store_idx %arg14[%get3A_219], %broadcast_in_dim3A_221 {add = true} : memref<10240xf32, #tpu.memory_space<vmem>>[vector<16xi32>], vector<16xf32>,
    %run_scoped3A_222 = arith.constant 0 : i32
    "tpu.region"() ({
      %run_scoped3A_242 = tpu.sem_alloc : memref<!tpu.dma_semaphore, #tpu.memory_space<semaphore_mem>>
      %dma_start3A_243 = arith.constant 0 : i32
      %dma_start3A_244 = arith.constant 0 : i32
      %dma_start3A_245 = tpu.memref_slice %arg12[%dma_start3A_243, %dma_start3A_244] : memref<128x128xf32, #tpu.memory_space<vmem>> -> memref<16x128xf32, #tpu.memory_space<vmem>>
      %dma_start3A_246 = arith.constant 0 : i32
      %dma_start3A_247 = tpu.memref_slice %arg11[%run_scoped3A_222, %dma_start3A_246] : memref<1x16xi32, #tpu.memory_space<vmem>> -> memref<1x16xi32, #tpu.memory_space<vmem>>
      %dma_start3A_248 = tpu.memref_squeeze %dma_start3A_247 : memref<1x16xi32, #tpu.memory_space<vmem>> -> memref<16xi32, #tpu.memory_space<vmem>>
      %dma_start3A_249 = arith.constant 0 : i32
      %dma_start3A_250 = arith.constant 0 : i32
      %dma_start3A_251 = tpu.memref_slice %arg15[%dma_start3A_249, %dma_start3A_250] : memref<10000x128xf32, #tpu.memory_space<vmem_shared>> -> memref<10000x128xf32, #tpu.memory_space<vmem_shared>>
      tpu.enqueue_indirect_dma source(%dma_start3A_245 : memref<16x128xf32, #tpu.memory_space<vmem>>) target(%dma_start3A_251 : memref<10000x128xf32, #tpu.memory_space<vmem_shared>>) offsets(%dma_start3A_248 : memref<16xi32, #tpu.memory_space<vmem>>) semaphore(%run_scoped3A_242 : memref<!tpu.dma_semaphore, #tpu.memory_space<semaphore_mem>>) {add = true}
      %dma_wait3A_252 = arith.constant 0 : i32
      %dma_wait3A_253 = arith.constant 0 : i32
      %dma_wait3A_254 = tpu.memref_slice %arg12[%dma_wait3A_252, %dma_wait3A_253] : memref<128x128xf32, #tpu.memory_space<vmem>> -> memref<16x128xf32, #tpu.memory_space<vmem>>
      %dma_wait3A_255 = arith.constant 0 : i32
      %dma_wait3A_256 = tpu.memref_slice %arg11[%run_scoped3A_222, %dma_wait3A_255] : memref<1x16xi32, #tpu.memory_space<vmem>> -> memref<1x16xi32, #tpu.memory_space<vmem>>
      %dma_wait3A_257 = tpu.memref_squeeze %dma_wait3A_256 : memref<1x16xi32, #tpu.memory_space<vmem>> -> memref<16xi32, #tpu.memory_space<vmem>>
      %dma_wait3A_258 = arith.constant 0 : i32
      %dma_wait3A_259 = arith.constant 0 : i32
      %dma_wait3A_260 = tpu.memref_slice %arg15[%dma_wait3A_258, %dma_wait3A_259] : memref<10000x128xf32, #tpu.memory_space<vmem_shared>> -> memref<10000x128xf32, #tpu.memory_space<vmem_shared>>
      tpu.wait_indirect_dma semaphore(%run_scoped3A_242 : memref<!tpu.dma_semaphore, #tpu.memory_space<semaphore_mem>>) src(%dma_wait3A_254 : memref<16x128xf32, #tpu.memory_space<vmem>>) dst(%dma_wait3A_260 : memref<10000x128xf32, #tpu.memory_space<vmem_shared>>)
      tpu.yield
    }) : () -> ()
    %barrier3A_223 = arith.constant 0 : index
    tpu.barrier barrier_id(%barrier3A_223)
    "tpu.region"() ({
      %run_scoped3A_242 = tpu.sem_alloc : memref<!tpu.dma_semaphore, #tpu.memory_space<semaphore_mem>>
      %dma_start3A_243 = arith.constant 0 : i32
      %dma_start3A_244 = tpu.memref_slice %arg7[%arg0, %arg1, %dma_start3A_243] : memref<2x16x10240xf32, #tpu.memory_space<hbm>> -> memref<1x1x10240xf32, #tpu.memory_space<hbm>>
      %dma_start3A_245 = tpu.memref_squeeze %dma_start3A_244 : memref<1x1x10240xf32, #tpu.memory_space<hbm>> -> memref<10240xf32, #tpu.memory_space<hbm>>
      %dma_start3A_246 = arith.constant 0 : i32
      %dma_start3A_247 = tpu.memref_slice %arg7[%arg0, %arg1, %dma_start3A_246] : memref<2x16x10240xf32, #tpu.memory_space<hbm>> -> memref<1x1x10240xf32, #tpu.memory_space<hbm>>
      %dma_start3A_248 = tpu.memref_squeeze %dma_start3A_247 : memref<1x1x10240xf32, #tpu.memory_space<hbm>> -> memref<10240xf32, #tpu.memory_space<hbm>>
      tpu.enqueue_dma source(%arg14 : memref<10240xf32, #tpu.memory_space<vmem>>) target(%dma_start3A_248 : memref<10240xf32, #tpu.memory_space<hbm>>) target_semaphore(%run_scoped3A_242 : memref<!tpu.dma_semaphore, #tpu.memory_space<semaphore_mem>>)
      %dma_wait3A_249 = arith.constant 0 : i32
      %dma_wait3A_250 = tpu.memref_slice %arg7[%arg0, %arg1, %dma_wait3A_249] : memref<2x16x10240xf32, #tpu.memory_space<hbm>> -> memref<1x1x10240xf32, #tpu.memory_space<hbm>>
      %dma_wait3A_251 = tpu.memref_squeeze %dma_wait3A_250 : memref<1x1x10240xf32, #tpu.memory_space<hbm>> -> memref<10240xf32, #tpu.memory_space<hbm>>
      %dma_wait3A_252 = arith.constant 0 : i32
      %dma_wait3A_253 = tpu.memref_slice %arg7[%arg0, %arg1, %dma_wait3A_252] : memref<2x16x10240xf32, #tpu.memory_space<hbm>> -> memref<1x1x10240xf32, #tpu.memory_space<hbm>>
      %dma_wait3A_254 = tpu.memref_squeeze %dma_wait3A_253 : memref<1x1x10240xf32, #tpu.memory_space<hbm>> -> memref<10240xf32, #tpu.memory_space<hbm>>
      tpu.wait_dma2 semaphore(%run_scoped3A_242 : memref<!tpu.dma_semaphore, #tpu.memory_space<semaphore_mem>>) src(%arg14 : memref<10240xf32, #tpu.memory_space<vmem>>) dst(%dma_wait3A_254 : memref<10240xf32, #tpu.memory_space<hbm>>)
      tpu.yield
    }) : () -> ()
    %sub3A_224 = arith.constant 125 : i32
    %sub3A_225 = arith.subi %sub3A_224, %arg1 : i32
    %sub3A_226 = arith.constant 16 : i32
    %sub3A_227 = arith.constant 1 : i32
    %sub3A_228 = arith.subi %sub3A_226, %sub3A_227 : i32
    %add3A_229 = arith.addi %sub3A_225, %sub3A_228 : i32
    %div3A_230 = arith.constant 16 : i32
    %div3A_231 = arith.divsi %add3A_229, %div3A_230 : i32
    %while3A_232 = arith.constant 16 : i32
    %while3A_233 = arith.constant 0 : i32
    %while3A_234 = arith.subi %div3A_231, %while3A_233 : i32
    %while3A_235 = arith.addi %while3A_233, %while3A_234 : i32
    %while3A_236 = arith.constant 1 : i32
    %while3A_237 = arith.divsi %while3A_234, %while3A_236 : i32
    %while3A_238 = arith.muli %while3A_237, %while3A_236 : i32
    %while3A_239 = arith.addi %while3A_233, %while3A_238 : i32
    %while3A_240 = arith.constant 1 : i32
    scf.for %while3A_242 = %while3A_233 to %while3A_239 step %while3A_240  : i32 {
      %mul3A_243 = arith.muli %while3A_242, %while3A_232 : i32
      %add3A_244 = arith.addi %arg1, %mul3A_243 : i32
      %mul3A_245 = arith.constant 80 : i32
      %mul3A_246 = arith.muli %add3A_244, %mul3A_245 : i32
      "tpu.region"() ({
        %run_scoped3A_247 = tpu.sem_alloc : memref<!tpu.dma_semaphore, #tpu.memory_space<semaphore_mem>>
        %dma_start3A_248 = arith.constant 0 : i32
        %dma_start3A_249 = arith.constant 0 : i32
        %dma_start3A_250 = tpu.memref_slice %arg13[%dma_start3A_248, %dma_start3A_249] : memref<128x128xf32, #tpu.memory_space<vmem>> -> memref<80x128xf32, #tpu.memory_space<vmem>>
        %dma_start3A_251 = arith.constant 0 : i32
        %dma_start3A_252 = tpu.memref_slice %arg15[%mul3A_246, %dma_start3A_251] : memref<10000x128xf32, #tpu.memory_space<vmem_shared>> -> memref<80x128xf32, #tpu.memory_space<vmem_shared>>
        %dma_start3A_253 = arith.constant 0 : i32
        %dma_start3A_254 = arith.constant 0 : i32
        %dma_start3A_255 = tpu.memref_slice %arg13[%dma_start3A_253, %dma_start3A_254] : memref<128x128xf32, #tpu.memory_space<vmem>> -> memref<80x128xf32, #tpu.memory_space<vmem>>
        %dma_start3A_256 = arith.constant 0 : i32
        %dma_start3A_257 = tpu.memref_slice %arg15[%mul3A_246, %dma_start3A_256] : memref<10000x128xf32, #tpu.memory_space<vmem_shared>> -> memref<80x128xf32, #tpu.memory_space<vmem_shared>>
        tpu.enqueue_dma source(%dma_start3A_257 : memref<80x128xf32, #tpu.memory_space<vmem_shared>>) target(%dma_start3A_255 : memref<80x128xf32, #tpu.memory_space<vmem>>) target_semaphore(%run_scoped3A_247 : memref<!tpu.dma_semaphore, #tpu.memory_space<semaphore_mem>>)
        %dma_wait3A_258 = arith.constant 0 : i32
        %dma_wait3A_259 = arith.constant 0 : i32
        %dma_wait3A_260 = tpu.memref_slice %arg13[%dma_wait3A_258, %dma_wait3A_259] : memref<128x128xf32, #tpu.memory_space<vmem>> -> memref<80x128xf32, #tpu.memory_space<vmem>>
        %dma_wait3A_261 = arith.constant 0 : i32
        %dma_wait3A_262 = tpu.memref_slice %arg15[%mul3A_246, %dma_wait3A_261] : memref<10000x128xf32, #tpu.memory_space<vmem_shared>> -> memref<80x128xf32, #tpu.memory_space<vmem_shared>>
        %dma_wait3A_263 = arith.constant 0 : i32
        %dma_wait3A_264 = arith.constant 0 : i32
        %dma_wait3A_265 = tpu.memref_slice %arg13[%dma_wait3A_263, %dma_wait3A_264] : memref<128x128xf32, #tpu.memory_space<vmem>> -> memref<80x128xf32, #tpu.memory_space<vmem>>
        %dma_wait3A_266 = arith.constant 0 : i32
        %dma_wait3A_267 = tpu.memref_slice %arg15[%mul3A_246, %dma_wait3A_266] : memref<10000x128xf32, #tpu.memory_space<vmem_shared>> -> memref<80x128xf32, #tpu.memory_space<vmem_shared>>
        tpu.wait_dma2 semaphore(%run_scoped3A_247 : memref<!tpu.dma_semaphore, #tpu.memory_space<semaphore_mem>>) src(%dma_wait3A_267 : memref<80x128xf32, #tpu.memory_space<vmem_shared>>) dst(%dma_wait3A_265 : memref<80x128xf32, #tpu.memory_space<vmem>>)
        tpu.yield
      }) : () -> ()
      "tpu.region"() ({
        %run_scoped3A_247 = tpu.sem_alloc : memref<!tpu.dma_semaphore, #tpu.memory_space<semaphore_mem>>
        %dma_start3A_248 = arith.constant 0 : i32
        %dma_start3A_249 = arith.constant 0 : i32
        %dma_start3A_250 = tpu.memref_slice %arg13[%dma_start3A_248, %dma_start3A_249] : memref<128x128xf32, #tpu.memory_space<vmem>> -> memref<80x128xf32, #tpu.memory_space<vmem>>
        %dma_start3A_251 = arith.constant 0 : i32
        %dma_start3A_252 = tpu.memref_slice %arg6[%arg0, %mul3A_246, %dma_start3A_251] : memref<2x10000x128xf32, #tpu.memory_space<hbm>> -> memref<1x80x128xf32, #tpu.memory_space<hbm>>
        %dma_start3A_253 = tpu.memref_squeeze %dma_start3A_252 : memref<1x80x128xf32, #tpu.memory_space<hbm>> -> memref<80x128xf32, #tpu.memory_space<hbm>>
        %dma_start3A_254 = arith.constant 0 : i32
        %dma_start3A_255 = tpu.memref_slice %arg6[%arg0, %mul3A_246, %dma_start3A_254] : memref<2x10000x128xf32, #tpu.memory_space<hbm>> -> memref<1x80x128xf32, #tpu.memory_space<hbm>>
        %dma_start3A_256 = tpu.memref_squeeze %dma_start3A_255 : memref<1x80x128xf32, #tpu.memory_space<hbm>> -> memref<80x128xf32, #tpu.memory_space<hbm>>
        %dma_start3A_257 = arith.constant 0 : i32
        %dma_start3A_258 = arith.constant 0 : i32
        %dma_start3A_259 = tpu.memref_slice %arg13[%dma_start3A_257, %dma_start3A_258] : memref<128x128xf32, #tpu.memory_space<vmem>> -> memref<80x128xf32, #tpu.memory_space<vmem>>
        tpu.enqueue_dma source(%dma_start3A_259 : memref<80x128xf32, #tpu.memory_space<vmem>>) target(%dma_start3A_256 : memref<80x128xf32, #tpu.memory_space<hbm>>) target_semaphore(%run_scoped3A_247 : memref<!tpu.dma_semaphore, #tpu.memory_space<semaphore_mem>>)
        %dma_wait3A_260 = arith.constant 0 : i32
        %dma_wait3A_261 = arith.constant 0 : i32
        %dma_wait3A_262 = tpu.memref_slice %arg13[%dma_wait3A_260, %dma_wait3A_261] : memref<128x128xf32, #tpu.memory_space<vmem>> -> memref<80x128xf32, #tpu.memory_space<vmem>>
        %dma_wait3A_263 = arith.constant 0 : i32
        %dma_wait3A_264 = tpu.memref_slice %arg6[%arg0, %mul3A_246, %dma_wait3A_263] : memref<2x10000x128xf32, #tpu.memory_space<hbm>> -> memref<1x80x128xf32, #tpu.memory_space<hbm>>
        %dma_wait3A_265 = tpu.memref_squeeze %dma_wait3A_264 : memref<1x80x128xf32, #tpu.memory_space<hbm>> -> memref<80x128xf32, #tpu.memory_space<hbm>>
        %dma_wait3A_266 = arith.constant 0 : i32
        %dma_wait3A_267 = tpu.memref_slice %arg6[%arg0, %mul3A_246, %dma_wait3A_266] : memref<2x10000x128xf32, #tpu.memory_space<hbm>> -> memref<1x80x128xf32, #tpu.memory_space<hbm>>
        %dma_wait3A_268 = tpu.memref_squeeze %dma_wait3A_267 : memref<1x80x128xf32, #tpu.memory_space<hbm>> -> memref<80x128xf32, #tpu.memory_space<hbm>>
        %dma_wait3A_269 = arith.constant 0 : i32
        %dma_wait3A_270 = arith.constant 0 : i32
        %dma_wait3A_271 = tpu.memref_slice %arg13[%dma_wait3A_269, %dma_wait3A_270] : memref<128x128xf32, #tpu.memory_space<vmem>> -> memref<80x128xf32, #tpu.memory_space<vmem>>
        tpu.wait_dma2 semaphore(%run_scoped3A_247 : memref<!tpu.dma_semaphore, #tpu.memory_space<semaphore_mem>>) src(%dma_wait3A_271 : memref<80x128xf32, #tpu.memory_space<vmem>>) dst(%dma_wait3A_268 : memref<80x128xf32, #tpu.memory_space<hbm>>)
        tpu.yield
      }) : () -> ()
    }
    %while3A_241 = arith.constant 1 : i32
    scf.for %while3A_242 = %while3A_239 to %while3A_235 step %while3A_241  : i32 {
      %mul3A_243 = arith.muli %while3A_242, %while3A_232 : i32
      %add3A_244 = arith.addi %arg1, %mul3A_243 : i32
      %mul3A_245 = arith.constant 80 : i32
      %mul3A_246 = arith.muli %add3A_244, %mul3A_245 : i32
      "tpu.region"() ({
        %run_scoped3A_247 = tpu.sem_alloc : memref<!tpu.dma_semaphore, #tpu.memory_space<semaphore_mem>>
        %dma_start3A_248 = arith.constant 0 : i32
        %dma_start3A_249 = arith.constant 0 : i32
        %dma_start3A_250 = tpu.memref_slice %arg13[%dma_start3A_248, %dma_start3A_249] : memref<128x128xf32, #tpu.memory_space<vmem>> -> memref<80x128xf32, #tpu.memory_space<vmem>>
        %dma_start3A_251 = arith.constant 0 : i32
        %dma_start3A_252 = tpu.memref_slice %arg15[%mul3A_246, %dma_start3A_251] : memref<10000x128xf32, #tpu.memory_space<vmem_shared>> -> memref<80x128xf32, #tpu.memory_space<vmem_shared>>
        %dma_start3A_253 = arith.constant 0 : i32
        %dma_start3A_254 = arith.constant 0 : i32
        %dma_start3A_255 = tpu.memref_slice %arg13[%dma_start3A_253, %dma_start3A_254] : memref<128x128xf32, #tpu.memory_space<vmem>> -> memref<80x128xf32, #tpu.memory_space<vmem>>
        %dma_start3A_256 = arith.constant 0 : i32
        %dma_start3A_257 = tpu.memref_slice %arg15[%mul3A_246, %dma_start3A_256] : memref<10000x128xf32, #tpu.memory_space<vmem_shared>> -> memref<80x128xf32, #tpu.memory_space<vmem_shared>>
        tpu.enqueue_dma source(%dma_start3A_257 : memref<80x128xf32, #tpu.memory_space<vmem_shared>>) target(%dma_start3A_255 : memref<80x128xf32, #tpu.memory_space<vmem>>) target_semaphore(%run_scoped3A_247 : memref<!tpu.dma_semaphore, #tpu.memory_space<semaphore_mem>>)
        %dma_wait3A_258 = arith.constant 0 : i32
        %dma_wait3A_259 = arith.constant 0 : i32
        %dma_wait3A_260 = tpu.memref_slice %arg13[%dma_wait3A_258, %dma_wait3A_259] : memref<128x128xf32, #tpu.memory_space<vmem>> -> memref<80x128xf32, #tpu.memory_space<vmem>>
        %dma_wait3A_261 = arith.constant 0 : i32
        %dma_wait3A_262 = tpu.memref_slice %arg15[%mul3A_246, %dma_wait3A_261] : memref<10000x128xf32, #tpu.memory_space<vmem_shared>> -> memref<80x128xf32, #tpu.memory_space<vmem_shared>>
        %dma_wait3A_263 = arith.constant 0 : i32
        %dma_wait3A_264 = arith.constant 0 : i32
        %dma_wait3A_265 = tpu.memref_slice %arg13[%dma_wait3A_263, %dma_wait3A_264] : memref<128x128xf32, #tpu.memory_space<vmem>> -> memref<80x128xf32, #tpu.memory_space<vmem>>
        %dma_wait3A_266 = arith.constant 0 : i32
        %dma_wait3A_267 = tpu.memref_slice %arg15[%mul3A_246, %dma_wait3A_266] : memref<10000x128xf32, #tpu.memory_space<vmem_shared>> -> memref<80x128xf32, #tpu.memory_space<vmem_shared>>
        tpu.wait_dma2 semaphore(%run_scoped3A_247 : memref<!tpu.dma_semaphore, #tpu.memory_space<semaphore_mem>>) src(%dma_wait3A_267 : memref<80x128xf32, #tpu.memory_space<vmem_shared>>) dst(%dma_wait3A_265 : memref<80x128xf32, #tpu.memory_space<vmem>>)
        tpu.yield
      }) : () -> ()
      "tpu.region"() ({
        %run_scoped3A_247 = tpu.sem_alloc : memref<!tpu.dma_semaphore, #tpu.memory_space<semaphore_mem>>
        %dma_start3A_248 = arith.constant 0 : i32
        %dma_start3A_249 = arith.constant 0 : i32
        %dma_start3A_250 = tpu.memref_slice %arg13[%dma_start3A_248, %dma_start3A_249] : memref<128x128xf32, #tpu.memory_space<vmem>> -> memref<80x128xf32, #tpu.memory_space<vmem>>
        %dma_start3A_251 = arith.constant 0 : i32
        %dma_start3A_252 = tpu.memref_slice %arg6[%arg0, %mul3A_246, %dma_start3A_251] : memref<2x10000x128xf32, #tpu.memory_space<hbm>> -> memref<1x80x128xf32, #tpu.memory_space<hbm>>
        %dma_start3A_253 = tpu.memref_squeeze %dma_start3A_252 : memref<1x80x128xf32, #tpu.memory_space<hbm>> -> memref<80x128xf32, #tpu.memory_space<hbm>>
        %dma_start3A_254 = arith.constant 0 : i32
        %dma_start3A_255 = tpu.memref_slice %arg6[%arg0, %mul3A_246, %dma_start3A_254] : memref<2x10000x128xf32, #tpu.memory_space<hbm>> -> memref<1x80x128xf32, #tpu.memory_space<hbm>>
        %dma_start3A_256 = tpu.memref_squeeze %dma_start3A_255 : memref<1x80x128xf32, #tpu.memory_space<hbm>> -> memref<80x128xf32, #tpu.memory_space<hbm>>
        %dma_start3A_257 = arith.constant 0 : i32
        %dma_start3A_258 = arith.constant 0 : i32
        %dma_start3A_259 = tpu.memref_slice %arg13[%dma_start3A_257, %dma_start3A_258] : memref<128x128xf32, #tpu.memory_space<vmem>> -> memref<80x128xf32, #tpu.memory_space<vmem>>
        tpu.enqueue_dma source(%dma_start3A_259 : memref<80x128xf32, #tpu.memory_space<vmem>>) target(%dma_start3A_256 : memref<80x128xf32, #tpu.memory_space<hbm>>) target_semaphore(%run_scoped3A_247 : memref<!tpu.dma_semaphore, #tpu.memory_space<semaphore_mem>>)
        %dma_wait3A_260 = arith.constant 0 : i32
        %dma_wait3A_261 = arith.constant 0 : i32
        %dma_wait3A_262 = tpu.memref_slice %arg13[%dma_wait3A_260, %dma_wait3A_261] : memref<128x128xf32, #tpu.memory_space<vmem>> -> memref<80x128xf32, #tpu.memory_space<vmem>>
        %dma_wait3A_263 = arith.constant 0 : i32
        %dma_wait3A_264 = tpu.memref_slice %arg6[%arg0, %mul3A_246, %dma_wait3A_263] : memref<2x10000x128xf32, #tpu.memory_space<hbm>> -> memref<1x80x128xf32, #tpu.memory_space<hbm>>
        %dma_wait3A_265 = tpu.memref_squeeze %dma_wait3A_264 : memref<1x80x128xf32, #tpu.memory_space<hbm>> -> memref<80x128xf32, #tpu.memory_space<hbm>>
        %dma_wait3A_266 = arith.constant 0 : i32
        %dma_wait3A_267 = tpu.memref_slice %arg6[%arg0, %mul3A_246, %dma_wait3A_266] : memref<2x10000x128xf32, #tpu.memory_space<hbm>> -> memref<1x80x128xf32, #tpu.memory_space<hbm>>
        %dma_wait3A_268 = tpu.memref_squeeze %dma_wait3A_267 : memref<1x80x128xf32, #tpu.memory_space<hbm>> -> memref<80x128xf32, #tpu.memory_space<hbm>>
        %dma_wait3A_269 = arith.constant 0 : i32
        %dma_wait3A_270 = arith.constant 0 : i32
        %dma_wait3A_271 = tpu.memref_slice %arg13[%dma_wait3A_269, %dma_wait3A_270] : memref<128x128xf32, #tpu.memory_space<vmem>> -> memref<80x128xf32, #tpu.memory_space<vmem>>
        tpu.wait_dma2 semaphore(%run_scoped3A_247 : memref<!tpu.dma_semaphore, #tpu.memory_space<semaphore_mem>>) src(%dma_wait3A_271 : memref<80x128xf32, #tpu.memory_space<vmem>>) dst(%dma_wait3A_268 : memref<80x128xf32, #tpu.memory_space<hbm>>)
        tpu.yield
      }) : () -> ()
    }
    return
  }
}

#map = affine_map<(d0, d1) -> (0, 0)>
#map1 = affine_map<(d0, d1) -> (0)>
#map2 = affine_map<(d0, d1) -> (0, 0, 0)>
module attributes {stable_mosaic.version = 14 : i64} {
  func.func @seg_kernel(%arg0: i32, %arg1: i32, %arg2: memref<10000x128xf32, #tpu.memory_space<hbm>>, %arg3: memref<320000xi32, #tpu.memory_space<hbm>>, %arg4: memref<320000xi32, #tpu.memory_space<hbm>>, %arg5: memref<80x128xf32, #tpu.memory_space<hbm>>, %arg6: memref<2x10000x128xf32, #tpu.memory_space<hbm>>, %arg7: memref<2x16x10240xf32, #tpu.memory_space<hbm>>, %arg8: memref<2x128xi32, #tpu.memory_space<vmem>>, %arg9: memref<2x128xi32, #tpu.memory_space<vmem>>, %arg10: memref<1x16xi32, #tpu.memory_space<vmem>>, %arg11: memref<1x16xi32, #tpu.memory_space<vmem>>, %arg12: memref<128x128xf32, #tpu.memory_space<vmem>>, %arg13: memref<128x128xf32, #tpu.memory_space<vmem>>, %arg14: memref<10240xf32, #tpu.memory_space<vmem>>, %arg15: memref<10000x128xf32, #tpu.memory_space<vmem_shared>>, %arg16: memref<!tpu.dma_semaphore, #tpu.memory_space<semaphore_mem>>, %arg17: memref<!tpu.dma_semaphore, #tpu.memory_space<semaphore_mem>>, %arg18: memref<!tpu.dma_semaphore, #tpu.memory_space<semaphore_mem>>, %arg19: memref<!tpu.dma_semaphore, #tpu.memory_space<semaphore_mem>>) attributes {dimension_semantics = [#tpu.dimension_semantics<core_parallel>, #tpu.dimension_semantics<subcore_parallel>], iteration_bounds = array<i64: 2, 16>, scalar_prefetch = 0 : i64, scratch_operands = 12 : i64, tpu.core_type = #tpu.core_type<sc_vector_subcore>, window_params = [{transform_indices = #map}, {transform_indices = #map1}, {transform_indices = #map1}, {transform_indices = #map}, {transform_indices = #map2}, {transform_indices = #map2}]} {
    %mul3A = arith.constant 16 : i32
    %mul3A_0 = arith.muli %arg0, %mul3A : i32
    %add3A = arith.addi %mul3A_0, %arg1 : i32
    %mul3A_1 = arith.constant 10000 : i32
    %mul3A_2 = arith.muli %add3A, %mul3A_1 : i32
    %scan3A = arith.constant 0 : i32
    %scan3A_3 = arith.constant 640 : i32
    %scan3A_4 = arith.addi %scan3A, %scan3A_3 : i32
    %scan3A_5 = arith.constant 1 : i32
    scf.for %scan3A_242 = %scan3A to %scan3A_4 step %scan3A_5  : i32 {
      %mul3A_243 = arith.constant 1 : i32
      %mul3A_244 = arith.muli %scan3A_242, %mul3A_243 : i32
      %add3A_245 = arith.constant 0 : i32
      %add3A_246 = arith.addi %add3A_245, %mul3A_244 : i32
      %broadcast_in_dim3A_247 = arith.constant 0.000000e+00 : f32
      %broadcast_in_dim3A_248 = vector.broadcast %broadcast_in_dim3A_247 : f32 to vector<16xf32>
      %mul3A_249 = arith.constant 16 : i32
      %mul3A_250 = arith.muli %add3A_246, %mul3A_249 : i32
      %swap3A = arith.index_cast %mul3A_250 : i32 to index
      %swap3A_251 = tpu.vector_load %arg14[%swap3A] {strides = array<i32>} : memref<10240xf32, #tpu.memory_space<vmem>>, vector<16xf32>,
      tpu.vector_store %arg14[%swap3A], %broadcast_in_dim3A_248 {strides = array<i32>} : memref<10240xf32, #tpu.memory_space<vmem>>, vector<16xf32>,
    }
    %scan3A_6 = arith.constant 640 : i32
    "tpu.region"() ({
      %run_scoped3A_242 = tpu.sem_alloc : memref<!tpu.dma_semaphore, #tpu.memory_space<semaphore_mem>>
      %dma_start3A_243 = arith.constant 0 : i32
      %dma_start3A_244 = arith.constant 0 : i32
      %dma_start3A_245 = tpu.memref_slice %arg12[%dma_start3A_243, %dma_start3A_244] : memref<128x128xf32, #tpu.memory_space<vmem>> -> memref<80x128xf32, #tpu.memory_space<vmem>>
      %dma_start3A_246 = arith.constant 0 : i32
      %dma_start3A_247 = arith.constant 0 : i32
      %dma_start3A_248 = tpu.memref_slice %arg12[%dma_start3A_246, %dma_start3A_247] : memref<128x128xf32, #tpu.memory_space<vmem>> -> memref<80x128xf32, #tpu.memory_space<vmem>>
      tpu.enqueue_dma source(%arg5 : memref<80x128xf32, #tpu.memory_space<hbm>>) target(%dma_start3A_248 : memref<80x128xf32, #tpu.memory_space<vmem>>) target_semaphore(%run_scoped3A_242 : memref<!tpu.dma_semaphore, #tpu.memory_space<semaphore_mem>>)
      %dma_wait3A_249 = arith.constant 0 : i32
      %dma_wait3A_250 = arith.constant 0 : i32
      %dma_wait3A_251 = tpu.memref_slice %arg12[%dma_wait3A_249, %dma_wait3A_250] : memref<128x128xf32, #tpu.memory_space<vmem>> -> memref<80x128xf32, #tpu.memory_space<vmem>>
      %dma_wait3A_252 = arith.constant 0 : i32
      %dma_wait3A_253 = arith.constant 0 : i32
      %dma_wait3A_254 = tpu.memref_slice %arg12[%dma_wait3A_252, %dma_wait3A_253] : memref<128x128xf32, #tpu.memory_space<vmem>> -> memref<80x128xf32, #tpu.memory_space<vmem>>
      tpu.wait_dma2 semaphore(%run_scoped3A_242 : memref<!tpu.dma_semaphore, #tpu.memory_space<semaphore_mem>>) src(%arg5 : memref<80x128xf32, #tpu.memory_space<hbm>>) dst(%dma_wait3A_254 : memref<80x128xf32, #tpu.memory_space<vmem>>)
      tpu.yield
    }) : () -> ()
    %sub3A = arith.constant 125 : i32
    %sub3A_7 = arith.subi %sub3A, %arg1 : i32
    %sub3A_8 = arith.constant 16 : i32
    %sub3A_9 = arith.constant 1 : i32
    %sub3A_10 = arith.subi %sub3A_8, %sub3A_9 : i32
    %add3A_11 = arith.addi %sub3A_7, %sub3A_10 : i32
    %div3A = arith.constant 16 : i32
    %div3A_12 = arith.divsi %add3A_11, %div3A : i32
    %while3A = arith.constant 16 : i32
    %while3A_13 = arith.constant 0 : i32
    %while3A_14 = arith.subi %div3A_12, %while3A_13 : i32
    %while3A_15 = arith.addi %while3A_13, %while3A_14 : i32
    %while3A_16 = arith.constant 1 : i32
    %while3A_17 = arith.divsi %while3A_14, %while3A_16 : i32
    %while3A_18 = arith.muli %while3A_17, %while3A_16 : i32
    %while3A_19 = arith.addi %while3A_13, %while3A_18 : i32
    %while3A_20 = arith.constant 1 : i32
    scf.for %while3A_242 = %while3A_13 to %while3A_19 step %while3A_20  : i32 {
      %mul3A_243 = arith.muli %while3A_242, %while3A : i32
      %add3A_244 = arith.addi %arg1, %mul3A_243 : i32
      %mul3A_245 = arith.constant 80 : i32
      %mul3A_246 = arith.muli %add3A_244, %mul3A_245 : i32
      "tpu.region"() ({
        %run_scoped3A_247 = tpu.sem_alloc : memref<!tpu.dma_semaphore, #tpu.memory_space<semaphore_mem>>
        %dma_start3A_248 = arith.constant 0 : i32
        %dma_start3A_249 = arith.constant 0 : i32
        %dma_start3A_250 = tpu.memref_slice %arg12[%dma_start3A_248, %dma_start3A_249] : memref<128x128xf32, #tpu.memory_space<vmem>> -> memref<80x128xf32, #tpu.memory_space<vmem>>
        %dma_start3A_251 = arith.constant 0 : i32
        %dma_start3A_252 = tpu.memref_slice %arg15[%mul3A_246, %dma_start3A_251] : memref<10000x128xf32, #tpu.memory_space<vmem_shared>> -> memref<80x128xf32, #tpu.memory_space<vmem_shared>>
        %dma_start3A_253 = arith.constant 0 : i32
        %dma_start3A_254 = tpu.memref_slice %arg15[%mul3A_246, %dma_start3A_253] : memref<10000x128xf32, #tpu.memory_space<vmem_shared>> -> memref<80x128xf32, #tpu.memory_space<vmem_shared>>
        %dma_start3A_255 = arith.constant 0 : i32
        %dma_start3A_256 = arith.constant 0 : i32
        %dma_start3A_257 = tpu.memref_slice %arg12[%dma_start3A_255, %dma_start3A_256] : memref<128x128xf32, #tpu.memory_space<vmem>> -> memref<80x128xf32, #tpu.memory_space<vmem>>
        tpu.enqueue_dma source(%dma_start3A_257 : memref<80x128xf32, #tpu.memory_space<vmem>>) target(%dma_start3A_254 : memref<80x128xf32, #tpu.memory_space<vmem_shared>>) target_semaphore(%run_scoped3A_247 : memref<!tpu.dma_semaphore, #tpu.memory_space<semaphore_mem>>)
        %dma_wait3A_258 = arith.constant 0 : i32
        %dma_wait3A_259 = arith.constant 0 : i32
        %dma_wait3A_260 = tpu.memref_slice %arg12[%dma_wait3A_258, %dma_wait3A_259] : memref<128x128xf32, #tpu.memory_space<vmem>> -> memref<80x128xf32, #tpu.memory_space<vmem>>
        %dma_wait3A_261 = arith.constant 0 : i32
        %dma_wait3A_262 = tpu.memref_slice %arg15[%mul3A_246, %dma_wait3A_261] : memref<10000x128xf32, #tpu.memory_space<vmem_shared>> -> memref<80x128xf32, #tpu.memory_space<vmem_shared>>
        %dma_wait3A_263 = arith.constant 0 : i32
        %dma_wait3A_264 = tpu.memref_slice %arg15[%mul3A_246, %dma_wait3A_263] : memref<10000x128xf32, #tpu.memory_space<vmem_shared>> -> memref<80x128xf32, #tpu.memory_space<vmem_shared>>
        %dma_wait3A_265 = arith.constant 0 : i32
        %dma_wait3A_266 = arith.constant 0 : i32
        %dma_wait3A_267 = tpu.memref_slice %arg12[%dma_wait3A_265, %dma_wait3A_266] : memref<128x128xf32, #tpu.memory_space<vmem>> -> memref<80x128xf32, #tpu.memory_space<vmem>>
        tpu.wait_dma2 semaphore(%run_scoped3A_247 : memref<!tpu.dma_semaphore, #tpu.memory_space<semaphore_mem>>) src(%dma_wait3A_267 : memref<80x128xf32, #tpu.memory_space<vmem>>) dst(%dma_wait3A_264 : memref<80x128xf32, #tpu.memory_space<vmem_shared>>)
        tpu.yield
      }) : () -> ()
    }
    %while3A_21 = arith.constant 1 : i32
    scf.for %while3A_242 = %while3A_19 to %while3A_15 step %while3A_21  : i32 {
      %mul3A_243 = arith.muli %while3A_242, %while3A : i32
      %add3A_244 = arith.addi %arg1, %mul3A_243 : i32
      %mul3A_245 = arith.constant 80 : i32
      %mul3A_246 = arith.muli %add3A_244, %mul3A_245 : i32
      "tpu.region"() ({
        %run_scoped3A_247 = tpu.sem_alloc : memref<!tpu.dma_semaphore, #tpu.memory_space<semaphore_mem>>
        %dma_start3A_248 = arith.constant 0 : i32
        %dma_start3A_249 = arith.constant 0 : i32
        %dma_start3A_250 = tpu.memref_slice %arg12[%dma_start3A_248, %dma_start3A_249] : memref<128x128xf32, #tpu.memory_space<vmem>> -> memref<80x128xf32, #tpu.memory_space<vmem>>
        %dma_start3A_251 = arith.constant 0 : i32
        %dma_start3A_252 = tpu.memref_slice %arg15[%mul3A_246, %dma_start3A_251] : memref<10000x128xf32, #tpu.memory_space<vmem_shared>> -> memref<80x128xf32, #tpu.memory_space<vmem_shared>>
        %dma_start3A_253 = arith.constant 0 : i32
        %dma_start3A_254 = tpu.memref_slice %arg15[%mul3A_246, %dma_start3A_253] : memref<10000x128xf32, #tpu.memory_space<vmem_shared>> -> memref<80x128xf32, #tpu.memory_space<vmem_shared>>
        %dma_start3A_255 = arith.constant 0 : i32
        %dma_start3A_256 = arith.constant 0 : i32
        %dma_start3A_257 = tpu.memref_slice %arg12[%dma_start3A_255, %dma_start3A_256] : memref<128x128xf32, #tpu.memory_space<vmem>> -> memref<80x128xf32, #tpu.memory_space<vmem>>
        tpu.enqueue_dma source(%dma_start3A_257 : memref<80x128xf32, #tpu.memory_space<vmem>>) target(%dma_start3A_254 : memref<80x128xf32, #tpu.memory_space<vmem_shared>>) target_semaphore(%run_scoped3A_247 : memref<!tpu.dma_semaphore, #tpu.memory_space<semaphore_mem>>)
        %dma_wait3A_258 = arith.constant 0 : i32
        %dma_wait3A_259 = arith.constant 0 : i32
        %dma_wait3A_260 = tpu.memref_slice %arg12[%dma_wait3A_258, %dma_wait3A_259] : memref<128x128xf32, #tpu.memory_space<vmem>> -> memref<80x128xf32, #tpu.memory_space<vmem>>
        %dma_wait3A_261 = arith.constant 0 : i32
        %dma_wait3A_262 = tpu.memref_slice %arg15[%mul3A_246, %dma_wait3A_261] : memref<10000x128xf32, #tpu.memory_space<vmem_shared>> -> memref<80x128xf32, #tpu.memory_space<vmem_shared>>
        %dma_wait3A_263 = arith.constant 0 : i32
        %dma_wait3A_264 = tpu.memref_slice %arg15[%mul3A_246, %dma_wait3A_263] : memref<10000x128xf32, #tpu.memory_space<vmem_shared>> -> memref<80x128xf32, #tpu.memory_space<vmem_shared>>
        %dma_wait3A_265 = arith.constant 0 : i32
        %dma_wait3A_266 = arith.constant 0 : i32
        %dma_wait3A_267 = tpu.memref_slice %arg12[%dma_wait3A_265, %dma_wait3A_266] : memref<128x128xf32, #tpu.memory_space<vmem>> -> memref<80x128xf32, #tpu.memory_space<vmem>>
        tpu.wait_dma2 semaphore(%run_scoped3A_247 : memref<!tpu.dma_semaphore, #tpu.memory_space<semaphore_mem>>) src(%dma_wait3A_267 : memref<80x128xf32, #tpu.memory_space<vmem>>) dst(%dma_wait3A_264 : memref<80x128xf32, #tpu.memory_space<vmem_shared>>)
        tpu.yield
      }) : () -> ()
    }
    %barrier3A = arith.constant 0 : index
    tpu.barrier barrier_id(%barrier3A)
    %add3A_22 = arith.constant 0 : i32
    %add3A_23 = arith.addi %mul3A_2, %add3A_22 : i32
    %run_scoped3A = arith.constant 0 : i32
    "tpu.region"() ({
      %run_scoped3A_242 = tpu.sem_alloc : memref<!tpu.dma_semaphore, #tpu.memory_space<semaphore_mem>>
      %dma_start3A_243 = arith.constant 0 : i32
      %dma_start3A_244 = tpu.memref_slice %arg8[%run_scoped3A, %dma_start3A_243] : memref<2x128xi32, #tpu.memory_space<vmem>> -> memref<1x128xi32, #tpu.memory_space<vmem>>
      %dma_start3A_245 = tpu.memref_squeeze %dma_start3A_244 : memref<1x128xi32, #tpu.memory_space<vmem>> -> memref<128xi32, #tpu.memory_space<vmem>>
      %dma_start3A_246 = tpu.memref_slice %arg3[%add3A_23] : memref<320000xi32, #tpu.memory_space<hbm>> -> memref<128xi32, #tpu.memory_space<hbm>>
      %dma_start3A_247 = arith.constant 0 : i32
      %dma_start3A_248 = tpu.memref_slice %arg8[%run_scoped3A, %dma_start3A_247] : memref<2x128xi32, #tpu.memory_space<vmem>> -> memref<1x128xi32, #tpu.memory_space<vmem>>
      %dma_start3A_249 = tpu.memref_squeeze %dma_start3A_248 : memref<1x128xi32, #tpu.memory_space<vmem>> -> memref<128xi32, #tpu.memory_space<vmem>>
      %dma_start3A_250 = tpu.memref_slice %arg3[%add3A_23] : memref<320000xi32, #tpu.memory_space<hbm>> -> memref<128xi32, #tpu.memory_space<hbm>>
      tpu.enqueue_dma source(%dma_start3A_250 : memref<128xi32, #tpu.memory_space<hbm>>) target(%dma_start3A_249 : memref<128xi32, #tpu.memory_space<vmem>>) target_semaphore(%run_scoped3A_242 : memref<!tpu.dma_semaphore, #tpu.memory_space<semaphore_mem>>)
      %dma_wait3A_251 = arith.constant 0 : i32
      %dma_wait3A_252 = tpu.memref_slice %arg8[%run_scoped3A, %dma_wait3A_251] : memref<2x128xi32, #tpu.memory_space<vmem>> -> memref<1x128xi32, #tpu.memory_space<vmem>>
      %dma_wait3A_253 = tpu.memref_squeeze %dma_wait3A_252 : memref<1x128xi32, #tpu.memory_space<vmem>> -> memref<128xi32, #tpu.memory_space<vmem>>
      %dma_wait3A_254 = tpu.memref_slice %arg3[%add3A_23] : memref<320000xi32, #tpu.memory_space<hbm>> -> memref<128xi32, #tpu.memory_space<hbm>>
      %dma_wait3A_255 = arith.constant 0 : i32
      %dma_wait3A_256 = tpu.memref_slice %arg8[%run_scoped3A, %dma_wait3A_255] : memref<2x128xi32, #tpu.memory_space<vmem>> -> memref<1x128xi32, #tpu.memory_space<vmem>>
      %dma_wait3A_257 = tpu.memref_squeeze %dma_wait3A_256 : memref<1x128xi32, #tpu.memory_space<vmem>> -> memref<128xi32, #tpu.memory_space<vmem>>
      %dma_wait3A_258 = tpu.memref_slice %arg3[%add3A_23] : memref<320000xi32, #tpu.memory_space<hbm>> -> memref<128xi32, #tpu.memory_space<hbm>>
      tpu.wait_dma2 semaphore(%run_scoped3A_242 : memref<!tpu.dma_semaphore, #tpu.memory_space<semaphore_mem>>) src(%dma_wait3A_258 : memref<128xi32, #tpu.memory_space<hbm>>) dst(%dma_wait3A_257 : memref<128xi32, #tpu.memory_space<vmem>>)
      tpu.yield
    }) : () -> ()
    %run_scoped3A_24 = arith.constant 0 : i32
    "tpu.region"() ({
      %run_scoped3A_242 = tpu.sem_alloc : memref<!tpu.dma_semaphore, #tpu.memory_space<semaphore_mem>>
      %dma_start3A_243 = arith.constant 0 : i32
      %dma_start3A_244 = tpu.memref_slice %arg9[%run_scoped3A_24, %dma_start3A_243] : memref<2x128xi32, #tpu.memory_space<vmem>> -> memref<1x128xi32, #tpu.memory_space<vmem>>
      %dma_start3A_245 = tpu.memref_squeeze %dma_start3A_244 : memref<1x128xi32, #tpu.memory_space<vmem>> -> memref<128xi32, #tpu.memory_space<vmem>>
      %dma_start3A_246 = tpu.memref_slice %arg4[%add3A_23] : memref<320000xi32, #tpu.memory_space<hbm>> -> memref<128xi32, #tpu.memory_space<hbm>>
      %dma_start3A_247 = arith.constant 0 : i32
      %dma_start3A_248 = tpu.memref_slice %arg9[%run_scoped3A_24, %dma_start3A_247] : memref<2x128xi32, #tpu.memory_space<vmem>> -> memref<1x128xi32, #tpu.memory_space<vmem>>
      %dma_start3A_249 = tpu.memref_squeeze %dma_start3A_248 : memref<1x128xi32, #tpu.memory_space<vmem>> -> memref<128xi32, #tpu.memory_space<vmem>>
      %dma_start3A_250 = tpu.memref_slice %arg4[%add3A_23] : memref<320000xi32, #tpu.memory_space<hbm>> -> memref<128xi32, #tpu.memory_space<hbm>>
      tpu.enqueue_dma source(%dma_start3A_250 : memref<128xi32, #tpu.memory_space<hbm>>) target(%dma_start3A_249 : memref<128xi32, #tpu.memory_space<vmem>>) target_semaphore(%run_scoped3A_242 : memref<!tpu.dma_semaphore, #tpu.memory_space<semaphore_mem>>)
      %dma_wait3A_251 = arith.constant 0 : i32
      %dma_wait3A_252 = tpu.memref_slice %arg9[%run_scoped3A_24, %dma_wait3A_251] : memref<2x128xi32, #tpu.memory_space<vmem>> -> memref<1x128xi32, #tpu.memory_space<vmem>>
      %dma_wait3A_253 = tpu.memref_squeeze %dma_wait3A_252 : memref<1x128xi32, #tpu.memory_space<vmem>> -> memref<128xi32, #tpu.memory_space<vmem>>
      %dma_wait3A_254 = tpu.memref_slice %arg4[%add3A_23] : memref<320000xi32, #tpu.memory_space<hbm>> -> memref<128xi32, #tpu.memory_space<hbm>>
      %dma_wait3A_255 = arith.constant 0 : i32
      %dma_wait3A_256 = tpu.memref_slice %arg9[%run_scoped3A_24, %dma_wait3A_255] : memref<2x128xi32, #tpu.memory_space<vmem>> -> memref<1x128xi32, #tpu.memory_space<vmem>>
      %dma_wait3A_257 = tpu.memref_squeeze %dma_wait3A_256 : memref<1x128xi32, #tpu.memory_space<vmem>> -> memref<128xi32, #tpu.memory_space<vmem>>
      %dma_wait3A_258 = tpu.memref_slice %arg4[%add3A_23] : memref<320000xi32, #tpu.memory_space<hbm>> -> memref<128xi32, #tpu.memory_space<hbm>>
      tpu.wait_dma2 semaphore(%run_scoped3A_242 : memref<!tpu.dma_semaphore, #tpu.memory_space<semaphore_mem>>) src(%dma_wait3A_258 : memref<128xi32, #tpu.memory_space<hbm>>) dst(%dma_wait3A_257 : memref<128xi32, #tpu.memory_space<vmem>>)
      tpu.yield
    }) : () -> ()
    %add3A_25 = arith.constant 128 : i32
    %add3A_26 = arith.addi %mul3A_2, %add3A_25 : i32
    %dma_start3A = arith.constant 1 : i32
    %dma_start3A_27 = arith.constant 0 : i32
    %dma_start3A_28 = tpu.memref_slice %arg8[%dma_start3A, %dma_start3A_27] : memref<2x128xi32, #tpu.memory_space<vmem>> -> memref<1x128xi32, #tpu.memory_space<vmem>>
    %dma_start3A_29 = tpu.memref_squeeze %dma_start3A_28 : memref<1x128xi32, #tpu.memory_space<vmem>> -> memref<128xi32, #tpu.memory_space<vmem>>
    %dma_start3A_30 = tpu.memref_slice %arg3[%add3A_26] : memref<320000xi32, #tpu.memory_space<hbm>> -> memref<128xi32, #tpu.memory_space<hbm>>
    %dma_start3A_31 = arith.constant 0 : i32
    %dma_start3A_32 = tpu.memref_slice %arg8[%dma_start3A, %dma_start3A_31] : memref<2x128xi32, #tpu.memory_space<vmem>> -> memref<1x128xi32, #tpu.memory_space<vmem>>
    %dma_start3A_33 = tpu.memref_squeeze %dma_start3A_32 : memref<1x128xi32, #tpu.memory_space<vmem>> -> memref<128xi32, #tpu.memory_space<vmem>>
    %dma_start3A_34 = tpu.memref_slice %arg3[%add3A_26] : memref<320000xi32, #tpu.memory_space<hbm>> -> memref<128xi32, #tpu.memory_space<hbm>>
    tpu.enqueue_dma source(%dma_start3A_34 : memref<128xi32, #tpu.memory_space<hbm>>) target(%dma_start3A_33 : memref<128xi32, #tpu.memory_space<vmem>>) target_semaphore(%arg19 : memref<!tpu.dma_semaphore, #tpu.memory_space<semaphore_mem>>)
    %dma_start3A_35 = arith.constant 1 : i32
    %dma_start3A_36 = arith.constant 0 : i32
    %dma_start3A_37 = tpu.memref_slice %arg9[%dma_start3A_35, %dma_start3A_36] : memref<2x128xi32, #tpu.memory_space<vmem>> -> memref<1x128xi32, #tpu.memory_space<vmem>>
    %dma_start3A_38 = tpu.memref_squeeze %dma_start3A_37 : memref<1x128xi32, #tpu.memory_space<vmem>> -> memref<128xi32, #tpu.memory_space<vmem>>
    %dma_start3A_39 = tpu.memref_slice %arg4[%add3A_26] : memref<320000xi32, #tpu.memory_space<hbm>> -> memref<128xi32, #tpu.memory_space<hbm>>
    %dma_start3A_40 = arith.constant 0 : i32
    %dma_start3A_41 = tpu.memref_slice %arg9[%dma_start3A_35, %dma_start3A_40] : memref<2x128xi32, #tpu.memory_space<vmem>> -> memref<1x128xi32, #tpu.memory_space<vmem>>
    %dma_start3A_42 = tpu.memref_squeeze %dma_start3A_41 : memref<1x128xi32, #tpu.memory_space<vmem>> -> memref<128xi32, #tpu.memory_space<vmem>>
    %dma_start3A_43 = tpu.memref_slice %arg4[%add3A_26] : memref<320000xi32, #tpu.memory_space<hbm>> -> memref<128xi32, #tpu.memory_space<hbm>>
    tpu.enqueue_dma source(%dma_start3A_43 : memref<128xi32, #tpu.memory_space<hbm>>) target(%dma_start3A_42 : memref<128xi32, #tpu.memory_space<vmem>>) target_semaphore(%arg19 : memref<!tpu.dma_semaphore, #tpu.memory_space<semaphore_mem>>)
    %dma_start3A_44 = arith.constant 0 : i32
    %dma_start3A_45 = arith.constant 0 : i32
    %dma_start3A_46 = tpu.memref_slice %arg8[%dma_start3A_44, %dma_start3A_45] : memref<2x128xi32, #tpu.memory_space<vmem>> -> memref<1x128xi32, #tpu.memory_space<vmem>>
    %dma_start3A_47 = tpu.memref_squeeze %dma_start3A_46 : memref<1x128xi32, #tpu.memory_space<vmem>> -> memref<128xi32, #tpu.memory_space<vmem>>
    %dma_start3A_48 = arith.constant 0 : i32
    %dma_start3A_49 = arith.constant 0 : i32
    %dma_start3A_50 = tpu.memref_slice %arg2[%dma_start3A_48, %dma_start3A_49] : memref<10000x128xf32, #tpu.memory_space<hbm>> -> memref<10000x128xf32, #tpu.memory_space<hbm>>
    tpu.enqueue_indirect_dma source(%dma_start3A_50 : memref<10000x128xf32, #tpu.memory_space<hbm>>) target(%arg12 : memref<128x128xf32, #tpu.memory_space<vmem>>) offsets(%dma_start3A_47 : memref<128xi32, #tpu.memory_space<vmem>>) semaphore(%arg16 : memref<!tpu.dma_semaphore, #tpu.memory_space<semaphore_mem>>)
    %scan3A_51 = arith.constant 0 : i32
    %scan3A_52 = arith.constant 38 : i32
    %scan3A_53 = arith.addi %scan3A_51, %scan3A_52 : i32
    %scan3A_54 = arith.constant 1 : i32
    scf.for %scan3A_242 = %scan3A_51 to %scan3A_53 step %scan3A_54  : i32 {
      %mul3A_243 = arith.constant 1 : i32
      %mul3A_244 = arith.muli %scan3A_242, %mul3A_243 : i32
      %add3A_245 = arith.constant 0 : i32
      %add3A_246 = arith.addi %add3A_245, %mul3A_244 : i32
      %mul3A_247 = arith.constant 2 : i32
      %mul3A_248 = arith.muli %mul3A_247, %add3A_246 : i32
      %dma_wait3A_249 = arith.constant 1 : i32
      %dma_wait3A_250 = arith.constant 0 : i32
      %dma_wait3A_251 = tpu.memref_slice %arg8[%dma_wait3A_249, %dma_wait3A_250] : memref<2x128xi32, #tpu.memory_space<vmem>> -> memref<1x128xi32, #tpu.memory_space<vmem>>
      %dma_wait3A_252 = tpu.memref_squeeze %dma_wait3A_251 : memref<1x128xi32, #tpu.memory_space<vmem>> -> memref<128xi32, #tpu.memory_space<vmem>>
      %dma_wait3A_253 = arith.constant 0 : i32
      %dma_wait3A_254 = tpu.memref_slice %arg3[%dma_wait3A_253] : memref<320000xi32, #tpu.memory_space<hbm>> -> memref<128xi32, #tpu.memory_space<hbm>>
      %dma_wait3A_255 = arith.constant 0 : i32
      %dma_wait3A_256 = tpu.memref_slice %arg8[%dma_wait3A_249, %dma_wait3A_255] : memref<2x128xi32, #tpu.memory_space<vmem>> -> memref<1x128xi32, #tpu.memory_space<vmem>>
      %dma_wait3A_257 = tpu.memref_squeeze %dma_wait3A_256 : memref<1x128xi32, #tpu.memory_space<vmem>> -> memref<128xi32, #tpu.memory_space<vmem>>
      %dma_wait3A_258 = arith.constant 0 : i32
      %dma_wait3A_259 = tpu.memref_slice %arg3[%dma_wait3A_258] : memref<320000xi32, #tpu.memory_space<hbm>> -> memref<128xi32, #tpu.memory_space<hbm>>
      tpu.wait_dma2 semaphore(%arg19 : memref<!tpu.dma_semaphore, #tpu.memory_space<semaphore_mem>>) src(%dma_wait3A_259 : memref<128xi32, #tpu.memory_space<hbm>>) dst(%dma_wait3A_257 : memref<128xi32, #tpu.memory_space<vmem>>)
      %dma_wait3A_260 = arith.constant 1 : i32
      %dma_wait3A_261 = arith.constant 0 : i32
      %dma_wait3A_262 = tpu.memref_slice %arg9[%dma_wait3A_260, %dma_wait3A_261] : memref<2x128xi32, #tpu.memory_space<vmem>> -> memref<1x128xi32, #tpu.memory_space<vmem>>
      %dma_wait3A_263 = tpu.memref_squeeze %dma_wait3A_262 : memref<1x128xi32, #tpu.memory_space<vmem>> -> memref<128xi32, #tpu.memory_space<vmem>>
      %dma_wait3A_264 = arith.constant 0 : i32
      %dma_wait3A_265 = tpu.memref_slice %arg3[%dma_wait3A_264] : memref<320000xi32, #tpu.memory_space<hbm>> -> memref<128xi32, #tpu.memory_space<hbm>>
      %dma_wait3A_266 = arith.constant 0 : i32
      %dma_wait3A_267 = tpu.memref_slice %arg9[%dma_wait3A_260, %dma_wait3A_266] : memref<2x128xi32, #tpu.memory_space<vmem>> -> memref<1x128xi32, #tpu.memory_space<vmem>>
      %dma_wait3A_268 = tpu.memref_squeeze %dma_wait3A_267 : memref<1x128xi32, #tpu.memory_space<vmem>> -> memref<128xi32, #tpu.memory_space<vmem>>
      %dma_wait3A_269 = arith.constant 0 : i32
      %dma_wait3A_270 = tpu.memref_slice %arg3[%dma_wait3A_269] : memref<320000xi32, #tpu.memory_space<hbm>> -> memref<128xi32, #tpu.memory_space<hbm>>
      tpu.wait_dma2 semaphore(%arg19 : memref<!tpu.dma_semaphore, #tpu.memory_space<semaphore_mem>>) src(%dma_wait3A_270 : memref<128xi32, #tpu.memory_space<hbm>>) dst(%dma_wait3A_268 : memref<128xi32, #tpu.memory_space<vmem>>)
      %dma_start3A_271 = arith.constant 1 : i32
      %dma_start3A_272 = arith.constant 0 : i32
      %dma_start3A_273 = tpu.memref_slice %arg8[%dma_start3A_271, %dma_start3A_272] : memref<2x128xi32, #tpu.memory_space<vmem>> -> memref<1x128xi32, #tpu.memory_space<vmem>>
      %dma_start3A_274 = tpu.memref_squeeze %dma_start3A_273 : memref<1x128xi32, #tpu.memory_space<vmem>> -> memref<128xi32, #tpu.memory_space<vmem>>
      %dma_start3A_275 = arith.constant 0 : i32
      %dma_start3A_276 = arith.constant 0 : i32
      %dma_start3A_277 = tpu.memref_slice %arg2[%dma_start3A_275, %dma_start3A_276] : memref<10000x128xf32, #tpu.memory_space<hbm>> -> memref<10000x128xf32, #tpu.memory_space<hbm>>
      tpu.enqueue_indirect_dma source(%dma_start3A_277 : memref<10000x128xf32, #tpu.memory_space<hbm>>) target(%arg13 : memref<128x128xf32, #tpu.memory_space<vmem>>) offsets(%dma_start3A_274 : memref<128xi32, #tpu.memory_space<vmem>>) semaphore(%arg17 : memref<!tpu.dma_semaphore, #tpu.memory_space<semaphore_mem>>)
      %get3A_278 = arith.constant 0 : i32
      %get3A_279 = arith.index_cast %get3A_278 : i32 to index
      %get3A_280 = arith.constant 0 : index
      %get3A_281 = tpu.vector_load %arg9[%get3A_279, %get3A_280] {strides = array<i32>} : memref<2x128xi32, #tpu.memory_space<vmem>>, vector<16xi32>,
      %broadcast_in_dim3A_282 = arith.constant 1.000000e+00 : f32
      %broadcast_in_dim3A_283 = vector.broadcast %broadcast_in_dim3A_282 : f32 to vector<16xf32>
      tpu.vector_store_idx %arg14[%get3A_281], %broadcast_in_dim3A_283 {add = true} : memref<10240xf32, #tpu.memory_space<vmem>>[vector<16xi32>], vector<16xf32>,
      %get3A_284 = arith.constant 0 : i32
      %get3A_285 = arith.index_cast %get3A_284 : i32 to index
      %get3A_286 = arith.constant 16 : index
      %get3A_287 = tpu.vector_load %arg9[%get3A_285, %get3A_286] {strides = array<i32>} : memref<2x128xi32, #tpu.memory_space<vmem>>, vector<16xi32>,
      %broadcast_in_dim3A_288 = arith.constant 1.000000e+00 : f32
      %broadcast_in_dim3A_289 = vector.broadcast %broadcast_in_dim3A_288 : f32 to vector<16xf32>
      tpu.vector_store_idx %arg14[%get3A_287], %broadcast_in_dim3A_289 {add = true} : memref<10240xf32, #tpu.memory_space<vmem>>[vector<16xi32>], vector<16xf32>,
      %get3A_290 = arith.constant 0 : i32
      %get3A_291 = arith.index_cast %get3A_290 : i32 to index
      %get3A_292 = arith.constant 32 : index
      %get3A_293 = tpu.vector_load %arg9[%get3A_291, %get3A_292] {strides = array<i32>} : memref<2x128xi32, #tpu.memory_space<vmem>>, vector<16xi32>,
      %broadcast_in_dim3A_294 = arith.constant 1.000000e+00 : f32
      %broadcast_in_dim3A_295 = vector.broadcast %broadcast_in_dim3A_294 : f32 to vector<16xf32>
      tpu.vector_store_idx %arg14[%get3A_293], %broadcast_in_dim3A_295 {add = true} : memref<10240xf32, #tpu.memory_space<vmem>>[vector<16xi32>], vector<16xf32>,
      %get3A_296 = arith.constant 0 : i32
      %get3A_297 = arith.index_cast %get3A_296 : i32 to index
      %get3A_298 = arith.constant 48 : index
      %get3A_299 = tpu.vector_load %arg9[%get3A_297, %get3A_298] {strides = array<i32>} : memref<2x128xi32, #tpu.memory_space<vmem>>, vector<16xi32>,
      %broadcast_in_dim3A_300 = arith.constant 1.000000e+00 : f32
      %broadcast_in_dim3A_301 = vector.broadcast %broadcast_in_dim3A_300 : f32 to vector<16xf32>
      tpu.vector_store_idx %arg14[%get3A_299], %broadcast_in_dim3A_301 {add = true} : memref<10240xf32, #tpu.memory_space<vmem>>[vector<16xi32>], vector<16xf32>,
      %get3A_302 = arith.constant 0 : i32
      %get3A_303 = arith.index_cast %get3A_302 : i32 to index
      %get3A_304 = arith.constant 64 : index
      %get3A_305 = tpu.vector_load %arg9[%get3A_303, %get3A_304] {strides = array<i32>} : memref<2x128xi32, #tpu.memory_space<vmem>>, vector<16xi32>,
      %broadcast_in_dim3A_306 = arith.constant 1.000000e+00 : f32
      %broadcast_in_dim3A_307 = vector.broadcast %broadcast_in_dim3A_306 : f32 to vector<16xf32>
      tpu.vector_store_idx %arg14[%get3A_305], %broadcast_in_dim3A_307 {add = true} : memref<10240xf32, #tpu.memory_space<vmem>>[vector<16xi32>], vector<16xf32>,
      %get3A_308 = arith.constant 0 : i32
      %get3A_309 = arith.index_cast %get3A_308 : i32 to index
      %get3A_310 = arith.constant 80 : index
      %get3A_311 = tpu.vector_load %arg9[%get3A_309, %get3A_310] {strides = array<i32>} : memref<2x128xi32, #tpu.memory_space<vmem>>, vector<16xi32>,
      %broadcast_in_dim3A_312 = arith.constant 1.000000e+00 : f32
      %broadcast_in_dim3A_313 = vector.broadcast %broadcast_in_dim3A_312 : f32 to vector<16xf32>
      tpu.vector_store_idx %arg14[%get3A_311], %broadcast_in_dim3A_313 {add = true} : memref<10240xf32, #tpu.memory_space<vmem>>[vector<16xi32>], vector<16xf32>,
      %get3A_314 = arith.constant 0 : i32
      %get3A_315 = arith.index_cast %get3A_314 : i32 to index
      %get3A_316 = arith.constant 96 : index
      %get3A_317 = tpu.vector_load %arg9[%get3A_315, %get3A_316] {strides = array<i32>} : memref<2x128xi32, #tpu.memory_space<vmem>>, vector<16xi32>,
      %broadcast_in_dim3A_318 = arith.constant 1.000000e+00 : f32
      %broadcast_in_dim3A_319 = vector.broadcast %broadcast_in_dim3A_318 : f32 to vector<16xf32>
      tpu.vector_store_idx %arg14[%get3A_317], %broadcast_in_dim3A_319 {add = true} : memref<10240xf32, #tpu.memory_space<vmem>>[vector<16xi32>], vector<16xf32>,
      %get3A_320 = arith.constant 0 : i32
      %get3A_321 = arith.index_cast %get3A_320 : i32 to index
      %get3A_322 = arith.constant 112 : index
      %get3A_323 = tpu.vector_load %arg9[%get3A_321, %get3A_322] {strides = array<i32>} : memref<2x128xi32, #tpu.memory_space<vmem>>, vector<16xi32>,
      %broadcast_in_dim3A_324 = arith.constant 1.000000e+00 : f32
      %broadcast_in_dim3A_325 = vector.broadcast %broadcast_in_dim3A_324 : f32 to vector<16xf32>
      tpu.vector_store_idx %arg14[%get3A_323], %broadcast_in_dim3A_325 {add = true} : memref<10240xf32, #tpu.memory_space<vmem>>[vector<16xi32>], vector<16xf32>,
      %dma_wait3A_326 = arith.constant 0 : i32
      %dma_wait3A_327 = arith.constant 0 : i32
      %dma_wait3A_328 = tpu.memref_slice %arg2[%dma_wait3A_326, %dma_wait3A_327] : memref<10000x128xf32, #tpu.memory_space<hbm>> -> memref<128x128xf32, #tpu.memory_space<hbm>>
      %dma_wait3A_329 = arith.constant 0 : i32
      %dma_wait3A_330 = arith.constant 0 : i32
      %dma_wait3A_331 = tpu.memref_slice %arg2[%dma_wait3A_329, %dma_wait3A_330] : memref<10000x128xf32, #tpu.memory_space<hbm>> -> memref<128x128xf32, #tpu.memory_space<hbm>>
      tpu.wait_dma2 semaphore(%arg16 : memref<!tpu.dma_semaphore, #tpu.memory_space<semaphore_mem>>) src(%dma_wait3A_331 : memref<128x128xf32, #tpu.memory_space<hbm>>) dst(%arg12 : memref<128x128xf32, #tpu.memory_space<vmem>>)
      %run_scoped3A_332 = arith.constant 0 : i32
      "tpu.region"() ({
        %run_scoped3A_463 = tpu.sem_alloc : memref<!tpu.dma_semaphore, #tpu.memory_space<semaphore_mem>>
        %dma_start3A_464 = arith.constant 0 : i32
        %dma_start3A_465 = tpu.memref_slice %arg9[%run_scoped3A_332, %dma_start3A_464] : memref<2x128xi32, #tpu.memory_space<vmem>> -> memref<1x128xi32, #tpu.memory_space<vmem>>
        %dma_start3A_466 = tpu.memref_squeeze %dma_start3A_465 : memref<1x128xi32, #tpu.memory_space<vmem>> -> memref<128xi32, #tpu.memory_space<vmem>>
        %dma_start3A_467 = arith.constant 0 : i32
        %dma_start3A_468 = arith.constant 0 : i32
        %dma_start3A_469 = tpu.memref_slice %arg15[%dma_start3A_467, %dma_start3A_468] : memref<10000x128xf32, #tpu.memory_space<vmem_shared>> -> memref<10000x128xf32, #tpu.memory_space<vmem_shared>>
        tpu.enqueue_indirect_dma source(%arg12 : memref<128x128xf32, #tpu.memory_space<vmem>>) target(%dma_start3A_469 : memref<10000x128xf32, #tpu.memory_space<vmem_shared>>) offsets(%dma_start3A_466 : memref<128xi32, #tpu.memory_space<vmem>>) semaphore(%run_scoped3A_463 : memref<!tpu.dma_semaphore, #tpu.memory_space<semaphore_mem>>) {add = true}
        %dma_wait3A_470 = arith.constant 0 : i32
        %dma_wait3A_471 = tpu.memref_slice %arg9[%run_scoped3A_332, %dma_wait3A_470] : memref<2x128xi32, #tpu.memory_space<vmem>> -> memref<1x128xi32, #tpu.memory_space<vmem>>
        %dma_wait3A_472 = tpu.memref_squeeze %dma_wait3A_471 : memref<1x128xi32, #tpu.memory_space<vmem>> -> memref<128xi32, #tpu.memory_space<vmem>>
        %dma_wait3A_473 = arith.constant 0 : i32
        %dma_wait3A_474 = arith.constant 0 : i32
        %dma_wait3A_475 = tpu.memref_slice %arg15[%dma_wait3A_473, %dma_wait3A_474] : memref<10000x128xf32, #tpu.memory_space<vmem_shared>> -> memref<10000x128xf32, #tpu.memory_space<vmem_shared>>
        tpu.wait_indirect_dma semaphore(%run_scoped3A_463 : memref<!tpu.dma_semaphore, #tpu.memory_space<semaphore_mem>>) src(%arg12 : memref<128x128xf32, #tpu.memory_space<vmem>>) dst(%dma_wait3A_475 : memref<10000x128xf32, #tpu.memory_space<vmem_shared>>)
        tpu.yield
      }) : () -> ()
      %add3A_333 = arith.constant 2 : i32
      %add3A_334 = arith.addi %mul3A_248, %add3A_333 : i32
      %mul3A_335 = arith.constant 128 : i32
      %mul3A_336 = arith.muli %add3A_334, %mul3A_335 : i32
      %add3A_337 = arith.addi %mul3A_2, %mul3A_336 : i32
      %dma_start3A_338 = arith.constant 0 : i32
      %dma_start3A_339 = arith.constant 0 : i32
      %dma_start3A_340 = tpu.memref_slice %arg8[%dma_start3A_338, %dma_start3A_339] : memref<2x128xi32, #tpu.memory_space<vmem>> -> memref<1x128xi32, #tpu.memory_space<vmem>>
      %dma_start3A_341 = tpu.memref_squeeze %dma_start3A_340 : memref<1x128xi32, #tpu.memory_space<vmem>> -> memref<128xi32, #tpu.memory_space<vmem>>
      %dma_start3A_342 = tpu.memref_slice %arg3[%add3A_337] : memref<320000xi32, #tpu.memory_space<hbm>> -> memref<128xi32, #tpu.memory_space<hbm>>
      %dma_start3A_343 = arith.constant 0 : i32
      %dma_start3A_344 = tpu.memref_slice %arg8[%dma_start3A_338, %dma_start3A_343] : memref<2x128xi32, #tpu.memory_space<vmem>> -> memref<1x128xi32, #tpu.memory_space<vmem>>
      %dma_start3A_345 = tpu.memref_squeeze %dma_start3A_344 : memref<1x128xi32, #tpu.memory_space<vmem>> -> memref<128xi32, #tpu.memory_space<vmem>>
      %dma_start3A_346 = tpu.memref_slice %arg3[%add3A_337] : memref<320000xi32, #tpu.memory_space<hbm>> -> memref<128xi32, #tpu.memory_space<hbm>>
      tpu.enqueue_dma source(%dma_start3A_346 : memref<128xi32, #tpu.memory_space<hbm>>) target(%dma_start3A_345 : memref<128xi32, #tpu.memory_space<vmem>>) target_semaphore(%arg18 : memref<!tpu.dma_semaphore, #tpu.memory_space<semaphore_mem>>)
      %dma_start3A_347 = arith.constant 0 : i32
      %dma_start3A_348 = arith.constant 0 : i32
      %dma_start3A_349 = tpu.memref_slice %arg9[%dma_start3A_347, %dma_start3A_348] : memref<2x128xi32, #tpu.memory_space<vmem>> -> memref<1x128xi32, #tpu.memory_space<vmem>>
      %dma_start3A_350 = tpu.memref_squeeze %dma_start3A_349 : memref<1x128xi32, #tpu.memory_space<vmem>> -> memref<128xi32, #tpu.memory_space<vmem>>
      %dma_start3A_351 = tpu.memref_slice %arg4[%add3A_337] : memref<320000xi32, #tpu.memory_space<hbm>> -> memref<128xi32, #tpu.memory_space<hbm>>
      %dma_start3A_352 = arith.constant 0 : i32
      %dma_start3A_353 = tpu.memref_slice %arg9[%dma_start3A_347, %dma_start3A_352] : memref<2x128xi32, #tpu.memory_space<vmem>> -> memref<1x128xi32, #tpu.memory_space<vmem>>
      %dma_start3A_354 = tpu.memref_squeeze %dma_start3A_353 : memref<1x128xi32, #tpu.memory_space<vmem>> -> memref<128xi32, #tpu.memory_space<vmem>>
      %dma_start3A_355 = tpu.memref_slice %arg4[%add3A_337] : memref<320000xi32, #tpu.memory_space<hbm>> -> memref<128xi32, #tpu.memory_space<hbm>>
      tpu.enqueue_dma source(%dma_start3A_355 : memref<128xi32, #tpu.memory_space<hbm>>) target(%dma_start3A_354 : memref<128xi32, #tpu.memory_space<vmem>>) target_semaphore(%arg18 : memref<!tpu.dma_semaphore, #tpu.memory_space<semaphore_mem>>)
      %dma_wait3A_356 = arith.constant 0 : i32
      %dma_wait3A_357 = arith.constant 0 : i32
      %dma_wait3A_358 = tpu.memref_slice %arg8[%dma_wait3A_356, %dma_wait3A_357] : memref<2x128xi32, #tpu.memory_space<vmem>> -> memref<1x128xi32, #tpu.memory_space<vmem>>
      %dma_wait3A_359 = tpu.memref_squeeze %dma_wait3A_358 : memref<1x128xi32, #tpu.memory_space<vmem>> -> memref<128xi32, #tpu.memory_space<vmem>>
      %dma_wait3A_360 = arith.constant 0 : i32
      %dma_wait3A_361 = tpu.memref_slice %arg3[%dma_wait3A_360] : memref<320000xi32, #tpu.memory_space<hbm>> -> memref<128xi32, #tpu.memory_space<hbm>>
      %dma_wait3A_362 = arith.constant 0 : i32
      %dma_wait3A_363 = tpu.memref_slice %arg8[%dma_wait3A_356, %dma_wait3A_362] : memref<2x128xi32, #tpu.memory_space<vmem>> -> memref<1x128xi32, #tpu.memory_space<vmem>>
      %dma_wait3A_364 = tpu.memref_squeeze %dma_wait3A_363 : memref<1x128xi32, #tpu.memory_space<vmem>> -> memref<128xi32, #tpu.memory_space<vmem>>
      %dma_wait3A_365 = arith.constant 0 : i32
      %dma_wait3A_366 = tpu.memref_slice %arg3[%dma_wait3A_365] : memref<320000xi32, #tpu.memory_space<hbm>> -> memref<128xi32, #tpu.memory_space<hbm>>
      tpu.wait_dma2 semaphore(%arg18 : memref<!tpu.dma_semaphore, #tpu.memory_space<semaphore_mem>>) src(%dma_wait3A_366 : memref<128xi32, #tpu.memory_space<hbm>>) dst(%dma_wait3A_364 : memref<128xi32, #tpu.memory_space<vmem>>)
      %dma_wait3A_367 = arith.constant 0 : i32
      %dma_wait3A_368 = arith.constant 0 : i32
      %dma_wait3A_369 = tpu.memref_slice %arg9[%dma_wait3A_367, %dma_wait3A_368] : memref<2x128xi32, #tpu.memory_space<vmem>> -> memref<1x128xi32, #tpu.memory_space<vmem>>
      %dma_wait3A_370 = tpu.memref_squeeze %dma_wait3A_369 : memref<1x128xi32, #tpu.memory_space<vmem>> -> memref<128xi32, #tpu.memory_space<vmem>>
      %dma_wait3A_371 = arith.constant 0 : i32
      %dma_wait3A_372 = tpu.memref_slice %arg3[%dma_wait3A_371] : memref<320000xi32, #tpu.memory_space<hbm>> -> memref<128xi32, #tpu.memory_space<hbm>>
      %dma_wait3A_373 = arith.constant 0 : i32
      %dma_wait3A_374 = tpu.memref_slice %arg9[%dma_wait3A_367, %dma_wait3A_373] : memref<2x128xi32, #tpu.memory_space<vmem>> -> memref<1x128xi32, #tpu.memory_space<vmem>>
      %dma_wait3A_375 = tpu.memref_squeeze %dma_wait3A_374 : memref<1x128xi32, #tpu.memory_space<vmem>> -> memref<128xi32, #tpu.memory_space<vmem>>
      %dma_wait3A_376 = arith.constant 0 : i32
      %dma_wait3A_377 = tpu.memref_slice %arg3[%dma_wait3A_376] : memref<320000xi32, #tpu.memory_space<hbm>> -> memref<128xi32, #tpu.memory_space<hbm>>
      tpu.wait_dma2 semaphore(%arg18 : memref<!tpu.dma_semaphore, #tpu.memory_space<semaphore_mem>>) src(%dma_wait3A_377 : memref<128xi32, #tpu.memory_space<hbm>>) dst(%dma_wait3A_375 : memref<128xi32, #tpu.memory_space<vmem>>)
      %dma_start3A_378 = arith.constant 0 : i32
      %dma_start3A_379 = arith.constant 0 : i32
      %dma_start3A_380 = tpu.memref_slice %arg8[%dma_start3A_378, %dma_start3A_379] : memref<2x128xi32, #tpu.memory_space<vmem>> -> memref<1x128xi32, #tpu.memory_space<vmem>>
      %dma_start3A_381 = tpu.memref_squeeze %dma_start3A_380 : memref<1x128xi32, #tpu.memory_space<vmem>> -> memref<128xi32, #tpu.memory_space<vmem>>
      %dma_start3A_382 = arith.constant 0 : i32
      %dma_start3A_383 = arith.constant 0 : i32
      %dma_start3A_384 = tpu.memref_slice %arg2[%dma_start3A_382, %dma_start3A_383] : memref<10000x128xf32, #tpu.memory_space<hbm>> -> memref<10000x128xf32, #tpu.memory_space<hbm>>
      tpu.enqueue_indirect_dma source(%dma_start3A_384 : memref<10000x128xf32, #tpu.memory_space<hbm>>) target(%arg12 : memref<128x128xf32, #tpu.memory_space<vmem>>) offsets(%dma_start3A_381 : memref<128xi32, #tpu.memory_space<vmem>>) semaphore(%arg16 : memref<!tpu.dma_semaphore, #tpu.memory_space<semaphore_mem>>)
      %get3A_385 = arith.constant 1 : i32
      %get3A_386 = arith.index_cast %get3A_385 : i32 to index
      %get3A_387 = arith.constant 0 : index
      %get3A_388 = tpu.vector_load %arg9[%get3A_386, %get3A_387] {strides = array<i32>} : memref<2x128xi32, #tpu.memory_space<vmem>>, vector<16xi32>,
      %broadcast_in_dim3A_389 = arith.constant 1.000000e+00 : f32
      %broadcast_in_dim3A_390 = vector.broadcast %broadcast_in_dim3A_389 : f32 to vector<16xf32>
      tpu.vector_store_idx %arg14[%get3A_388], %broadcast_in_dim3A_390 {add = true} : memref<10240xf32, #tpu.memory_space<vmem>>[vector<16xi32>], vector<16xf32>,
      %get3A_391 = arith.constant 1 : i32
      %get3A_392 = arith.index_cast %get3A_391 : i32 to index
      %get3A_393 = arith.constant 16 : index
      %get3A_394 = tpu.vector_load %arg9[%get3A_392, %get3A_393] {strides = array<i32>} : memref<2x128xi32, #tpu.memory_space<vmem>>, vector<16xi32>,
      %broadcast_in_dim3A_395 = arith.constant 1.000000e+00 : f32
      %broadcast_in_dim3A_396 = vector.broadcast %broadcast_in_dim3A_395 : f32 to vector<16xf32>
      tpu.vector_store_idx %arg14[%get3A_394], %broadcast_in_dim3A_396 {add = true} : memref<10240xf32, #tpu.memory_space<vmem>>[vector<16xi32>], vector<16xf32>,
      %get3A_397 = arith.constant 1 : i32
      %get3A_398 = arith.index_cast %get3A_397 : i32 to index
      %get3A_399 = arith.constant 32 : index
      %get3A_400 = tpu.vector_load %arg9[%get3A_398, %get3A_399] {strides = array<i32>} : memref<2x128xi32, #tpu.memory_space<vmem>>, vector<16xi32>,
      %broadcast_in_dim3A_401 = arith.constant 1.000000e+00 : f32
      %broadcast_in_dim3A_402 = vector.broadcast %broadcast_in_dim3A_401 : f32 to vector<16xf32>
      tpu.vector_store_idx %arg14[%get3A_400], %broadcast_in_dim3A_402 {add = true} : memref<10240xf32, #tpu.memory_space<vmem>>[vector<16xi32>], vector<16xf32>,
      %get3A_403 = arith.constant 1 : i32
      %get3A_404 = arith.index_cast %get3A_403 : i32 to index
      %get3A_405 = arith.constant 48 : index
      %get3A_406 = tpu.vector_load %arg9[%get3A_404, %get3A_405] {strides = array<i32>} : memref<2x128xi32, #tpu.memory_space<vmem>>, vector<16xi32>,
      %broadcast_in_dim3A_407 = arith.constant 1.000000e+00 : f32
      %broadcast_in_dim3A_408 = vector.broadcast %broadcast_in_dim3A_407 : f32 to vector<16xf32>
      tpu.vector_store_idx %arg14[%get3A_406], %broadcast_in_dim3A_408 {add = true} : memref<10240xf32, #tpu.memory_space<vmem>>[vector<16xi32>], vector<16xf32>,
      %get3A_409 = arith.constant 1 : i32
      %get3A_410 = arith.index_cast %get3A_409 : i32 to index
      %get3A_411 = arith.constant 64 : index
      %get3A_412 = tpu.vector_load %arg9[%get3A_410, %get3A_411] {strides = array<i32>} : memref<2x128xi32, #tpu.memory_space<vmem>>, vector<16xi32>,
      %broadcast_in_dim3A_413 = arith.constant 1.000000e+00 : f32
      %broadcast_in_dim3A_414 = vector.broadcast %broadcast_in_dim3A_413 : f32 to vector<16xf32>
      tpu.vector_store_idx %arg14[%get3A_412], %broadcast_in_dim3A_414 {add = true} : memref<10240xf32, #tpu.memory_space<vmem>>[vector<16xi32>], vector<16xf32>,
      %get3A_415 = arith.constant 1 : i32
      %get3A_416 = arith.index_cast %get3A_415 : i32 to index
      %get3A_417 = arith.constant 80 : index
      %get3A_418 = tpu.vector_load %arg9[%get3A_416, %get3A_417] {strides = array<i32>} : memref<2x128xi32, #tpu.memory_space<vmem>>, vector<16xi32>,
      %broadcast_in_dim3A_419 = arith.constant 1.000000e+00 : f32
      %broadcast_in_dim3A_420 = vector.broadcast %broadcast_in_dim3A_419 : f32 to vector<16xf32>
      tpu.vector_store_idx %arg14[%get3A_418], %broadcast_in_dim3A_420 {add = true} : memref<10240xf32, #tpu.memory_space<vmem>>[vector<16xi32>], vector<16xf32>,
      %get3A_421 = arith.constant 1 : i32
      %get3A_422 = arith.index_cast %get3A_421 : i32 to index
      %get3A_423 = arith.constant 96 : index
      %get3A_424 = tpu.vector_load %arg9[%get3A_422, %get3A_423] {strides = array<i32>} : memref<2x128xi32, #tpu.memory_space<vmem>>, vector<16xi32>,
      %broadcast_in_dim3A_425 = arith.constant 1.000000e+00 : f32
      %broadcast_in_dim3A_426 = vector.broadcast %broadcast_in_dim3A_425 : f32 to vector<16xf32>
      tpu.vector_store_idx %arg14[%get3A_424], %broadcast_in_dim3A_426 {add = true} : memref<10240xf32, #tpu.memory_space<vmem>>[vector<16xi32>], vector<16xf32>,
      %get3A_427 = arith.constant 1 : i32
      %get3A_428 = arith.index_cast %get3A_427 : i32 to index
      %get3A_429 = arith.constant 112 : index
      %get3A_430 = tpu.vector_load %arg9[%get3A_428, %get3A_429] {strides = array<i32>} : memref<2x128xi32, #tpu.memory_space<vmem>>, vector<16xi32>,
      %broadcast_in_dim3A_431 = arith.constant 1.000000e+00 : f32
      %broadcast_in_dim3A_432 = vector.broadcast %broadcast_in_dim3A_431 : f32 to vector<16xf32>
      tpu.vector_store_idx %arg14[%get3A_430], %broadcast_in_dim3A_432 {add = true} : memref<10240xf32, #tpu.memory_space<vmem>>[vector<16xi32>], vector<16xf32>,
      %dma_wait3A_433 = arith.constant 0 : i32
      %dma_wait3A_434 = arith.constant 0 : i32
      %dma_wait3A_435 = tpu.memref_slice %arg2[%dma_wait3A_433, %dma_wait3A_434] : memref<10000x128xf32, #tpu.memory_space<hbm>> -> memref<128x128xf32, #tpu.memory_space<hbm>>
      %dma_wait3A_436 = arith.constant 0 : i32
      %dma_wait3A_437 = arith.constant 0 : i32
      %dma_wait3A_438 = tpu.memref_slice %arg2[%dma_wait3A_436, %dma_wait3A_437] : memref<10000x128xf32, #tpu.memory_space<hbm>> -> memref<128x128xf32, #tpu.memory_space<hbm>>
      tpu.wait_dma2 semaphore(%arg17 : memref<!tpu.dma_semaphore, #tpu.memory_space<semaphore_mem>>) src(%dma_wait3A_438 : memref<128x128xf32, #tpu.memory_space<hbm>>) dst(%arg13 : memref<128x128xf32, #tpu.memory_space<vmem>>)
      %run_scoped3A_439 = arith.constant 1 : i32
      "tpu.region"() ({
        %run_scoped3A_463 = tpu.sem_alloc : memref<!tpu.dma_semaphore, #tpu.memory_space<semaphore_mem>>
        %dma_start3A_464 = arith.constant 0 : i32
        %dma_start3A_465 = tpu.memref_slice %arg9[%run_scoped3A_439, %dma_start3A_464] : memref<2x128xi32, #tpu.memory_space<vmem>> -> memref<1x128xi32, #tpu.memory_space<vmem>>
        %dma_start3A_466 = tpu.memref_squeeze %dma_start3A_465 : memref<1x128xi32, #tpu.memory_space<vmem>> -> memref<128xi32, #tpu.memory_space<vmem>>
        %dma_start3A_467 = arith.constant 0 : i32
        %dma_start3A_468 = arith.constant 0 : i32
        %dma_start3A_469 = tpu.memref_slice %arg15[%dma_start3A_467, %dma_start3A_468] : memref<10000x128xf32, #tpu.memory_space<vmem_shared>> -> memref<10000x128xf32, #tpu.memory_space<vmem_shared>>
        tpu.enqueue_indirect_dma source(%arg13 : memref<128x128xf32, #tpu.memory_space<vmem>>) target(%dma_start3A_469 : memref<10000x128xf32, #tpu.memory_space<vmem_shared>>) offsets(%dma_start3A_466 : memref<128xi32, #tpu.memory_space<vmem>>) semaphore(%run_scoped3A_463 : memref<!tpu.dma_semaphore, #tpu.memory_space<semaphore_mem>>) {add = true}
        %dma_wait3A_470 = arith.constant 0 : i32
        %dma_wait3A_471 = tpu.memref_slice %arg9[%run_scoped3A_439, %dma_wait3A_470] : memref<2x128xi32, #tpu.memory_space<vmem>> -> memref<1x128xi32, #tpu.memory_space<vmem>>
        %dma_wait3A_472 = tpu.memref_squeeze %dma_wait3A_471 : memref<1x128xi32, #tpu.memory_space<vmem>> -> memref<128xi32, #tpu.memory_space<vmem>>
        %dma_wait3A_473 = arith.constant 0 : i32
        %dma_wait3A_474 = arith.constant 0 : i32
        %dma_wait3A_475 = tpu.memref_slice %arg15[%dma_wait3A_473, %dma_wait3A_474] : memref<10000x128xf32, #tpu.memory_space<vmem_shared>> -> memref<10000x128xf32, #tpu.memory_space<vmem_shared>>
        tpu.wait_indirect_dma semaphore(%run_scoped3A_463 : memref<!tpu.dma_semaphore, #tpu.memory_space<semaphore_mem>>) src(%arg13 : memref<128x128xf32, #tpu.memory_space<vmem>>) dst(%dma_wait3A_475 : memref<10000x128xf32, #tpu.memory_space<vmem_shared>>)
        tpu.yield
      }) : () -> ()
      %add3A_440 = arith.constant 3 : i32
      %add3A_441 = arith.addi %mul3A_248, %add3A_440 : i32
      %mul3A_442 = arith.constant 128 : i32
      %mul3A_443 = arith.muli %add3A_441, %mul3A_442 : i32
      %add3A_444 = arith.addi %mul3A_2, %mul3A_443 : i32
      %dma_start3A_445 = arith.constant 1 : i32
      %dma_start3A_446 = arith.constant 0 : i32
      %dma_start3A_447 = tpu.memref_slice %arg8[%dma_start3A_445, %dma_start3A_446] : memref<2x128xi32, #tpu.memory_space<vmem>> -> memref<1x128xi32, #tpu.memory_space<vmem>>
      %dma_start3A_448 = tpu.memref_squeeze %dma_start3A_447 : memref<1x128xi32, #tpu.memory_space<vmem>> -> memref<128xi32, #tpu.memory_space<vmem>>
      %dma_start3A_449 = tpu.memref_slice %arg3[%add3A_444] : memref<320000xi32, #tpu.memory_space<hbm>> -> memref<128xi32, #tpu.memory_space<hbm>>
      %dma_start3A_450 = arith.constant 0 : i32
      %dma_start3A_451 = tpu.memref_slice %arg8[%dma_start3A_445, %dma_start3A_450] : memref<2x128xi32, #tpu.memory_space<vmem>> -> memref<1x128xi32, #tpu.memory_space<vmem>>
      %dma_start3A_452 = tpu.memref_squeeze %dma_start3A_451 : memref<1x128xi32, #tpu.memory_space<vmem>> -> memref<128xi32, #tpu.memory_space<vmem>>
      %dma_start3A_453 = tpu.memref_slice %arg3[%add3A_444] : memref<320000xi32, #tpu.memory_space<hbm>> -> memref<128xi32, #tpu.memory_space<hbm>>
      tpu.enqueue_dma source(%dma_start3A_453 : memref<128xi32, #tpu.memory_space<hbm>>) target(%dma_start3A_452 : memref<128xi32, #tpu.memory_space<vmem>>) target_semaphore(%arg19 : memref<!tpu.dma_semaphore, #tpu.memory_space<semaphore_mem>>)
      %dma_start3A_454 = arith.constant 1 : i32
      %dma_start3A_455 = arith.constant 0 : i32
      %dma_start3A_456 = tpu.memref_slice %arg9[%dma_start3A_454, %dma_start3A_455] : memref<2x128xi32, #tpu.memory_space<vmem>> -> memref<1x128xi32, #tpu.memory_space<vmem>>
      %dma_start3A_457 = tpu.memref_squeeze %dma_start3A_456 : memref<1x128xi32, #tpu.memory_space<vmem>> -> memref<128xi32, #tpu.memory_space<vmem>>
      %dma_start3A_458 = tpu.memref_slice %arg4[%add3A_444] : memref<320000xi32, #tpu.memory_space<hbm>> -> memref<128xi32, #tpu.memory_space<hbm>>
      %dma_start3A_459 = arith.constant 0 : i32
      %dma_start3A_460 = tpu.memref_slice %arg9[%dma_start3A_454, %dma_start3A_459] : memref<2x128xi32, #tpu.memory_space<vmem>> -> memref<1x128xi32, #tpu.memory_space<vmem>>
      %dma_start3A_461 = tpu.memref_squeeze %dma_start3A_460 : memref<1x128xi32, #tpu.memory_space<vmem>> -> memref<128xi32, #tpu.memory_space<vmem>>
      %dma_start3A_462 = tpu.memref_slice %arg4[%add3A_444] : memref<320000xi32, #tpu.memory_space<hbm>> -> memref<128xi32, #tpu.memory_space<hbm>>
      tpu.enqueue_dma source(%dma_start3A_462 : memref<128xi32, #tpu.memory_space<hbm>>) target(%dma_start3A_461 : memref<128xi32, #tpu.memory_space<vmem>>) target_semaphore(%arg19 : memref<!tpu.dma_semaphore, #tpu.memory_space<semaphore_mem>>)
    }
    %scan3A_55 = arith.constant 38 : i32
    %dma_wait3A = arith.constant 1 : i32
    %dma_wait3A_56 = arith.constant 0 : i32
    %dma_wait3A_57 = tpu.memref_slice %arg8[%dma_wait3A, %dma_wait3A_56] : memref<2x128xi32, #tpu.memory_space<vmem>> -> memref<1x128xi32, #tpu.memory_space<vmem>>
    %dma_wait3A_58 = tpu.memref_squeeze %dma_wait3A_57 : memref<1x128xi32, #tpu.memory_space<vmem>> -> memref<128xi32, #tpu.memory_space<vmem>>
    %dma_wait3A_59 = arith.constant 0 : i32
    %dma_wait3A_60 = tpu.memref_slice %arg3[%dma_wait3A_59] : memref<320000xi32, #tpu.memory_space<hbm>> -> memref<128xi32, #tpu.memory_space<hbm>>
    %dma_wait3A_61 = arith.constant 0 : i32
    %dma_wait3A_62 = tpu.memref_slice %arg8[%dma_wait3A, %dma_wait3A_61] : memref<2x128xi32, #tpu.memory_space<vmem>> -> memref<1x128xi32, #tpu.memory_space<vmem>>
    %dma_wait3A_63 = tpu.memref_squeeze %dma_wait3A_62 : memref<1x128xi32, #tpu.memory_space<vmem>> -> memref<128xi32, #tpu.memory_space<vmem>>
    %dma_wait3A_64 = arith.constant 0 : i32
    %dma_wait3A_65 = tpu.memref_slice %arg3[%dma_wait3A_64] : memref<320000xi32, #tpu.memory_space<hbm>> -> memref<128xi32, #tpu.memory_space<hbm>>
    tpu.wait_dma2 semaphore(%arg19 : memref<!tpu.dma_semaphore, #tpu.memory_space<semaphore_mem>>) src(%dma_wait3A_65 : memref<128xi32, #tpu.memory_space<hbm>>) dst(%dma_wait3A_63 : memref<128xi32, #tpu.memory_space<vmem>>)
    %dma_wait3A_66 = arith.constant 1 : i32
    %dma_wait3A_67 = arith.constant 0 : i32
    %dma_wait3A_68 = tpu.memref_slice %arg9[%dma_wait3A_66, %dma_wait3A_67] : memref<2x128xi32, #tpu.memory_space<vmem>> -> memref<1x128xi32, #tpu.memory_space<vmem>>
    %dma_wait3A_69 = tpu.memref_squeeze %dma_wait3A_68 : memref<1x128xi32, #tpu.memory_space<vmem>> -> memref<128xi32, #tpu.memory_space<vmem>>
    %dma_wait3A_70 = arith.constant 0 : i32
    %dma_wait3A_71 = tpu.memref_slice %arg3[%dma_wait3A_70] : memref<320000xi32, #tpu.memory_space<hbm>> -> memref<128xi32, #tpu.memory_space<hbm>>
    %dma_wait3A_72 = arith.constant 0 : i32
    %dma_wait3A_73 = tpu.memref_slice %arg9[%dma_wait3A_66, %dma_wait3A_72] : memref<2x128xi32, #tpu.memory_space<vmem>> -> memref<1x128xi32, #tpu.memory_space<vmem>>
    %dma_wait3A_74 = tpu.memref_squeeze %dma_wait3A_73 : memref<1x128xi32, #tpu.memory_space<vmem>> -> memref<128xi32, #tpu.memory_space<vmem>>
    %dma_wait3A_75 = arith.constant 0 : i32
    %dma_wait3A_76 = tpu.memref_slice %arg3[%dma_wait3A_75] : memref<320000xi32, #tpu.memory_space<hbm>> -> memref<128xi32, #tpu.memory_space<hbm>>
    tpu.wait_dma2 semaphore(%arg19 : memref<!tpu.dma_semaphore, #tpu.memory_space<semaphore_mem>>) src(%dma_wait3A_76 : memref<128xi32, #tpu.memory_space<hbm>>) dst(%dma_wait3A_74 : memref<128xi32, #tpu.memory_space<vmem>>)
    %dma_start3A_77 = arith.constant 1 : i32
    %dma_start3A_78 = arith.constant 0 : i32
    %dma_start3A_79 = tpu.memref_slice %arg8[%dma_start3A_77, %dma_start3A_78] : memref<2x128xi32, #tpu.memory_space<vmem>> -> memref<1x128xi32, #tpu.memory_space<vmem>>
    %dma_start3A_80 = tpu.memref_squeeze %dma_start3A_79 : memref<1x128xi32, #tpu.memory_space<vmem>> -> memref<128xi32, #tpu.memory_space<vmem>>
    %dma_start3A_81 = arith.constant 0 : i32
    %dma_start3A_82 = arith.constant 0 : i32
    %dma_start3A_83 = tpu.memref_slice %arg2[%dma_start3A_81, %dma_start3A_82] : memref<10000x128xf32, #tpu.memory_space<hbm>> -> memref<10000x128xf32, #tpu.memory_space<hbm>>
    tpu.enqueue_indirect_dma source(%dma_start3A_83 : memref<10000x128xf32, #tpu.memory_space<hbm>>) target(%arg13 : memref<128x128xf32, #tpu.memory_space<vmem>>) offsets(%dma_start3A_80 : memref<128xi32, #tpu.memory_space<vmem>>) semaphore(%arg17 : memref<!tpu.dma_semaphore, #tpu.memory_space<semaphore_mem>>)
    %get3A = arith.constant 0 : i32
    %get3A_84 = arith.index_cast %get3A : i32 to index
    %get3A_85 = arith.constant 0 : index
    %get3A_86 = tpu.vector_load %arg9[%get3A_84, %get3A_85] {strides = array<i32>} : memref<2x128xi32, #tpu.memory_space<vmem>>, vector<16xi32>,
    %broadcast_in_dim3A = arith.constant 1.000000e+00 : f32
    %broadcast_in_dim3A_87 = vector.broadcast %broadcast_in_dim3A : f32 to vector<16xf32>
    tpu.vector_store_idx %arg14[%get3A_86], %broadcast_in_dim3A_87 {add = true} : memref<10240xf32, #tpu.memory_space<vmem>>[vector<16xi32>], vector<16xf32>,
    %get3A_88 = arith.constant 0 : i32
    %get3A_89 = arith.index_cast %get3A_88 : i32 to index
    %get3A_90 = arith.constant 16 : index
    %get3A_91 = tpu.vector_load %arg9[%get3A_89, %get3A_90] {strides = array<i32>} : memref<2x128xi32, #tpu.memory_space<vmem>>, vector<16xi32>,
    %broadcast_in_dim3A_92 = arith.constant 1.000000e+00 : f32
    %broadcast_in_dim3A_93 = vector.broadcast %broadcast_in_dim3A_92 : f32 to vector<16xf32>
    tpu.vector_store_idx %arg14[%get3A_91], %broadcast_in_dim3A_93 {add = true} : memref<10240xf32, #tpu.memory_space<vmem>>[vector<16xi32>], vector<16xf32>,
    %get3A_94 = arith.constant 0 : i32
    %get3A_95 = arith.index_cast %get3A_94 : i32 to index
    %get3A_96 = arith.constant 32 : index
    %get3A_97 = tpu.vector_load %arg9[%get3A_95, %get3A_96] {strides = array<i32>} : memref<2x128xi32, #tpu.memory_space<vmem>>, vector<16xi32>,
    %broadcast_in_dim3A_98 = arith.constant 1.000000e+00 : f32
    %broadcast_in_dim3A_99 = vector.broadcast %broadcast_in_dim3A_98 : f32 to vector<16xf32>
    tpu.vector_store_idx %arg14[%get3A_97], %broadcast_in_dim3A_99 {add = true} : memref<10240xf32, #tpu.memory_space<vmem>>[vector<16xi32>], vector<16xf32>,
    %get3A_100 = arith.constant 0 : i32
    %get3A_101 = arith.index_cast %get3A_100 : i32 to index
    %get3A_102 = arith.constant 48 : index
    %get3A_103 = tpu.vector_load %arg9[%get3A_101, %get3A_102] {strides = array<i32>} : memref<2x128xi32, #tpu.memory_space<vmem>>, vector<16xi32>,
    %broadcast_in_dim3A_104 = arith.constant 1.000000e+00 : f32
    %broadcast_in_dim3A_105 = vector.broadcast %broadcast_in_dim3A_104 : f32 to vector<16xf32>
    tpu.vector_store_idx %arg14[%get3A_103], %broadcast_in_dim3A_105 {add = true} : memref<10240xf32, #tpu.memory_space<vmem>>[vector<16xi32>], vector<16xf32>,
    %get3A_106 = arith.constant 0 : i32
    %get3A_107 = arith.index_cast %get3A_106 : i32 to index
    %get3A_108 = arith.constant 64 : index
    %get3A_109 = tpu.vector_load %arg9[%get3A_107, %get3A_108] {strides = array<i32>} : memref<2x128xi32, #tpu.memory_space<vmem>>, vector<16xi32>,
    %broadcast_in_dim3A_110 = arith.constant 1.000000e+00 : f32
    %broadcast_in_dim3A_111 = vector.broadcast %broadcast_in_dim3A_110 : f32 to vector<16xf32>
    tpu.vector_store_idx %arg14[%get3A_109], %broadcast_in_dim3A_111 {add = true} : memref<10240xf32, #tpu.memory_space<vmem>>[vector<16xi32>], vector<16xf32>,
    %get3A_112 = arith.constant 0 : i32
    %get3A_113 = arith.index_cast %get3A_112 : i32 to index
    %get3A_114 = arith.constant 80 : index
    %get3A_115 = tpu.vector_load %arg9[%get3A_113, %get3A_114] {strides = array<i32>} : memref<2x128xi32, #tpu.memory_space<vmem>>, vector<16xi32>,
    %broadcast_in_dim3A_116 = arith.constant 1.000000e+00 : f32
    %broadcast_in_dim3A_117 = vector.broadcast %broadcast_in_dim3A_116 : f32 to vector<16xf32>
    tpu.vector_store_idx %arg14[%get3A_115], %broadcast_in_dim3A_117 {add = true} : memref<10240xf32, #tpu.memory_space<vmem>>[vector<16xi32>], vector<16xf32>,
    %get3A_118 = arith.constant 0 : i32
    %get3A_119 = arith.index_cast %get3A_118 : i32 to index
    %get3A_120 = arith.constant 96 : index
    %get3A_121 = tpu.vector_load %arg9[%get3A_119, %get3A_120] {strides = array<i32>} : memref<2x128xi32, #tpu.memory_space<vmem>>, vector<16xi32>,
    %broadcast_in_dim3A_122 = arith.constant 1.000000e+00 : f32
    %broadcast_in_dim3A_123 = vector.broadcast %broadcast_in_dim3A_122 : f32 to vector<16xf32>
    tpu.vector_store_idx %arg14[%get3A_121], %broadcast_in_dim3A_123 {add = true} : memref<10240xf32, #tpu.memory_space<vmem>>[vector<16xi32>], vector<16xf32>,
    %get3A_124 = arith.constant 0 : i32
    %get3A_125 = arith.index_cast %get3A_124 : i32 to index
    %get3A_126 = arith.constant 112 : index
    %get3A_127 = tpu.vector_load %arg9[%get3A_125, %get3A_126] {strides = array<i32>} : memref<2x128xi32, #tpu.memory_space<vmem>>, vector<16xi32>,
    %broadcast_in_dim3A_128 = arith.constant 1.000000e+00 : f32
    %broadcast_in_dim3A_129 = vector.broadcast %broadcast_in_dim3A_128 : f32 to vector<16xf32>
    tpu.vector_store_idx %arg14[%get3A_127], %broadcast_in_dim3A_129 {add = true} : memref<10240xf32, #tpu.memory_space<vmem>>[vector<16xi32>], vector<16xf32>,
    %dma_wait3A_130 = arith.constant 0 : i32
    %dma_wait3A_131 = arith.constant 0 : i32
    %dma_wait3A_132 = tpu.memref_slice %arg2[%dma_wait3A_130, %dma_wait3A_131] : memref<10000x128xf32, #tpu.memory_space<hbm>> -> memref<128x128xf32, #tpu.memory_space<hbm>>
    %dma_wait3A_133 = arith.constant 0 : i32
    %dma_wait3A_134 = arith.constant 0 : i32
    %dma_wait3A_135 = tpu.memref_slice %arg2[%dma_wait3A_133, %dma_wait3A_134] : memref<10000x128xf32, #tpu.memory_space<hbm>> -> memref<128x128xf32, #tpu.memory_space<hbm>>
    tpu.wait_dma2 semaphore(%arg16 : memref<!tpu.dma_semaphore, #tpu.memory_space<semaphore_mem>>) src(%dma_wait3A_135 : memref<128x128xf32, #tpu.memory_space<hbm>>) dst(%arg12 : memref<128x128xf32, #tpu.memory_space<vmem>>)
    %run_scoped3A_136 = arith.constant 0 : i32
    "tpu.region"() ({
      %run_scoped3A_242 = tpu.sem_alloc : memref<!tpu.dma_semaphore, #tpu.memory_space<semaphore_mem>>
      %dma_start3A_243 = arith.constant 0 : i32
      %dma_start3A_244 = tpu.memref_slice %arg9[%run_scoped3A_136, %dma_start3A_243] : memref<2x128xi32, #tpu.memory_space<vmem>> -> memref<1x128xi32, #tpu.memory_space<vmem>>
      %dma_start3A_245 = tpu.memref_squeeze %dma_start3A_244 : memref<1x128xi32, #tpu.memory_space<vmem>> -> memref<128xi32, #tpu.memory_space<vmem>>
      %dma_start3A_246 = arith.constant 0 : i32
      %dma_start3A_247 = arith.constant 0 : i32
      %dma_start3A_248 = tpu.memref_slice %arg15[%dma_start3A_246, %dma_start3A_247] : memref<10000x128xf32, #tpu.memory_space<vmem_shared>> -> memref<10000x128xf32, #tpu.memory_space<vmem_shared>>
      tpu.enqueue_indirect_dma source(%arg12 : memref<128x128xf32, #tpu.memory_space<vmem>>) target(%dma_start3A_248 : memref<10000x128xf32, #tpu.memory_space<vmem_shared>>) offsets(%dma_start3A_245 : memref<128xi32, #tpu.memory_space<vmem>>) semaphore(%run_scoped3A_242 : memref<!tpu.dma_semaphore, #tpu.memory_space<semaphore_mem>>) {add = true}
      %dma_wait3A_249 = arith.constant 0 : i32
      %dma_wait3A_250 = tpu.memref_slice %arg9[%run_scoped3A_136, %dma_wait3A_249] : memref<2x128xi32, #tpu.memory_space<vmem>> -> memref<1x128xi32, #tpu.memory_space<vmem>>
      %dma_wait3A_251 = tpu.memref_squeeze %dma_wait3A_250 : memref<1x128xi32, #tpu.memory_space<vmem>> -> memref<128xi32, #tpu.memory_space<vmem>>
      %dma_wait3A_252 = arith.constant 0 : i32
      %dma_wait3A_253 = arith.constant 0 : i32
      %dma_wait3A_254 = tpu.memref_slice %arg15[%dma_wait3A_252, %dma_wait3A_253] : memref<10000x128xf32, #tpu.memory_space<vmem_shared>> -> memref<10000x128xf32, #tpu.memory_space<vmem_shared>>
      tpu.wait_indirect_dma semaphore(%run_scoped3A_242 : memref<!tpu.dma_semaphore, #tpu.memory_space<semaphore_mem>>) src(%arg12 : memref<128x128xf32, #tpu.memory_space<vmem>>) dst(%dma_wait3A_254 : memref<10000x128xf32, #tpu.memory_space<vmem_shared>>)
      tpu.yield
    }) : () -> ()
    %get3A_137 = arith.constant 1 : i32
    %get3A_138 = arith.index_cast %get3A_137 : i32 to index
    %get3A_139 = arith.constant 0 : index
    %get3A_140 = tpu.vector_load %arg9[%get3A_138, %get3A_139] {strides = array<i32>} : memref<2x128xi32, #tpu.memory_space<vmem>>, vector<16xi32>,
    %broadcast_in_dim3A_141 = arith.constant 1.000000e+00 : f32
    %broadcast_in_dim3A_142 = vector.broadcast %broadcast_in_dim3A_141 : f32 to vector<16xf32>
    tpu.vector_store_idx %arg14[%get3A_140], %broadcast_in_dim3A_142 {add = true} : memref<10240xf32, #tpu.memory_space<vmem>>[vector<16xi32>], vector<16xf32>,
    %get3A_143 = arith.constant 1 : i32
    %get3A_144 = arith.index_cast %get3A_143 : i32 to index
    %get3A_145 = arith.constant 16 : index
    %get3A_146 = tpu.vector_load %arg9[%get3A_144, %get3A_145] {strides = array<i32>} : memref<2x128xi32, #tpu.memory_space<vmem>>, vector<16xi32>,
    %broadcast_in_dim3A_147 = arith.constant 1.000000e+00 : f32
    %broadcast_in_dim3A_148 = vector.broadcast %broadcast_in_dim3A_147 : f32 to vector<16xf32>
    tpu.vector_store_idx %arg14[%get3A_146], %broadcast_in_dim3A_148 {add = true} : memref<10240xf32, #tpu.memory_space<vmem>>[vector<16xi32>], vector<16xf32>,
    %get3A_149 = arith.constant 1 : i32
    %get3A_150 = arith.index_cast %get3A_149 : i32 to index
    %get3A_151 = arith.constant 32 : index
    %get3A_152 = tpu.vector_load %arg9[%get3A_150, %get3A_151] {strides = array<i32>} : memref<2x128xi32, #tpu.memory_space<vmem>>, vector<16xi32>,
    %broadcast_in_dim3A_153 = arith.constant 1.000000e+00 : f32
    %broadcast_in_dim3A_154 = vector.broadcast %broadcast_in_dim3A_153 : f32 to vector<16xf32>
    tpu.vector_store_idx %arg14[%get3A_152], %broadcast_in_dim3A_154 {add = true} : memref<10240xf32, #tpu.memory_space<vmem>>[vector<16xi32>], vector<16xf32>,
    %get3A_155 = arith.constant 1 : i32
    %get3A_156 = arith.index_cast %get3A_155 : i32 to index
    %get3A_157 = arith.constant 48 : index
    %get3A_158 = tpu.vector_load %arg9[%get3A_156, %get3A_157] {strides = array<i32>} : memref<2x128xi32, #tpu.memory_space<vmem>>, vector<16xi32>,
    %broadcast_in_dim3A_159 = arith.constant 1.000000e+00 : f32
    %broadcast_in_dim3A_160 = vector.broadcast %broadcast_in_dim3A_159 : f32 to vector<16xf32>
    tpu.vector_store_idx %arg14[%get3A_158], %broadcast_in_dim3A_160 {add = true} : memref<10240xf32, #tpu.memory_space<vmem>>[vector<16xi32>], vector<16xf32>,
    %get3A_161 = arith.constant 1 : i32
    %get3A_162 = arith.index_cast %get3A_161 : i32 to index
    %get3A_163 = arith.constant 64 : index
    %get3A_164 = tpu.vector_load %arg9[%get3A_162, %get3A_163] {strides = array<i32>} : memref<2x128xi32, #tpu.memory_space<vmem>>, vector<16xi32>,
    %broadcast_in_dim3A_165 = arith.constant 1.000000e+00 : f32
    %broadcast_in_dim3A_166 = vector.broadcast %broadcast_in_dim3A_165 : f32 to vector<16xf32>
    tpu.vector_store_idx %arg14[%get3A_164], %broadcast_in_dim3A_166 {add = true} : memref<10240xf32, #tpu.memory_space<vmem>>[vector<16xi32>], vector<16xf32>,
    %get3A_167 = arith.constant 1 : i32
    %get3A_168 = arith.index_cast %get3A_167 : i32 to index
    %get3A_169 = arith.constant 80 : index
    %get3A_170 = tpu.vector_load %arg9[%get3A_168, %get3A_169] {strides = array<i32>} : memref<2x128xi32, #tpu.memory_space<vmem>>, vector<16xi32>,
    %broadcast_in_dim3A_171 = arith.constant 1.000000e+00 : f32
    %broadcast_in_dim3A_172 = vector.broadcast %broadcast_in_dim3A_171 : f32 to vector<16xf32>
    tpu.vector_store_idx %arg14[%get3A_170], %broadcast_in_dim3A_172 {add = true} : memref<10240xf32, #tpu.memory_space<vmem>>[vector<16xi32>], vector<16xf32>,
    %get3A_173 = arith.constant 1 : i32
    %get3A_174 = arith.index_cast %get3A_173 : i32 to index
    %get3A_175 = arith.constant 96 : index
    %get3A_176 = tpu.vector_load %arg9[%get3A_174, %get3A_175] {strides = array<i32>} : memref<2x128xi32, #tpu.memory_space<vmem>>, vector<16xi32>,
    %broadcast_in_dim3A_177 = arith.constant 1.000000e+00 : f32
    %broadcast_in_dim3A_178 = vector.broadcast %broadcast_in_dim3A_177 : f32 to vector<16xf32>
    tpu.vector_store_idx %arg14[%get3A_176], %broadcast_in_dim3A_178 {add = true} : memref<10240xf32, #tpu.memory_space<vmem>>[vector<16xi32>], vector<16xf32>,
    %get3A_179 = arith.constant 1 : i32
    %get3A_180 = arith.index_cast %get3A_179 : i32 to index
    %get3A_181 = arith.constant 112 : index
    %get3A_182 = tpu.vector_load %arg9[%get3A_180, %get3A_181] {strides = array<i32>} : memref<2x128xi32, #tpu.memory_space<vmem>>, vector<16xi32>,
    %broadcast_in_dim3A_183 = arith.constant 1.000000e+00 : f32
    %broadcast_in_dim3A_184 = vector.broadcast %broadcast_in_dim3A_183 : f32 to vector<16xf32>
    tpu.vector_store_idx %arg14[%get3A_182], %broadcast_in_dim3A_184 {add = true} : memref<10240xf32, #tpu.memory_space<vmem>>[vector<16xi32>], vector<16xf32>,
    %dma_wait3A_185 = arith.constant 0 : i32
    %dma_wait3A_186 = arith.constant 0 : i32
    %dma_wait3A_187 = tpu.memref_slice %arg2[%dma_wait3A_185, %dma_wait3A_186] : memref<10000x128xf32, #tpu.memory_space<hbm>> -> memref<128x128xf32, #tpu.memory_space<hbm>>
    %dma_wait3A_188 = arith.constant 0 : i32
    %dma_wait3A_189 = arith.constant 0 : i32
    %dma_wait3A_190 = tpu.memref_slice %arg2[%dma_wait3A_188, %dma_wait3A_189] : memref<10000x128xf32, #tpu.memory_space<hbm>> -> memref<128x128xf32, #tpu.memory_space<hbm>>
    tpu.wait_dma2 semaphore(%arg17 : memref<!tpu.dma_semaphore, #tpu.memory_space<semaphore_mem>>) src(%dma_wait3A_190 : memref<128x128xf32, #tpu.memory_space<hbm>>) dst(%arg13 : memref<128x128xf32, #tpu.memory_space<vmem>>)
    %run_scoped3A_191 = arith.constant 1 : i32
    "tpu.region"() ({
      %run_scoped3A_242 = tpu.sem_alloc : memref<!tpu.dma_semaphore, #tpu.memory_space<semaphore_mem>>
      %dma_start3A_243 = arith.constant 0 : i32
      %dma_start3A_244 = tpu.memref_slice %arg9[%run_scoped3A_191, %dma_start3A_243] : memref<2x128xi32, #tpu.memory_space<vmem>> -> memref<1x128xi32, #tpu.memory_space<vmem>>
      %dma_start3A_245 = tpu.memref_squeeze %dma_start3A_244 : memref<1x128xi32, #tpu.memory_space<vmem>> -> memref<128xi32, #tpu.memory_space<vmem>>
      %dma_start3A_246 = arith.constant 0 : i32
      %dma_start3A_247 = arith.constant 0 : i32
      %dma_start3A_248 = tpu.memref_slice %arg15[%dma_start3A_246, %dma_start3A_247] : memref<10000x128xf32, #tpu.memory_space<vmem_shared>> -> memref<10000x128xf32, #tpu.memory_space<vmem_shared>>
      tpu.enqueue_indirect_dma source(%arg13 : memref<128x128xf32, #tpu.memory_space<vmem>>) target(%dma_start3A_248 : memref<10000x128xf32, #tpu.memory_space<vmem_shared>>) offsets(%dma_start3A_245 : memref<128xi32, #tpu.memory_space<vmem>>) semaphore(%run_scoped3A_242 : memref<!tpu.dma_semaphore, #tpu.memory_space<semaphore_mem>>) {add = true}
      %dma_wait3A_249 = arith.constant 0 : i32
      %dma_wait3A_250 = tpu.memref_slice %arg9[%run_scoped3A_191, %dma_wait3A_249] : memref<2x128xi32, #tpu.memory_space<vmem>> -> memref<1x128xi32, #tpu.memory_space<vmem>>
      %dma_wait3A_251 = tpu.memref_squeeze %dma_wait3A_250 : memref<1x128xi32, #tpu.memory_space<vmem>> -> memref<128xi32, #tpu.memory_space<vmem>>
      %dma_wait3A_252 = arith.constant 0 : i32
      %dma_wait3A_253 = arith.constant 0 : i32
      %dma_wait3A_254 = tpu.memref_slice %arg15[%dma_wait3A_252, %dma_wait3A_253] : memref<10000x128xf32, #tpu.memory_space<vmem_shared>> -> memref<10000x128xf32, #tpu.memory_space<vmem_shared>>
      tpu.wait_indirect_dma semaphore(%run_scoped3A_242 : memref<!tpu.dma_semaphore, #tpu.memory_space<semaphore_mem>>) src(%arg13 : memref<128x128xf32, #tpu.memory_space<vmem>>) dst(%dma_wait3A_254 : memref<10000x128xf32, #tpu.memory_space<vmem_shared>>)
      tpu.yield
    }) : () -> ()
    %add3A_192 = arith.constant 9984 : i32
    %add3A_193 = arith.addi %mul3A_2, %add3A_192 : i32
    %run_scoped3A_194 = arith.constant 0 : i32
    "tpu.region"() ({
      %run_scoped3A_242 = tpu.sem_alloc : memref<!tpu.dma_semaphore, #tpu.memory_space<semaphore_mem>>
      %dma_start3A_243 = arith.constant 0 : i32
      %dma_start3A_244 = tpu.memref_slice %arg10[%run_scoped3A_194, %dma_start3A_243] : memref<1x16xi32, #tpu.memory_space<vmem>> -> memref<1x16xi32, #tpu.memory_space<vmem>>
      %dma_start3A_245 = tpu.memref_squeeze %dma_start3A_244 : memref<1x16xi32, #tpu.memory_space<vmem>> -> memref<16xi32, #tpu.memory_space<vmem>>
      %dma_start3A_246 = tpu.memref_slice %arg3[%add3A_193] : memref<320000xi32, #tpu.memory_space<hbm>> -> memref<16xi32, #tpu.memory_space<hbm>>
      %dma_start3A_247 = arith.constant 0 : i32
      %dma_start3A_248 = tpu.memref_slice %arg10[%run_scoped3A_194, %dma_start3A_247] : memref<1x16xi32, #tpu.memory_space<vmem>> -> memref<1x16xi32, #tpu.memory_space<vmem>>
      %dma_start3A_249 = tpu.memref_squeeze %dma_start3A_248 : memref<1x16xi32, #tpu.memory_space<vmem>> -> memref<16xi32, #tpu.memory_space<vmem>>
      %dma_start3A_250 = tpu.memref_slice %arg3[%add3A_193] : memref<320000xi32, #tpu.memory_space<hbm>> -> memref<16xi32, #tpu.memory_space<hbm>>
      tpu.enqueue_dma source(%dma_start3A_250 : memref<16xi32, #tpu.memory_space<hbm>>) target(%dma_start3A_249 : memref<16xi32, #tpu.memory_space<vmem>>) target_semaphore(%run_scoped3A_242 : memref<!tpu.dma_semaphore, #tpu.memory_space<semaphore_mem>>)
      %dma_wait3A_251 = arith.constant 0 : i32
      %dma_wait3A_252 = tpu.memref_slice %arg10[%run_scoped3A_194, %dma_wait3A_251] : memref<1x16xi32, #tpu.memory_space<vmem>> -> memref<1x16xi32, #tpu.memory_space<vmem>>
      %dma_wait3A_253 = tpu.memref_squeeze %dma_wait3A_252 : memref<1x16xi32, #tpu.memory_space<vmem>> -> memref<16xi32, #tpu.memory_space<vmem>>
      %dma_wait3A_254 = tpu.memref_slice %arg3[%add3A_193] : memref<320000xi32, #tpu.memory_space<hbm>> -> memref<16xi32, #tpu.memory_space<hbm>>
      %dma_wait3A_255 = arith.constant 0 : i32
      %dma_wait3A_256 = tpu.memref_slice %arg10[%run_scoped3A_194, %dma_wait3A_255] : memref<1x16xi32, #tpu.memory_space<vmem>> -> memref<1x16xi32, #tpu.memory_space<vmem>>
      %dma_wait3A_257 = tpu.memref_squeeze %dma_wait3A_256 : memref<1x16xi32, #tpu.memory_space<vmem>> -> memref<16xi32, #tpu.memory_space<vmem>>
      %dma_wait3A_258 = tpu.memref_slice %arg3[%add3A_193] : memref<320000xi32, #tpu.memory_space<hbm>> -> memref<16xi32, #tpu.memory_space<hbm>>
      tpu.wait_dma2 semaphore(%run_scoped3A_242 : memref<!tpu.dma_semaphore, #tpu.memory_space<semaphore_mem>>) src(%dma_wait3A_258 : memref<16xi32, #tpu.memory_space<hbm>>) dst(%dma_wait3A_257 : memref<16xi32, #tpu.memory_space<vmem>>)
      tpu.yield
    }) : () -> ()
    %run_scoped3A_195 = arith.constant 0 : i32
    "tpu.region"() ({
      %run_scoped3A_242 = tpu.sem_alloc : memref<!tpu.dma_semaphore, #tpu.memory_space<semaphore_mem>>
      %dma_start3A_243 = arith.constant 0 : i32
      %dma_start3A_244 = tpu.memref_slice %arg11[%run_scoped3A_195, %dma_start3A_243] : memref<1x16xi32, #tpu.memory_space<vmem>> -> memref<1x16xi32, #tpu.memory_space<vmem>>
      %dma_start3A_245 = tpu.memref_squeeze %dma_start3A_244 : memref<1x16xi32, #tpu.memory_space<vmem>> -> memref<16xi32, #tpu.memory_space<vmem>>
      %dma_start3A_246 = tpu.memref_slice %arg4[%add3A_193] : memref<320000xi32, #tpu.memory_space<hbm>> -> memref<16xi32, #tpu.memory_space<hbm>>
      %dma_start3A_247 = arith.constant 0 : i32
      %dma_start3A_248 = tpu.memref_slice %arg11[%run_scoped3A_195, %dma_start3A_247] : memref<1x16xi32, #tpu.memory_space<vmem>> -> memref<1x16xi32, #tpu.memory_space<vmem>>
      %dma_start3A_249 = tpu.memref_squeeze %dma_start3A_248 : memref<1x16xi32, #tpu.memory_space<vmem>> -> memref<16xi32, #tpu.memory_space<vmem>>
      %dma_start3A_250 = tpu.memref_slice %arg4[%add3A_193] : memref<320000xi32, #tpu.memory_space<hbm>> -> memref<16xi32, #tpu.memory_space<hbm>>
      tpu.enqueue_dma source(%dma_start3A_250 : memref<16xi32, #tpu.memory_space<hbm>>) target(%dma_start3A_249 : memref<16xi32, #tpu.memory_space<vmem>>) target_semaphore(%run_scoped3A_242 : memref<!tpu.dma_semaphore, #tpu.memory_space<semaphore_mem>>)
      %dma_wait3A_251 = arith.constant 0 : i32
      %dma_wait3A_252 = tpu.memref_slice %arg11[%run_scoped3A_195, %dma_wait3A_251] : memref<1x16xi32, #tpu.memory_space<vmem>> -> memref<1x16xi32, #tpu.memory_space<vmem>>
      %dma_wait3A_253 = tpu.memref_squeeze %dma_wait3A_252 : memref<1x16xi32, #tpu.memory_space<vmem>> -> memref<16xi32, #tpu.memory_space<vmem>>
      %dma_wait3A_254 = tpu.memref_slice %arg4[%add3A_193] : memref<320000xi32, #tpu.memory_space<hbm>> -> memref<16xi32, #tpu.memory_space<hbm>>
      %dma_wait3A_255 = arith.constant 0 : i32
      %dma_wait3A_256 = tpu.memref_slice %arg11[%run_scoped3A_195, %dma_wait3A_255] : memref<1x16xi32, #tpu.memory_space<vmem>> -> memref<1x16xi32, #tpu.memory_space<vmem>>
      %dma_wait3A_257 = tpu.memref_squeeze %dma_wait3A_256 : memref<1x16xi32, #tpu.memory_space<vmem>> -> memref<16xi32, #tpu.memory_space<vmem>>
      %dma_wait3A_258 = tpu.memref_slice %arg4[%add3A_193] : memref<320000xi32, #tpu.memory_space<hbm>> -> memref<16xi32, #tpu.memory_space<hbm>>
      tpu.wait_dma2 semaphore(%run_scoped3A_242 : memref<!tpu.dma_semaphore, #tpu.memory_space<semaphore_mem>>) src(%dma_wait3A_258 : memref<16xi32, #tpu.memory_space<hbm>>) dst(%dma_wait3A_257 : memref<16xi32, #tpu.memory_space<vmem>>)
      tpu.yield
    }) : () -> ()
    %dma_start3A_196 = arith.constant 0 : i32
    %dma_start3A_197 = arith.constant 0 : i32
    %dma_start3A_198 = arith.constant 0 : i32
    %dma_start3A_199 = tpu.memref_slice %arg12[%dma_start3A_197, %dma_start3A_198] : memref<128x128xf32, #tpu.memory_space<vmem>> -> memref<16x128xf32, #tpu.memory_space<vmem>>
    %dma_start3A_200 = arith.constant 0 : i32
    %dma_start3A_201 = tpu.memref_slice %arg10[%dma_start3A_196, %dma_start3A_200] : memref<1x16xi32, #tpu.memory_space<vmem>> -> memref<1x16xi32, #tpu.memory_space<vmem>>
    %dma_start3A_202 = tpu.memref_squeeze %dma_start3A_201 : memref<1x16xi32, #tpu.memory_space<vmem>> -> memref<16xi32, #tpu.memory_space<vmem>>
    %dma_start3A_203 = arith.constant 0 : i32
    %dma_start3A_204 = arith.constant 0 : i32
    %dma_start3A_205 = tpu.memref_slice %arg2[%dma_start3A_203, %dma_start3A_204] : memref<10000x128xf32, #tpu.memory_space<hbm>> -> memref<10000x128xf32, #tpu.memory_space<hbm>>
    tpu.enqueue_indirect_dma source(%dma_start3A_205 : memref<10000x128xf32, #tpu.memory_space<hbm>>) target(%dma_start3A_199 : memref<16x128xf32, #tpu.memory_space<vmem>>) offsets(%dma_start3A_202 : memref<16xi32, #tpu.memory_space<vmem>>) semaphore(%arg16 : memref<!tpu.dma_semaphore, #tpu.memory_space<semaphore_mem>>)
    %dma_wait3A_206 = arith.constant 0 : i32
    %dma_wait3A_207 = arith.constant 0 : i32
    %dma_wait3A_208 = arith.constant 0 : i32
    %dma_wait3A_209 = tpu.memref_slice %arg12[%dma_wait3A_207, %dma_wait3A_208] : memref<128x128xf32, #tpu.memory_space<vmem>> -> memref<16x128xf32, #tpu.memory_space<vmem>>
    %dma_wait3A_210 = arith.constant 0 : i32
    %dma_wait3A_211 = tpu.memref_slice %arg10[%dma_wait3A_206, %dma_wait3A_210] : memref<1x16xi32, #tpu.memory_space<vmem>> -> memref<1x16xi32, #tpu.memory_space<vmem>>
    %dma_wait3A_212 = tpu.memref_squeeze %dma_wait3A_211 : memref<1x16xi32, #tpu.memory_space<vmem>> -> memref<16xi32, #tpu.memory_space<vmem>>
    %dma_wait3A_213 = arith.constant 0 : i32
    %dma_wait3A_214 = arith.constant 0 : i32
    %dma_wait3A_215 = tpu.memref_slice %arg2[%dma_wait3A_213, %dma_wait3A_214] : memref<10000x128xf32, #tpu.memory_space<hbm>> -> memref<10000x128xf32, #tpu.memory_space<hbm>>
    tpu.wait_indirect_dma semaphore(%arg16 : memref<!tpu.dma_semaphore, #tpu.memory_space<semaphore_mem>>) src(%dma_wait3A_215 : memref<10000x128xf32, #tpu.memory_space<hbm>>) dst(%dma_wait3A_209 : memref<16x128xf32, #tpu.memory_space<vmem>>)
    %get3A_216 = arith.constant 0 : i32
    %get3A_217 = arith.index_cast %get3A_216 : i32 to index
    %get3A_218 = arith.constant 0 : index
    %get3A_219 = tpu.vector_load %arg11[%get3A_217, %get3A_218] {strides = array<i32>} : memref<1x16xi32, #tpu.memory_space<vmem>>, vector<16xi32>,
    %broadcast_in_dim3A_220 = arith.constant 1.000000e+00 : f32
    %broadcast_in_dim3A_221 = vector.broadcast %broadcast_in_dim3A_220 : f32 to vector<16xf32>
    tpu.vector_store_idx %arg14[%get3A_219], %broadcast_in_dim3A_221 {add = true} : memref<10240xf32, #tpu.memory_space<vmem>>[vector<16xi32>], vector<16xf32>,
    %run_scoped3A_222 = arith.constant 0 : i32
    "tpu.region"() ({
      %run_scoped3A_242 = tpu.sem_alloc : memref<!tpu.dma_semaphore, #tpu.memory_space<semaphore_mem>>
      %dma_start3A_243 = arith.constant 0 : i32
      %dma_start3A_244 = arith.constant 0 : i32
      %dma_start3A_245 = tpu.memref_slice %arg12[%dma_start3A_243, %dma_start3A_244] : memref<128x128xf32, #tpu.memory_space<vmem>> -> memref<16x128xf32, #tpu.memory_space<vmem>>
      %dma_start3A_246 = arith.constant 0 : i32
      %dma_start3A_247 = tpu.memref_slice %arg11[%run_scoped3A_222, %dma_start3A_246] : memref<1x16xi32, #tpu.memory_space<vmem>> -> memref<1x16xi32, #tpu.memory_space<vmem>>
      %dma_start3A_248 = tpu.memref_squeeze %dma_start3A_247 : memref<1x16xi32, #tpu.memory_space<vmem>> -> memref<16xi32, #tpu.memory_space<vmem>>
      %dma_start3A_249 = arith.constant 0 : i32
      %dma_start3A_250 = arith.constant 0 : i32
      %dma_start3A_251 = tpu.memref_slice %arg15[%dma_start3A_249, %dma_start3A_250] : memref<10000x128xf32, #tpu.memory_space<vmem_shared>> -> memref<10000x128xf32, #tpu.memory_space<vmem_shared>>
      tpu.enqueue_indirect_dma source(%dma_start3A_245 : memref<16x128xf32, #tpu.memory_space<vmem>>) target(%dma_start3A_251 : memref<10000x128xf32, #tpu.memory_space<vmem_shared>>) offsets(%dma_start3A_248 : memref<16xi32, #tpu.memory_space<vmem>>) semaphore(%run_scoped3A_242 : memref<!tpu.dma_semaphore, #tpu.memory_space<semaphore_mem>>) {add = true}
      %dma_wait3A_252 = arith.constant 0 : i32
      %dma_wait3A_253 = arith.constant 0 : i32
      %dma_wait3A_254 = tpu.memref_slice %arg12[%dma_wait3A_252, %dma_wait3A_253] : memref<128x128xf32, #tpu.memory_space<vmem>> -> memref<16x128xf32, #tpu.memory_space<vmem>>
      %dma_wait3A_255 = arith.constant 0 : i32
      %dma_wait3A_256 = tpu.memref_slice %arg11[%run_scoped3A_222, %dma_wait3A_255] : memref<1x16xi32, #tpu.memory_space<vmem>> -> memref<1x16xi32, #tpu.memory_space<vmem>>
      %dma_wait3A_257 = tpu.memref_squeeze %dma_wait3A_256 : memref<1x16xi32, #tpu.memory_space<vmem>> -> memref<16xi32, #tpu.memory_space<vmem>>
      %dma_wait3A_258 = arith.constant 0 : i32
      %dma_wait3A_259 = arith.constant 0 : i32
      %dma_wait3A_260 = tpu.memref_slice %arg15[%dma_wait3A_258, %dma_wait3A_259] : memref<10000x128xf32, #tpu.memory_space<vmem_shared>> -> memref<10000x128xf32, #tpu.memory_space<vmem_shared>>
      tpu.wait_indirect_dma semaphore(%run_scoped3A_242 : memref<!tpu.dma_semaphore, #tpu.memory_space<semaphore_mem>>) src(%dma_wait3A_254 : memref<16x128xf32, #tpu.memory_space<vmem>>) dst(%dma_wait3A_260 : memref<10000x128xf32, #tpu.memory_space<vmem_shared>>)
      tpu.yield
    }) : () -> ()
    %barrier3A_223 = arith.constant 0 : index
    tpu.barrier barrier_id(%barrier3A_223)
    "tpu.region"() ({
      %run_scoped3A_242 = tpu.sem_alloc : memref<!tpu.dma_semaphore, #tpu.memory_space<semaphore_mem>>
      %dma_start3A_243 = arith.constant 0 : i32
      %dma_start3A_244 = tpu.memref_slice %arg7[%arg0, %arg1, %dma_start3A_243] : memref<2x16x10240xf32, #tpu.memory_space<hbm>> -> memref<1x1x10240xf32, #tpu.memory_space<hbm>>
      %dma_start3A_245 = tpu.memref_squeeze %dma_start3A_244 : memref<1x1x10240xf32, #tpu.memory_space<hbm>> -> memref<10240xf32, #tpu.memory_space<hbm>>
      %dma_start3A_246 = arith.constant 0 : i32
      %dma_start3A_247 = tpu.memref_slice %arg7[%arg0, %arg1, %dma_start3A_246] : memref<2x16x10240xf32, #tpu.memory_space<hbm>> -> memref<1x1x10240xf32, #tpu.memory_space<hbm>>
      %dma_start3A_248 = tpu.memref_squeeze %dma_start3A_247 : memref<1x1x10240xf32, #tpu.memory_space<hbm>> -> memref<10240xf32, #tpu.memory_space<hbm>>
      tpu.enqueue_dma source(%arg14 : memref<10240xf32, #tpu.memory_space<vmem>>) target(%dma_start3A_248 : memref<10240xf32, #tpu.memory_space<hbm>>) target_semaphore(%run_scoped3A_242 : memref<!tpu.dma_semaphore, #tpu.memory_space<semaphore_mem>>)
      %dma_wait3A_249 = arith.constant 0 : i32
      %dma_wait3A_250 = tpu.memref_slice %arg7[%arg0, %arg1, %dma_wait3A_249] : memref<2x16x10240xf32, #tpu.memory_space<hbm>> -> memref<1x1x10240xf32, #tpu.memory_space<hbm>>
      %dma_wait3A_251 = tpu.memref_squeeze %dma_wait3A_250 : memref<1x1x10240xf32, #tpu.memory_space<hbm>> -> memref<10240xf32, #tpu.memory_space<hbm>>
      %dma_wait3A_252 = arith.constant 0 : i32
      %dma_wait3A_253 = tpu.memref_slice %arg7[%arg0, %arg1, %dma_wait3A_252] : memref<2x16x10240xf32, #tpu.memory_space<hbm>> -> memref<1x1x10240xf32, #tpu.memory_space<hbm>>
      %dma_wait3A_254 = tpu.memref_squeeze %dma_wait3A_253 : memref<1x1x10240xf32, #tpu.memory_space<hbm>> -> memref<10240xf32, #tpu.memory_space<hbm>>
      tpu.wait_dma2 semaphore(%run_scoped3A_242 : memref<!tpu.dma_semaphore, #tpu.memory_space<semaphore_mem>>) src(%arg14 : memref<10240xf32, #tpu.memory_space<vmem>>) dst(%dma_wait3A_254 : memref<10240xf32, #tpu.memory_space<hbm>>)
      tpu.yield
    }) : () -> ()
    %sub3A_224 = arith.constant 125 : i32
    %sub3A_225 = arith.subi %sub3A_224, %arg1 : i32
    %sub3A_226 = arith.constant 16 : i32
    %sub3A_227 = arith.constant 1 : i32
    %sub3A_228 = arith.subi %sub3A_226, %sub3A_227 : i32
    %add3A_229 = arith.addi %sub3A_225, %sub3A_228 : i32
    %div3A_230 = arith.constant 16 : i32
    %div3A_231 = arith.divsi %add3A_229, %div3A_230 : i32
    %while3A_232 = arith.constant 16 : i32
    %while3A_233 = arith.constant 0 : i32
    %while3A_234 = arith.subi %div3A_231, %while3A_233 : i32
    %while3A_235 = arith.addi %while3A_233, %while3A_234 : i32
    %while3A_236 = arith.constant 1 : i32
    %while3A_237 = arith.divsi %while3A_234, %while3A_236 : i32
    %while3A_238 = arith.muli %while3A_237, %while3A_236 : i32
    %while3A_239 = arith.addi %while3A_233, %while3A_238 : i32
    %while3A_240 = arith.constant 1 : i32
    scf.for %while3A_242 = %while3A_233 to %while3A_239 step %while3A_240  : i32 {
      %mul3A_243 = arith.muli %while3A_242, %while3A_232 : i32
      %add3A_244 = arith.addi %arg1, %mul3A_243 : i32
      %mul3A_245 = arith.constant 80 : i32
      %mul3A_246 = arith.muli %add3A_244, %mul3A_245 : i32
      "tpu.region"() ({
        %run_scoped3A_247 = tpu.sem_alloc : memref<!tpu.dma_semaphore, #tpu.memory_space<semaphore_mem>>
        %dma_start3A_248 = arith.constant 0 : i32
        %dma_start3A_249 = arith.constant 0 : i32
        %dma_start3A_250 = tpu.memref_slice %arg13[%dma_start3A_248, %dma_start3A_249] : memref<128x128xf32, #tpu.memory_space<vmem>> -> memref<80x128xf32, #tpu.memory_space<vmem>>
        %dma_start3A_251 = arith.constant 0 : i32
        %dma_start3A_252 = tpu.memref_slice %arg15[%mul3A_246, %dma_start3A_251] : memref<10000x128xf32, #tpu.memory_space<vmem_shared>> -> memref<80x128xf32, #tpu.memory_space<vmem_shared>>
        %dma_start3A_253 = arith.constant 0 : i32
        %dma_start3A_254 = arith.constant 0 : i32
        %dma_start3A_255 = tpu.memref_slice %arg13[%dma_start3A_253, %dma_start3A_254] : memref<128x128xf32, #tpu.memory_space<vmem>> -> memref<80x128xf32, #tpu.memory_space<vmem>>
        %dma_start3A_256 = arith.constant 0 : i32
        %dma_start3A_257 = tpu.memref_slice %arg15[%mul3A_246, %dma_start3A_256] : memref<10000x128xf32, #tpu.memory_space<vmem_shared>> -> memref<80x128xf32, #tpu.memory_space<vmem_shared>>
        tpu.enqueue_dma source(%dma_start3A_257 : memref<80x128xf32, #tpu.memory_space<vmem_shared>>) target(%dma_start3A_255 : memref<80x128xf32, #tpu.memory_space<vmem>>) target_semaphore(%run_scoped3A_247 : memref<!tpu.dma_semaphore, #tpu.memory_space<semaphore_mem>>)
        %dma_wait3A_258 = arith.constant 0 : i32
        %dma_wait3A_259 = arith.constant 0 : i32
        %dma_wait3A_260 = tpu.memref_slice %arg13[%dma_wait3A_258, %dma_wait3A_259] : memref<128x128xf32, #tpu.memory_space<vmem>> -> memref<80x128xf32, #tpu.memory_space<vmem>>
        %dma_wait3A_261 = arith.constant 0 : i32
        %dma_wait3A_262 = tpu.memref_slice %arg15[%mul3A_246, %dma_wait3A_261] : memref<10000x128xf32, #tpu.memory_space<vmem_shared>> -> memref<80x128xf32, #tpu.memory_space<vmem_shared>>
        %dma_wait3A_263 = arith.constant 0 : i32
        %dma_wait3A_264 = arith.constant 0 : i32
        %dma_wait3A_265 = tpu.memref_slice %arg13[%dma_wait3A_263, %dma_wait3A_264] : memref<128x128xf32, #tpu.memory_space<vmem>> -> memref<80x128xf32, #tpu.memory_space<vmem>>
        %dma_wait3A_266 = arith.constant 0 : i32
        %dma_wait3A_267 = tpu.memref_slice %arg15[%mul3A_246, %dma_wait3A_266] : memref<10000x128xf32, #tpu.memory_space<vmem_shared>> -> memref<80x128xf32, #tpu.memory_space<vmem_shared>>
        tpu.wait_dma2 semaphore(%run_scoped3A_247 : memref<!tpu.dma_semaphore, #tpu.memory_space<semaphore_mem>>) src(%dma_wait3A_267 : memref<80x128xf32, #tpu.memory_space<vmem_shared>>) dst(%dma_wait3A_265 : memref<80x128xf32, #tpu.memory_space<vmem>>)
        tpu.yield
      }) : () -> ()
      "tpu.region"() ({
        %run_scoped3A_247 = tpu.sem_alloc : memref<!tpu.dma_semaphore, #tpu.memory_space<semaphore_mem>>
        %dma_start3A_248 = arith.constant 0 : i32
        %dma_start3A_249 = arith.constant 0 : i32
        %dma_start3A_250 = tpu.memref_slice %arg13[%dma_start3A_248, %dma_start3A_249] : memref<128x128xf32, #tpu.memory_space<vmem>> -> memref<80x128xf32, #tpu.memory_space<vmem>>
        %dma_start3A_251 = arith.constant 0 : i32
        %dma_start3A_252 = tpu.memref_slice %arg6[%arg0, %mul3A_246, %dma_start3A_251] : memref<2x10000x128xf32, #tpu.memory_space<hbm>> -> memref<1x80x128xf32, #tpu.memory_space<hbm>>
        %dma_start3A_253 = tpu.memref_squeeze %dma_start3A_252 : memref<1x80x128xf32, #tpu.memory_space<hbm>> -> memref<80x128xf32, #tpu.memory_space<hbm>>
        %dma_start3A_254 = arith.constant 0 : i32
        %dma_start3A_255 = tpu.memref_slice %arg6[%arg0, %mul3A_246, %dma_start3A_254] : memref<2x10000x128xf32, #tpu.memory_space<hbm>> -> memref<1x80x128xf32, #tpu.memory_space<hbm>>
        %dma_start3A_256 = tpu.memref_squeeze %dma_start3A_255 : memref<1x80x128xf32, #tpu.memory_space<hbm>> -> memref<80x128xf32, #tpu.memory_space<hbm>>
        %dma_start3A_257 = arith.constant 0 : i32
        %dma_start3A_258 = arith.constant 0 : i32
        %dma_start3A_259 = tpu.memref_slice %arg13[%dma_start3A_257, %dma_start3A_258] : memref<128x128xf32, #tpu.memory_space<vmem>> -> memref<80x128xf32, #tpu.memory_space<vmem>>
        tpu.enqueue_dma source(%dma_start3A_259 : memref<80x128xf32, #tpu.memory_space<vmem>>) target(%dma_start3A_256 : memref<80x128xf32, #tpu.memory_space<hbm>>) target_semaphore(%run_scoped3A_247 : memref<!tpu.dma_semaphore, #tpu.memory_space<semaphore_mem>>)
        %dma_wait3A_260 = arith.constant 0 : i32
        %dma_wait3A_261 = arith.constant 0 : i32
        %dma_wait3A_262 = tpu.memref_slice %arg13[%dma_wait3A_260, %dma_wait3A_261] : memref<128x128xf32, #tpu.memory_space<vmem>> -> memref<80x128xf32, #tpu.memory_space<vmem>>
        %dma_wait3A_263 = arith.constant 0 : i32
        %dma_wait3A_264 = tpu.memref_slice %arg6[%arg0, %mul3A_246, %dma_wait3A_263] : memref<2x10000x128xf32, #tpu.memory_space<hbm>> -> memref<1x80x128xf32, #tpu.memory_space<hbm>>
        %dma_wait3A_265 = tpu.memref_squeeze %dma_wait3A_264 : memref<1x80x128xf32, #tpu.memory_space<hbm>> -> memref<80x128xf32, #tpu.memory_space<hbm>>
        %dma_wait3A_266 = arith.constant 0 : i32
        %dma_wait3A_267 = tpu.memref_slice %arg6[%arg0, %mul3A_246, %dma_wait3A_266] : memref<2x10000x128xf32, #tpu.memory_space<hbm>> -> memref<1x80x128xf32, #tpu.memory_space<hbm>>
        %dma_wait3A_268 = tpu.memref_squeeze %dma_wait3A_267 : memref<1x80x128xf32, #tpu.memory_space<hbm>> -> memref<80x128xf32, #tpu.memory_space<hbm>>
        %dma_wait3A_269 = arith.constant 0 : i32
        %dma_wait3A_270 = arith.constant 0 : i32
        %dma_wait3A_271 = tpu.memref_slice %arg13[%dma_wait3A_269, %dma_wait3A_270] : memref<128x128xf32, #tpu.memory_space<vmem>> -> memref<80x128xf32, #tpu.memory_space<vmem>>
        tpu.wait_dma2 semaphore(%run_scoped3A_247 : memref<!tpu.dma_semaphore, #tpu.memory_space<semaphore_mem>>) src(%dma_wait3A_271 : memref<80x128xf32, #tpu.memory_space<vmem>>) dst(%dma_wait3A_268 : memref<80x128xf32, #tpu.memory_space<hbm>>)
        tpu.yield
      }) : () -> ()
    }
    %while3A_241 = arith.constant 1 : i32
    scf.for %while3A_242 = %while3A_239 to %while3A_235 step %while3A_241  : i32 {
      %mul3A_243 = arith.muli %while3A_242, %while3A_232 : i32
      %add3A_244 = arith.addi %arg1, %mul3A_243 : i32
      %mul3A_245 = arith.constant 80 : i32
      %mul3A_246 = arith.muli %add3A_244, %mul3A_245 : i32
      "tpu.region"() ({
        %run_scoped3A_247 = tpu.sem_alloc : memref<!tpu.dma_semaphore, #tpu.memory_space<semaphore_mem>>
        %dma_start3A_248 = arith.constant 0 : i32
        %dma_start3A_249 = arith.constant 0 : i32
        %dma_start3A_250 = tpu.memref_slice %arg13[%dma_start3A_248, %dma_start3A_249] : memref<128x128xf32, #tpu.memory_space<vmem>> -> memref<80x128xf32, #tpu.memory_space<vmem>>
        %dma_start3A_251 = arith.constant 0 : i32
        %dma_start3A_252 = tpu.memref_slice %arg15[%mul3A_246, %dma_start3A_251] : memref<10000x128xf32, #tpu.memory_space<vmem_shared>> -> memref<80x128xf32, #tpu.memory_space<vmem_shared>>
        %dma_start3A_253 = arith.constant 0 : i32
        %dma_start3A_254 = arith.constant 0 : i32
        %dma_start3A_255 = tpu.memref_slice %arg13[%dma_start3A_253, %dma_start3A_254] : memref<128x128xf32, #tpu.memory_space<vmem>> -> memref<80x128xf32, #tpu.memory_space<vmem>>
        %dma_start3A_256 = arith.constant 0 : i32
        %dma_start3A_257 = tpu.memref_slice %arg15[%mul3A_246, %dma_start3A_256] : memref<10000x128xf32, #tpu.memory_space<vmem_shared>> -> memref<80x128xf32, #tpu.memory_space<vmem_shared>>
        tpu.enqueue_dma source(%dma_start3A_257 : memref<80x128xf32, #tpu.memory_space<vmem_shared>>) target(%dma_start3A_255 : memref<80x128xf32, #tpu.memory_space<vmem>>) target_semaphore(%run_scoped3A_247 : memref<!tpu.dma_semaphore, #tpu.memory_space<semaphore_mem>>)
        %dma_wait3A_258 = arith.constant 0 : i32
        %dma_wait3A_259 = arith.constant 0 : i32
        %dma_wait3A_260 = tpu.memref_slice %arg13[%dma_wait3A_258, %dma_wait3A_259] : memref<128x128xf32, #tpu.memory_space<vmem>> -> memref<80x128xf32, #tpu.memory_space<vmem>>
        %dma_wait3A_261 = arith.constant 0 : i32
        %dma_wait3A_262 = tpu.memref_slice %arg15[%mul3A_246, %dma_wait3A_261] : memref<10000x128xf32, #tpu.memory_space<vmem_shared>> -> memref<80x128xf32, #tpu.memory_space<vmem_shared>>
        %dma_wait3A_263 = arith.constant 0 : i32
        %dma_wait3A_264 = arith.constant 0 : i32
        %dma_wait3A_265 = tpu.memref_slice %arg13[%dma_wait3A_263, %dma_wait3A_264] : memref<128x128xf32, #tpu.memory_space<vmem>> -> memref<80x128xf32, #tpu.memory_space<vmem>>
        %dma_wait3A_266 = arith.constant 0 : i32
        %dma_wait3A_267 = tpu.memref_slice %arg15[%mul3A_246, %dma_wait3A_266] : memref<10000x128xf32, #tpu.memory_space<vmem_shared>> -> memref<80x128xf32, #tpu.memory_space<vmem_shared>>
        tpu.wait_dma2 semaphore(%run_scoped3A_247 : memref<!tpu.dma_semaphore, #tpu.memory_space<semaphore_mem>>) src(%dma_wait3A_267 : memref<80x128xf32, #tpu.memory_space<vmem_shared>>) dst(%dma_wait3A_265 : memref<80x128xf32, #tpu.memory_space<vmem>>)
        tpu.yield
      }) : () -> ()
      "tpu.region"() ({
        %run_scoped3A_247 = tpu.sem_alloc : memref<!tpu.dma_semaphore, #tpu.memory_space<semaphore_mem>>
        %dma_start3A_248 = arith.constant 0 : i32
        %dma_start3A_249 = arith.constant 0 : i32
        %dma_start3A_250 = tpu.memref_slice %arg13[%dma_start3A_248, %dma_start3A_249] : memref<128x128xf32, #tpu.memory_space<vmem>> -> memref<80x128xf32, #tpu.memory_space<vmem>>
        %dma_start3A_251 = arith.constant 0 : i32
        %dma_start3A_252 = tpu.memref_slice %arg6[%arg0, %mul3A_246, %dma_start3A_251] : memref<2x10000x128xf32, #tpu.memory_space<hbm>> -> memref<1x80x128xf32, #tpu.memory_space<hbm>>
        %dma_start3A_253 = tpu.memref_squeeze %dma_start3A_252 : memref<1x80x128xf32, #tpu.memory_space<hbm>> -> memref<80x128xf32, #tpu.memory_space<hbm>>
        %dma_start3A_254 = arith.constant 0 : i32
        %dma_start3A_255 = tpu.memref_slice %arg6[%arg0, %mul3A_246, %dma_start3A_254] : memref<2x10000x128xf32, #tpu.memory_space<hbm>> -> memref<1x80x128xf32, #tpu.memory_space<hbm>>
        %dma_start3A_256 = tpu.memref_squeeze %dma_start3A_255 : memref<1x80x128xf32, #tpu.memory_space<hbm>> -> memref<80x128xf32, #tpu.memory_space<hbm>>
        %dma_start3A_257 = arith.constant 0 : i32
        %dma_start3A_258 = arith.constant 0 : i32
        %dma_start3A_259 = tpu.memref_slice %arg13[%dma_start3A_257, %dma_start3A_258] : memref<128x128xf32, #tpu.memory_space<vmem>> -> memref<80x128xf32, #tpu.memory_space<vmem>>
        tpu.enqueue_dma source(%dma_start3A_259 : memref<80x128xf32, #tpu.memory_space<vmem>>) target(%dma_start3A_256 : memref<80x128xf32, #tpu.memory_space<hbm>>) target_semaphore(%run_scoped3A_247 : memref<!tpu.dma_semaphore, #tpu.memory_space<semaphore_mem>>)
        %dma_wait3A_260 = arith.constant 0 : i32
        %dma_wait3A_261 = arith.constant 0 : i32
        %dma_wait3A_262 = tpu.memref_slice %arg13[%dma_wait3A_260, %dma_wait3A_261] : memref<128x128xf32, #tpu.memory_space<vmem>> -> memref<80x128xf32, #tpu.memory_space<vmem>>
        %dma_wait3A_263 = arith.constant 0 : i32
        %dma_wait3A_264 = tpu.memref_slice %arg6[%arg0, %mul3A_246, %dma_wait3A_263] : memref<2x10000x128xf32, #tpu.memory_space<hbm>> -> memref<1x80x128xf32, #tpu.memory_space<hbm>>
        %dma_wait3A_265 = tpu.memref_squeeze %dma_wait3A_264 : memref<1x80x128xf32, #tpu.memory_space<hbm>> -> memref<80x128xf32, #tpu.memory_space<hbm>>
        %dma_wait3A_266 = arith.constant 0 : i32
        %dma_wait3A_267 = tpu.memref_slice %arg6[%arg0, %mul3A_246, %dma_wait3A_266] : memref<2x10000x128xf32, #tpu.memory_space<hbm>> -> memref<1x80x128xf32, #tpu.memory_space<hbm>>
        %dma_wait3A_268 = tpu.memref_squeeze %dma_wait3A_267 : memref<1x80x128xf32, #tpu.memory_space<hbm>> -> memref<80x128xf32, #tpu.memory_space<hbm>>
        %dma_wait3A_269 = arith.constant 0 : i32
        %dma_wait3A_270 = arith.constant 0 : i32
        %dma_wait3A_271 = tpu.memref_slice %arg13[%dma_wait3A_269, %dma_wait3A_270] : memref<128x128xf32, #tpu.memory_space<vmem>> -> memref<80x128xf32, #tpu.memory_space<vmem>>
        tpu.wait_dma2 semaphore(%run_scoped3A_247 : memref<!tpu.dma_semaphore, #tpu.memory_space<semaphore_mem>>) src(%dma_wait3A_271 : memref<80x128xf32, #tpu.memory_space<vmem>>) dst(%dma_wait3A_268 : memref<80x128xf32, #tpu.memory_space<hbm>>)
        tpu.yield
      }) : () -> ()
    }
    return
  }
}

module attributes {stable_mosaic.version = 14 : i64} {
  func.func @body(%arg0: i32, %arg1: memref<32x1280xf32, #tpu.memory_space<vmem>>, %arg2: memref<1280x128xf32, #tpu.memory_space<vmem>>) attributes {dimension_semantics = [#tpu.dimension_semantics<arbitrary>], iteration_bounds = array<i64: 8>, scalar_prefetch = 0 : i64, scratch_operands = 0 : i64, tpu.core_type = #tpu.core_type<tc>, window_params = [{transform_indices = @transform_0, window_bounds = array<i64: 32, 1280>}, {transform_indices = @transform_1, window_bounds = array<i64: 1280, 128>}]} {
    %broadcast_in_dim3A = arith.constant 1.000000e+00 : f32
    %broadcast_in_dim3A_0 = vector.broadcast %broadcast_in_dim3A : f32 to vector<32x1xf32>
    %get3A = arith.constant 0 : index
    %get3A_1 = arith.constant 0 : index
    %get3A_2 = vector.load %arg1[%get3A, %get3A_1] : memref<32x1280xf32, #tpu.memory_space<vmem>>, vector<32x1280xf32>
    %dot_general3A = arith.constant dense<0.000000e+00> : vector<1280x1xf32>
    %dot_general3A_3 = tpu.matmul %get3A_2, %broadcast_in_dim3A_0, %dot_general3A {dimension_numbers = #tpu.dot_dimension_numbers<[0], [0], [1], [1], [0, 1, 1, 1], [], []>, transpose_lhs_hint = false} : vector<32x1280xf32>, vector<32x1xf32>, vector<1280x1xf32> -> vector<1280x1xf32>
    %broadcast_in_dim3A_4 = vector.shape_cast %dot_general3A_3 : vector<1280x1xf32> to vector<1280x1xf32>
    %broadcast_in_dim3A_5 = vector.broadcast %broadcast_in_dim3A_4 : vector<1280x1xf32> to vector<1280x128xf32>
    %swap3A = arith.constant 0 : index
    %swap3A_6 = arith.constant 0 : index
    %swap3A_7 = vector.load %arg2[%swap3A, %swap3A_6] : memref<1280x128xf32, #tpu.memory_space<vmem>>, vector<1280x128xf32>
    tpu.vector_store %arg2[%swap3A, %swap3A_6], %broadcast_in_dim3A_5 {strides = array<i32>} : memref<1280x128xf32, #tpu.memory_space<vmem>>, vector<1280x128xf32>,
    return
  }
  func.func @transform_0(%arg0: i32) -> (i32, i32) {
    %c0_i32 = arith.constant 0 : i32
    %c0_i32_0 = arith.constant 0 : i32
    return %c0_i32, %arg0 : i32, i32
  }
  func.func @transform_1(%arg0: i32) -> (i32, i32) {
    %c0_i32 = arith.constant 0 : i32
    %c0_i32_0 = arith.constant 0 : i32
    return %arg0, %c0_i32 : i32, i32
  }
}

module attributes {stable_mosaic.version = 14 : i64} {
  func.func @body(%arg0: i32, %arg1: memref<1000x128xf32, #tpu.memory_space<vmem>>, %arg2: memref<2x32000xi32, #tpu.memory_space<vmem>>, %arg3: memref<128x128xf32, #tpu.memory_space<vmem>>, %arg4: memref<1x128xf32, #tpu.memory_space<vmem>>, %arg5: memref<128x128xf32, #tpu.memory_space<vmem>>, %arg6: memref<1x128xf32, #tpu.memory_space<vmem>>, %arg7: memref<1000x128xf32, #tpu.memory_space<vmem>>, %arg8: memref<1000x128xf32, #tpu.memory_space<vmem>>, %arg9: memref<1x32000xi32, #tpu.memory_space<vmem>>, %arg10: memref<1x32000xi32, #tpu.memory_space<vmem>>) attributes {dimension_semantics = [#tpu.dimension_semantics<arbitrary>], iteration_bounds = array<i64: 10>, scalar_prefetch = 0 : i64, scratch_operands = 0 : i64, tpu.core_type = #tpu.core_type<tc>, window_params = [{transform_indices = @transform_0, window_bounds = array<i64: 1000, 128>}, {transform_indices = @transform_1, window_bounds = array<i64: 2, 32000>}, {pipeline_mode = #tpu.pipeline_mode<synchronous>, transform_indices = @transform_2, window_bounds = array<i64: 128, 128>}, {pipeline_mode = #tpu.pipeline_mode<synchronous>, transform_indices = @transform_3, window_bounds = array<i64: 1, 128>}, {pipeline_mode = #tpu.pipeline_mode<synchronous>, transform_indices = @transform_4, window_bounds = array<i64: 128, 128>}, {pipeline_mode = #tpu.pipeline_mode<synchronous>, transform_indices = @transform_5, window_bounds = array<i64: 1, 128>}, {transform_indices = @transform_6, window_bounds = array<i64: 1000, 128>}, {transform_indices = @transform_7, window_bounds = array<i64: 1000, 128>}, {transform_indices = @transform_8, window_bounds = array<i64: 1, 32000>}, {transform_indices = @transform_9, window_bounds = array<i64: 1, 32000>}]} {
    %get3A = arith.constant 0 : index
    %get3A_0 = arith.constant 0 : index
    %get3A_1 = vector.load %arg1[%get3A, %get3A_0] : memref<1000x128xf32, #tpu.memory_space<vmem>>, vector<1000x128xf32>
    %get3A_2 = arith.constant 0 : index
    %get3A_3 = arith.constant 0 : index
    %get3A_4 = vector.load %arg3[%get3A_2, %get3A_3] : memref<128x128xf32, #tpu.memory_space<vmem>>, vector<128x128xf32>
    %dot_general3A = arith.constant dense<0.000000e+00> : vector<1000x128xf32>
    %dot_general3A_5 = tpu.matmul %get3A_1, %get3A_4, %dot_general3A {dimension_numbers = #tpu.dot_dimension_numbers<[1], [0], [0], [1], [0, 0, 1, 1], [], []>, transpose_lhs_hint = false} : vector<1000x128xf32>, vector<128x128xf32>, vector<1000x128xf32> -> vector<1000x128xf32>
    %get3A_6 = arith.constant 0 : index
    %get3A_7 = arith.constant 0 : index
    %get3A_8 = vector.load %arg4[%get3A_6, %get3A_7] : memref<1x128xf32, #tpu.memory_space<vmem>>, vector<1x128xf32>
    %add3A = vector.broadcast %get3A_8 : vector<1x128xf32> to vector<1000x128xf32>
    %add3A_9 = arith.addf %dot_general3A_5, %add3A : vector<1000x128xf32>
    %max3A = arith.constant 0.000000e+00 : f32
    %max3A_10 = vector.broadcast %max3A : f32 to vector<1000x128xf32>
    %max3A_11 = arith.maximumf %add3A_9, %max3A_10 : vector<1000x128xf32>
    %swap3A = arith.constant 0 : index
    %swap3A_12 = arith.constant 0 : index
    %swap3A_13 = vector.load %arg7[%swap3A, %swap3A_12] : memref<1000x128xf32, #tpu.memory_space<vmem>>, vector<1000x128xf32>
    tpu.vector_store %arg7[%swap3A, %swap3A_12], %max3A_11 {strides = array<i32>} : memref<1000x128xf32, #tpu.memory_space<vmem>>, vector<1000x128xf32>,
    %get3A_14 = arith.constant 0 : index
    %get3A_15 = arith.constant 0 : index
    %get3A_16 = vector.load %arg5[%get3A_14, %get3A_15] : memref<128x128xf32, #tpu.memory_space<vmem>>, vector<128x128xf32>
    %dot_general3A_17 = arith.constant dense<0.000000e+00> : vector<1000x128xf32>
    %dot_general3A_18 = tpu.matmul %get3A_1, %get3A_16, %dot_general3A_17 {dimension_numbers = #tpu.dot_dimension_numbers<[1], [0], [0], [1], [0, 0, 1, 1], [], []>, transpose_lhs_hint = false} : vector<1000x128xf32>, vector<128x128xf32>, vector<1000x128xf32> -> vector<1000x128xf32>
    %get3A_19 = arith.constant 0 : index
    %get3A_20 = arith.constant 0 : index
    %get3A_21 = vector.load %arg6[%get3A_19, %get3A_20] : memref<1x128xf32, #tpu.memory_space<vmem>>, vector<1x128xf32>
    %add3A_22 = vector.broadcast %get3A_21 : vector<1x128xf32> to vector<1000x128xf32>
    %add3A_23 = arith.addf %dot_general3A_18, %add3A_22 : vector<1000x128xf32>
    %swap3A_24 = arith.constant 0 : index
    %swap3A_25 = arith.constant 0 : index
    %swap3A_26 = vector.load %arg8[%swap3A_24, %swap3A_25] : memref<1000x128xf32, #tpu.memory_space<vmem>>, vector<1000x128xf32>
    tpu.vector_store %arg8[%swap3A_24, %swap3A_25], %add3A_23 {strides = array<i32>} : memref<1000x128xf32, #tpu.memory_space<vmem>>, vector<1000x128xf32>,
    %get3A_27 = arith.constant 0 : index
    %get3A_28 = arith.constant 0 : index
    %get3A_29 = vector.load %arg2[%get3A_27, %get3A_28] : memref<2x32000xi32, #tpu.memory_space<vmem>>, vector<1x32000xi32>
    %get3A_30 = vector.shape_cast %get3A_29 : vector<1x32000xi32> to vector<32000xi32>
    %reshape3A = vector.shape_cast %get3A_30 : vector<32000xi32> to vector<1x32000xi32>
    %swap3A_31 = arith.constant 0 : index
    %swap3A_32 = arith.constant 0 : index
    %swap3A_33 = vector.load %arg9[%swap3A_31, %swap3A_32] : memref<1x32000xi32, #tpu.memory_space<vmem>>, vector<1x32000xi32>
    tpu.vector_store %arg9[%swap3A_31, %swap3A_32], %reshape3A {strides = array<i32>} : memref<1x32000xi32, #tpu.memory_space<vmem>>, vector<1x32000xi32>,
    %get3A_34 = arith.constant 1 : index
    %get3A_35 = arith.constant 0 : index
    %get3A_36 = vector.load %arg2[%get3A_34, %get3A_35] : memref<2x32000xi32, #tpu.memory_space<vmem>>, vector<1x32000xi32>
    %get3A_37 = vector.shape_cast %get3A_36 : vector<1x32000xi32> to vector<32000xi32>
    %reshape3A_38 = vector.shape_cast %get3A_37 : vector<32000xi32> to vector<1x32000xi32>
    %swap3A_39 = arith.constant 0 : index
    %swap3A_40 = arith.constant 0 : index
    %swap3A_41 = vector.load %arg10[%swap3A_39, %swap3A_40] : memref<1x32000xi32, #tpu.memory_space<vmem>>, vector<1x32000xi32>
    tpu.vector_store %arg10[%swap3A_39, %swap3A_40], %reshape3A_38 {strides = array<i32>} : memref<1x32000xi32, #tpu.memory_space<vmem>>, vector<1x32000xi32>,
    return
  }
  func.func @transform_0(%arg0: i32) -> (i32, i32) {
    %c0_i32 = arith.constant 0 : i32
    %c0_i32_0 = arith.constant 0 : i32
    return %arg0, %c0_i32 : i32, i32
  }
  func.func @transform_1(%arg0: i32) -> (i32, i32) {
    %c0_i32 = arith.constant 0 : i32
    %c0_i32_0 = arith.constant 0 : i32
    return %c0_i32, %arg0 : i32, i32
  }
  func.func @transform_2(%arg0: i32) -> (i32, i32) {
    %c0_i32 = arith.constant 0 : i32
    %c0_i32_0 = arith.constant 0 : i32
    %c0_i32_1 = arith.constant 0 : i32
    return %c0_i32, %c0_i32_0 : i32, i32
  }
  func.func @transform_3(%arg0: i32) -> (i32, i32) {
    %c0_i32 = arith.constant 0 : i32
    %c0_i32_0 = arith.constant 0 : i32
    %c0_i32_1 = arith.constant 0 : i32
    return %c0_i32, %c0_i32_0 : i32, i32
  }
  func.func @transform_4(%arg0: i32) -> (i32, i32) {
    %c0_i32 = arith.constant 0 : i32
    %c0_i32_0 = arith.constant 0 : i32
    %c0_i32_1 = arith.constant 0 : i32
    return %c0_i32, %c0_i32_0 : i32, i32
  }
  func.func @transform_5(%arg0: i32) -> (i32, i32) {
    %c0_i32 = arith.constant 0 : i32
    %c0_i32_0 = arith.constant 0 : i32
    %c0_i32_1 = arith.constant 0 : i32
    return %c0_i32, %c0_i32_0 : i32, i32
  }
  func.func @transform_6(%arg0: i32) -> (i32, i32) {
    %c0_i32 = arith.constant 0 : i32
    %c0_i32_0 = arith.constant 0 : i32
    return %arg0, %c0_i32 : i32, i32
  }
  func.func @transform_7(%arg0: i32) -> (i32, i32) {
    %c0_i32 = arith.constant 0 : i32
    %c0_i32_0 = arith.constant 0 : i32
    return %arg0, %c0_i32 : i32, i32
  }
  func.func @transform_8(%arg0: i32) -> (i32, i32) {
    %c0_i32 = arith.constant 0 : i32
    %c0_i32_0 = arith.constant 0 : i32
    return %c0_i32, %arg0 : i32, i32
  }
  func.func @transform_9(%arg0: i32) -> (i32, i32) {
    %c0_i32 = arith.constant 0 : i32
    %c0_i32_0 = arith.constant 0 : i32
    return %c0_i32, %arg0 : i32, i32
  }
}

module attributes {stable_mosaic.version = 14 : i64} {
  func.func @body(%arg0: i32, %arg1: memref<2x1000x128xf32, #tpu.memory_space<vmem>>, %arg2: memref<1000x128xf32, #tpu.memory_space<vmem>>, %arg3: memref<1000x128xf32, #tpu.memory_space<vmem>>) attributes {dimension_semantics = [#tpu.dimension_semantics<arbitrary>], iteration_bounds = array<i64: 10>, scalar_prefetch = 0 : i64, scratch_operands = 0 : i64, tpu.core_type = #tpu.core_type<tc>, window_params = [{transform_indices = @transform_0, window_bounds = array<i64: 2, 1000, 128>}, {transform_indices = @transform_1, window_bounds = array<i64: 1000, 128>}, {transform_indices = @transform_2, window_bounds = array<i64: 1000, 128>}]} {
    %get3A = arith.constant 0 : index
    %get3A_0 = arith.constant 0 : index
    %get3A_1 = arith.constant 0 : index
    %get3A_2 = vector.load %arg1[%get3A, %get3A_0, %get3A_1] : memref<2x1000x128xf32, #tpu.memory_space<vmem>>, vector<1x1000x128xf32>
    %get3A_3 = vector.shape_cast %get3A_2 : vector<1x1000x128xf32> to vector<1000x128xf32>
    %get3A_4 = arith.constant 1 : index
    %get3A_5 = arith.constant 0 : index
    %get3A_6 = arith.constant 0 : index
    %get3A_7 = vector.load %arg1[%get3A_4, %get3A_5, %get3A_6] : memref<2x1000x128xf32, #tpu.memory_space<vmem>>, vector<1x1000x128xf32>
    %get3A_8 = vector.shape_cast %get3A_7 : vector<1x1000x128xf32> to vector<1000x128xf32>
    %add3A = arith.addf %get3A_3, %get3A_8 : vector<1000x128xf32>
    %get3A_9 = arith.constant 0 : index
    %get3A_10 = arith.constant 0 : index
    %get3A_11 = vector.load %arg2[%get3A_9, %get3A_10] : memref<1000x128xf32, #tpu.memory_space<vmem>>, vector<1000x128xf32>
    %max3A = arith.constant 1.000000e+00 : f32
    %max3A_12 = vector.broadcast %max3A : f32 to vector<1000x128xf32>
    %max3A_13 = arith.maximumf %get3A_11, %max3A_12 : vector<1000x128xf32>
    %div3A = arith.divf %add3A, %max3A_13 : vector<1000x128xf32>
    %swap3A = arith.constant 0 : index
    %swap3A_14 = arith.constant 0 : index
    %swap3A_15 = vector.load %arg3[%swap3A, %swap3A_14] : memref<1000x128xf32, #tpu.memory_space<vmem>>, vector<1000x128xf32>
    tpu.vector_store %arg3[%swap3A, %swap3A_14], %div3A {strides = array<i32>} : memref<1000x128xf32, #tpu.memory_space<vmem>>, vector<1000x128xf32>,
    return
  }
  func.func @transform_0(%arg0: i32) -> (i32, i32, i32) {
    %c0_i32 = arith.constant 0 : i32
    %c0_i32_0 = arith.constant 0 : i32
    %c0_i32_1 = arith.constant 0 : i32
    return %c0_i32, %arg0, %c0_i32_0 : i32, i32, i32
  }
  func.func @transform_1(%arg0: i32) -> (i32, i32) {
    %c0_i32 = arith.constant 0 : i32
    %c0_i32_0 = arith.constant 0 : i32
    return %arg0, %c0_i32 : i32, i32
  }
  func.func @transform_2(%arg0: i32) -> (i32, i32) {
    %c0_i32 = arith.constant 0 : i32
    %c0_i32_0 = arith.constant 0 : i32
    return %arg0, %c0_i32 : i32, i32
  }
}

module attributes {stable_mosaic.version = 14 : i64} {
  func.func @body(%arg0: i32, %arg1: memref<1000x128xf32, #tpu.memory_space<vmem>>, %arg2: memref<2x1000x128xf32, #tpu.memory_space<vmem>>, %arg3: memref<1000x128xf32, #tpu.memory_space<vmem>>, %arg4: memref<1000x128xf32, #tpu.memory_space<vmem>>) attributes {dimension_semantics = [#tpu.dimension_semantics<arbitrary>], iteration_bounds = array<i64: 10>, scalar_prefetch = 0 : i64, scratch_operands = 0 : i64, tpu.core_type = #tpu.core_type<tc>, window_params = [{transform_indices = @transform_0, window_bounds = array<i64: 1000, 128>}, {transform_indices = @transform_1, window_bounds = array<i64: 2, 1000, 128>}, {transform_indices = @transform_2, window_bounds = array<i64: 1000, 128>}, {transform_indices = @transform_3, window_bounds = array<i64: 1000, 128>}]} {
    %get3A = arith.constant 0 : index
    %get3A_0 = arith.constant 0 : index
    %get3A_1 = arith.constant 0 : index
    %get3A_2 = vector.load %arg2[%get3A, %get3A_0, %get3A_1] : memref<2x1000x128xf32, #tpu.memory_space<vmem>>, vector<1x1000x128xf32>
    %get3A_3 = vector.shape_cast %get3A_2 : vector<1x1000x128xf32> to vector<1000x128xf32>
    %get3A_4 = arith.constant 1 : index
    %get3A_5 = arith.constant 0 : index
    %get3A_6 = arith.constant 0 : index
    %get3A_7 = vector.load %arg2[%get3A_4, %get3A_5, %get3A_6] : memref<2x1000x128xf32, #tpu.memory_space<vmem>>, vector<1x1000x128xf32>
    %get3A_8 = vector.shape_cast %get3A_7 : vector<1x1000x128xf32> to vector<1000x128xf32>
    %add3A = arith.addf %get3A_3, %get3A_8 : vector<1000x128xf32>
    %get3A_9 = arith.constant 0 : index
    %get3A_10 = arith.constant 0 : index
    %get3A_11 = vector.load %arg3[%get3A_9, %get3A_10] : memref<1000x128xf32, #tpu.memory_space<vmem>>, vector<1000x128xf32>
    %max3A = arith.constant 1.000000e+00 : f32
    %max3A_12 = vector.broadcast %max3A : f32 to vector<1000x128xf32>
    %max3A_13 = arith.maximumf %get3A_11, %max3A_12 : vector<1000x128xf32>
    %div3A = arith.divf %add3A, %max3A_13 : vector<1000x128xf32>
    %get3A_14 = arith.constant 0 : index
    %get3A_15 = arith.constant 0 : index
    %get3A_16 = vector.load %arg1[%get3A_14, %get3A_15] : memref<1000x128xf32, #tpu.memory_space<vmem>>, vector<1000x128xf32>
    %add3A_17 = arith.addf %get3A_16, %div3A : vector<1000x128xf32>
    %max3A_18 = arith.constant 0.000000e+00 : f32
    %max3A_19 = vector.broadcast %max3A_18 : f32 to vector<1000x128xf32>
    %max3A_20 = arith.maximumf %add3A_17, %max3A_19 : vector<1000x128xf32>
    %reduce_max3A = arith.constant dense<0xFF800000> : vector<1000xf32>
    %reduce_max3A_21 = vector.multi_reduction <maximumf>, %max3A_20, %reduce_max3A [1] : vector<1000x128xf32> to vector<1000xf32>
    %broadcast_in_dim3A = vector.shape_cast %reduce_max3A_21 : vector<1000xf32> to vector<1000x1xf32>
    %sub3A = vector.broadcast %broadcast_in_dim3A : vector<1000x1xf32> to vector<1000x128xf32>
    %sub3A_22 = arith.subf %max3A_20, %sub3A : vector<1000x128xf32>
    %exp3A = math.exp %sub3A_22 : vector<1000x128xf32>
    %reduce_sum3A = arith.constant dense<0.000000e+00> : vector<1000xf32>
    %reduce_sum3A_23 = vector.multi_reduction <add>, %exp3A, %reduce_sum3A [1] : vector<1000x128xf32> to vector<1000xf32>
    %broadcast_in_dim3A_24 = vector.shape_cast %reduce_sum3A_23 : vector<1000xf32> to vector<1000x1xf32>
    %log3A = math.log %broadcast_in_dim3A_24 : vector<1000x1xf32>
    %sub3A_25 = vector.broadcast %broadcast_in_dim3A : vector<1000x1xf32> to vector<1000x128xf32>
    %sub3A_26 = arith.subf %max3A_20, %sub3A_25 : vector<1000x128xf32>
    %sub3A_27 = vector.broadcast %log3A : vector<1000x1xf32> to vector<1000x128xf32>
    %sub3A_28 = arith.subf %sub3A_26, %sub3A_27 : vector<1000x128xf32>
    %swap3A = arith.constant 0 : index
    %swap3A_29 = arith.constant 0 : index
    %swap3A_30 = vector.load %arg4[%swap3A, %swap3A_29] : memref<1000x128xf32, #tpu.memory_space<vmem>>, vector<1000x128xf32>
    tpu.vector_store %arg4[%swap3A, %swap3A_29], %sub3A_28 {strides = array<i32>} : memref<1000x128xf32, #tpu.memory_space<vmem>>, vector<1000x128xf32>,
    return
  }
  func.func @transform_0(%arg0: i32) -> (i32, i32) {
    %c0_i32 = arith.constant 0 : i32
    %c0_i32_0 = arith.constant 0 : i32
    return %arg0, %c0_i32 : i32, i32
  }
  func.func @transform_1(%arg0: i32) -> (i32, i32, i32) {
    %c0_i32 = arith.constant 0 : i32
    %c0_i32_0 = arith.constant 0 : i32
    %c0_i32_1 = arith.constant 0 : i32
    return %c0_i32, %arg0, %c0_i32_0 : i32, i32, i32
  }
  func.func @transform_2(%arg0: i32) -> (i32, i32) {
    %c0_i32 = arith.constant 0 : i32
    %c0_i32_0 = arith.constant 0 : i32
    return %arg0, %c0_i32 : i32, i32
  }
  func.func @transform_3(%arg0: i32) -> (i32, i32) {
    %c0_i32 = arith.constant 0 : i32
    %c0_i32_0 = arith.constant 0 : i32
    return %arg0, %c0_i32 : i32, i32
  }
}

</mosaic_0001>

<sc_bundles>
// kernel: kernel.12.cloned.1.call-start
scs
__scs_entry_jumppad:
0x0: {  	(pc) =	sbr.rel $0x88, $3  }
0x1: {  	(tag) =	ssettag $0x0;
	lr =	simm.s32 $0x1  }
0x2: {  	[smem:$0x3F9B] =	sst lr;
	_ =	strace $0xD0000000  }
0x3: {  	_ = 	snop  }
0x4: {  	_ = 	snop  }
0x5: {  	_ = 	snop  }
0x6: {  	_ = 	snop  }
0x7: {  	_ = 	snop  }
__scs_overlays_trampoline_lowered:
0x8: {  	[smem:$0x3FAA] =	sst s0  }
0x9: {  	[smem:$0x3FAB] =	sst s1  }
0xa: {  	[smem:$0x3FAC] =	sst s2  }
0xb: {  	[smem:$0x3FAD] =	sst s3  }
0xc: {  	[smem:$0x3FAE] =	sst s4  }
0xd: {  	[smem:$0x3FAF] =	sst s5  }
0xe: {  	[smem:$0x3FB0] =	sst s6  }
0xf: {  	[smem:$0x3FB1] =	sst s7  }
0x10: {  	[smem:$0x3FB2] =	sst s8  }
0x11: {  	[smem:$0x3FB3] =	sst s9;
	s0 =	simm.s32 @!p0 $0x0  }
0x12: {  	s1 =	sld [smem:$0x3F99];
	s0 =	simm.s32 @p0 $0x1  }
0x13: {  	[smem:$0x3FB4] =	sst s0;
	s0 =	simm.s32 @!p1 $0x0  }
0x14: {  	s2 =	sld [smem:$0x3F98];
	s0 =	simm.s32 @p1 $0x1  }
0x15: {  	[smem:$0x3FB5] =	sst s0;
	s0 =	simm.s32 @!p2 $0x0  }
0x16: {  	s3 =	sld [smem:$0x3FDB];
	s0 =	simm.s32 @p2 $0x1  }
0x17: {  	s4 =	simm.s32 $0x1BF5;
	[smem:$0x3FB7] =	sst s0  }
0x18: {  	s0 =	sld [smem:$0x3F9A];
	_ =	swait.ge [sflag:s4], $0x0  }
0x19: {  	s7 =	sld [smem:$0x3F9B]  }
0x1a: {  	s8 =	sadd.s32 $0xFFFFE003, lr  }
0x1b: {  	s9 =	sadd.s32 $0xFFFFFEF7, lr;
	s5 =	simm.s32 $0xFFFFFFFF;
	p2 =	slt.u32 s8, $0xFFFFF086  }
0x1c: {  	p1 =	slt.u32 s9, $0xF7A;
	s5 =	simm.s32 @!p2 $0x0  }
0x1d: {  	s5 =	simm.s32 @p1 $0x1;
	p0 =	seq.s32 s7, s2  }
0x1e: {  	s7 =	smul.u32 @!p0 $0xF7A, s2;
	p2 =	seq.s32 @!p0 s5, $0x0  }
0x1f: {  	s9 =	smul.u32 $0xF7A, s1;
	s8 =	simm.s32 @!p0 $0x1BF5;
	p2 =	por !p2, p0  }
0x20: {  	[sflag:s8] =	ssyncset.s32 @!p0 $0xFFFFF086;
	s6 =	sadd.s32 @!p0 s3, s7;
	s7 =	simm.s32 @!p0 $0x108  }
0x21: {  	s3 =	sadd.s32 s3, s9;
	s6 =	sadd.s32 @!p0 $0x88, s6;
	s7 =	simm.s32 @p2 $0x1082  }
0x22: {  	[simem:s7], [sflag:s8] =	dma.local @!p0 [hbm:s6], $0xF7A  }
0x23: {  	s9 =	sor.u32 $0xD0000000, s2;
	s6 =	simm.s32 $0x108;
	_ =	swait.ge @!p0 [sflag:s8], $0x0  }
0x24: {  	s3 =	sadd.s32 $0x88, s3;
	s6 =	simm.s32 @!p1 $0x1082;
	[sflag:s4] =	ssyncset.s32 $0xFFFFF086  }
0x25: {  	[simem:s6], [sflag:s4] =	dma.local [hbm:s3], $0xF7A  }
0x26: {  	[smem:$0x3F9B] =	sst s1;
	(tag) =	ssettag s2;
	_ =	strace s9  }
0x27: {  	s1 =	sld [smem:$0x3FAB]  }
0x28: {  	s2 =	sld [smem:$0x3FAC]  }
0x29: {  	s4 =	sld [smem:$0x3FAE]  }
0x2a: {  	p0 =	seq.s32 s5, $0x0;
	s5 =	sld [smem:$0x3FAF]  }
0x2b: {  	s6 =	sld [smem:$0x3FB0]  }
0x2c: {  	s7 =	sld [smem:$0x3FB1]  }
0x2d: {  	s3 =	simm.s32 $0x108;
	s8 =	sld [smem:$0x3FB2]  }
0x2e: {  	s3 =	simm.s32 @!p0 $0x1082;
	s9 =	sld [smem:$0x3FB3]  }
0x2f: {  	lr =	sadd.s32 s0, s3;
	s0 =	sld [smem:$0x3FAA]  }
0x30: {  	s3 =	sld [smem:$0x3FAD]  }
0x31: {  	[smem:$0x3FB6] =	sst s10  }
0x32: {  	s10 =	sld [smem:$0x3FB4];
	_ =	sdelay $0x3  }
0x33: {  	p0 =	seq.s32 s10, $0x1;
	s10 =	sld [smem:$0x3FB6];
	_ =	sdelay $0x3  }
0x34: {  	[smem:$0x3FB6] =	sst s10  }
0x35: {  	s10 =	sld [smem:$0x3FB5];
	_ =	sdelay $0x3  }
0x36: {  	p1 =	seq.s32 s10, $0x1;
	s10 =	sld [smem:$0x3FB6];
	_ =	sdelay $0x3  }
0x37: {  	[smem:$0x3FB6] =	sst s10  }
0x38: {  	s10 =	sld [smem:$0x3FB7]  }
0x39: {  	_ = 	snop;
	(pc) =	sbr.ind lr, $3  }
0x3a: {  	_ = 	snop  }
0x3b: {  	_ = 	snop  }
0x3c: {  	p2 =	seq.s32 s10, $0x1;
	s10 =	sld [smem:$0x3FB6]  }
0x3d: {  	_ =	shalt  }
0x3e: {  	_ =	shalt  }
0x3f: {  	_ =	shalt  }
0x40: {  	_ =	shalt  }
0x41: {  	_ =	shalt  }
0x42: {  	_ =	shalt  }
0x43: {  	_ =	shalt  }
0x44: {  	_ =	shalt  }
0x45: {  	_ =	shalt  }
0x46: {  	_ =	shalt  }
0x47: {  	_ =	shalt  }
0x48: {  	_ =	shalt  }
0x49: {  	_ =	shalt  }
0x4a: {  	_ =	shalt  }
0x4b: {  	_ =	shalt  }
0x4c: {  	_ =	shalt  }
0x4d: {  	_ =	shalt  }
0x4e: {  	_ =	shalt  }
0x4f: {  	_ =	shalt  }
0x50: {  	_ =	shalt  }
0x51: {  	_ =	shalt  }
0x52: {  	_ =	shalt  }
0x53: {  	_ =	shalt  }
0x54: {  	_ =	shalt  }
0x55: {  	_ =	shalt  }
0x56: {  	_ =	shalt  }
0x57: {  	_ =	shalt  }
0x58: {  	_ =	shalt  }
0x59: {  	_ =	shalt  }
0x5a: {  	_ =	shalt  }
0x5b: {  	_ =	shalt  }
0x5c: {  	_ =	shalt  }
0x5d: {  	_ =	shalt  }
0x5e: {  	_ =	shalt  }
0x5f: {  	_ =	shalt  }
0x60: {  	_ =	shalt  }
0x61: {  	_ =	shalt  }
0x62: {  	_ =	shalt  }
0x63: {  	_ =	shalt  }
0x64: {  	_ =	shalt  }
0x65: {  	_ =	shalt  }
0x66: {  	_ =	shalt  }
0x67: {  	_ =	shalt  }
0x68: {  	_ =	shalt  }
0x69: {  	_ =	shalt  }
0x6a: {  	_ =	shalt  }
0x6b: {  	_ =	shalt  }
0x6c: {  	_ =	shalt  }
0x6d: {  	_ =	shalt  }
0x6e: {  	_ =	shalt  }
0x6f: {  	_ =	shalt  }
0x70: {  	_ =	shalt  }
0x71: {  	_ =	shalt  }
0x72: {  	_ =	shalt  }
0x73: {  	_ =	shalt  }
0x74: {  	_ =	shalt  }
0x75: {  	_ =	shalt  }
0x76: {  	_ =	shalt  }
0x77: {  	_ =	shalt  }
0x78: {  	_ =	shalt  }
0x79: {  	_ =	shalt  }
0x7a: {  	_ =	shalt  }
0x7b: {  	_ =	shalt  }
0x7c: {  	_ =	shalt  }
0x7d: {  	_ =	shalt  }
0x7e: {  	_ =	shalt  }
0x7f: {  	_ =	shalt  }
0x80: {  	_ =	shalt  }
0x81: {  	_ =	shalt  }
0x82: {  	_ =	shalt  }
0x83: {  	_ =	shalt  }
0x84: {  	_ =	shalt  }
0x85: {  	_ =	shalt  }
0x86: {  	_ =	shalt  }
0x87: {  	_ =	shalt  }
.Lfunc_end0:
.L_simem_size_0:
called_computation.1_lowered:
.L_overlay_start_0:
0x88: {  	s2 =	sld [smem:$0x3FD9]  }
0x89: {  	s3 =	sld [smem:$0x3FFE];
	_ =	sdelay $0x1  }
0x8a: {  	s1 =	srdreg.scid  }
0x8b: {  	s0 =	sand.u32 $0x1, s1  }
0x8c: {  	s17 =	sshll.u32 s0, $0xA;
	s2 =	sadd.s32 s3, s2  }
0x8d: {  	s2 =	sadd.s32 s2, s17  }
0x8e: {  	[smem:$0x3FC2] =	sst s2  }
0x8f: {  	_ = 	snop  }
0x90: {  	s2 =	sld [smem:$0x3FD0];
	(tm) =	ssettm $0x1  }
0x91: {  	s18 =	sld [smem:$0x3FFB];
	_ =	sdelay $0x3  }
0x92: {  	_ =	strace s18  }
0x93: {  	s3 =	sld [smem:$0x3FFC];
	_ =	sdelay $0x3  }
0x94: {  	_ =	strace s3  }
0x95: {  	s3 =	sld [smem:$0x3FFD];
	_ =	sdelay $0x3  }
0x96: {  	_ =	strace s3  }
0x97: {  	_ =	strace $0x8FFFFFFF  }
0x98: {  	s19 =	sld [smem:$0x3FDB];
	_ =	sdelay $0x1  }
0x99: {  	s4 =	simm.s32 $_scs_section_size  }
0x9a: {  	s5 =	simm.s32 $_size__tile_overlayer_lowered;
	s6 =	simm.s32 $_tile_overlayer_lowered  }
0x9b: {  	s22 =	simm.s32 $0x1BFF;
	s21 =	sshll.u32 s6, $0x1;
	s3 =	sadd.s32 s4, s19  }
0x9c: {  	s7 =	simm.s32 $0x0;
	s20 =	sshll.u32 s5, $0x1;
	s5 =	sadd.s32 s21, s3  }
0x9d: {  	[timem:s7], [sflag:s22] =	dma.local [hbm:s5], s20  }
0x9e: {  	_ =	swait.ge [sflag:s22], s20  }
0x9f: {  	s4 =	ssub.s32 $0x0, s20;
	[sflag:s22] =	ssyncset.done $0x0  }
0xa0: {  	[sflag:s22] =	ssyncadd.s32 s4;
	_ =	sdelay $0x1  }
0xa1: {  	s23 =	simm.s32 $0x1B8B  }
0xa2: {  	_ =	swait.ge [sflag:s23], $0x1  }
0xa3: {  	[sflag:s23] =	ssyncset.done $0x0  }
0xa4: {  	s25 =	simm.s32 $0x1B8E;
	s24 =	sld [smem:$0x3FFE];
	[sflag:s23] =	ssyncadd.s32 $0xFFFFFFFF  }
0xa5: {  	s26 =	simm.s32 $execute0_lowered;
	[smem:$0x3FD2] =	sst s25  }
0xa6: {  	s5 =	sshll.u32 s26, $0x1;
	_ =	strace $0x80000049;
	[dreg:$0x1] =	wrdreg $0xFFFFFFFF  }
0xa7: {  	s28 =	simm.s32 $_size_execute0_lowered;
	s3 =	sadd.s32 s3, s5;
	[dreg:$0x0] =	wrdreg $0x0  }
0xa8: {  	s5 =	sshll.u32 s28, $0x1;
	[dreg:$0x2] =	wrdreg s3  }
0xa9: {  	[dreg:$0x3] =	wrdreg s5  }
0xaa: {  	[dreg:$0x4] =	wrdreg $0xC0  }
0xab: {  	_ =	task [dreg:s7], $0x5FFFF  }
0xac: {  	[dreg:$0x1] =	wrdreg $0xFFFFFFFF  }
0xad: {  	[dreg:$0x0] =	wrdreg $0x60  }
0xae: {  	[dreg:$0x2] =	wrdreg s2  }
0xaf: {  	[dreg:$0x3] =	wrdreg s24  }
0xb0: {  	[dreg:$0x4] =	wrdreg $0xAB000  }
0xb1: {  	[dreg:$0x5] =	wrdreg $0x9  }
0xb2: {  	_ =	task.clear_ibuf [dreg:s7], $0x6FFFF;
	_ =	strace $0x90000049  }
0xb3: {  	s29 =	simm.s32 $0x9;
	_ =	strace $0x8000004B  }
0xb4: {  	_ =	swait.ge [sflag:s29], $0x1  }
0xb5: {  	[sflag:s29] =	ssyncadd.s32 $0xFFFFFFFF  }
0xb6: {  	_ =	strace $0x9000004B  }
0xb7: {  	_ =	sfence  }
0xb8: {  	s30 =	sld [smem:$0x0];
	_ =	sdelay $0x2  }
0xb9: {  	s31 =	sshll.u32 s1, $0xD;
	s1 =	sshrl.u32 s1, $0x2  }
0xba: {  	s3 =	sand.u32 $0x4000, s31;
	s1 =	sadd.s32 s1, s30  }
0xbb: {  	s0 =	sor.u32 s3, s0;
	s1 =	sshll.u32 s1, $0x11  }
0xbc: {  	s0 =	sor.u32 s1, s0  }
0xbd: {  	s0 =	sadd.s32 $0x8F2B, s0  }
0xbe: {  	[sflag:s0] =	ssyncadd.remote.s32 $0x1  }
0xbf: {  	_ =	sfence.sel $0xFFFF  }
0xc0: {  	[dreg:$0x0] =	wrdreg $0xFFFFFFFF;
	(pc) =	sbr.abs _section_cstart, $3  }
0xc1: {  	[dreg:$0x1] =	wrdreg $0xFFFFFFFF  }
0xc2: {  	_ =	task.clear_ibuf [dreg:s7], $0x2FFFF;
	_ =	strace $0x9FFFFFFF  }
0xc3: {  	(tm) =	ssettm $0x7FFFFFFF  }
tec
execute0_lowered:
.L_overlay_start_1:
0x0: {  	(tag) =	ssettag $0x1  }
0x1: {  	s1 =	rddreg [dreg:$0x0]  }
0x2: {  	s0 =	rddreg [dreg:$0x1]  }
0x3: {  	s2 =	rddreg [dreg:$0x2];
	s3 =	srdreg.scid;
	s4 =	simm.s32 $0x0  }
0x4: {  	s13 =	stileid.u32;
	s28 =	simm.s32 $0x4;
	s29 =	simm.s32 $0x4300  }
0x5: {  	s30 =	simm.s32 $0x8300;
	s31 =	simm.s32 $0x1;
	s8 =	smul.u32 $0x2800, s13  }
0x6: {  	s3 =	sand.u32 $0x1, s3;
	[smem:$0x7FF] =	sst s4;
	s12 =	smul.u32 $0x2710, s13  }
0x7: {  	s10 =	sshrl.u32 s13, $0x3;
	s5 =	sadd.s32 $0xBE00, s0;
	s24 =	smul.u32 $0xA000, s13  }
0x8: {  	s6 =	sadd.s32 $0x2000, s0;
	s11 =	sadd.s32 $0x15C00, s0;
	s7 =	smul.u32 $0x138800, s3  }
0x9: {  	s14 =	sshll.u32 s13, $0x7;
	s19 =	ssub.s32 $0x8C, s13;
	s9 =	smul.u32 $0x28000, s3  }
0xa: {  	_ =	strace $0x8000004A;
	s10 =	smul.u32 $0x14000, s10;
	[dreg:$0x4] =	wrdreg s11  }
0xb: {  	s15 =	sshll.u32 s3, $0x4;
	s17 =	ssub.s32 $0x2, s3;
	s3 =	smul.u32 $0x27100, s3  }
0xc: {  	s16 =	sor.u32 s13, s15;
	s18 =	sshrl.u32 s17, $0x1;
	s26 =	sshrl.u32 s24, $0x2  }
0xd: {  	s24 =	simm.s32 $0x100;
	s7 =	sadd.s32 s8, s7;
	s9 =	sadd.s32 s9, s10  }
0xe: {  	s8 =	sand.u32 $0x380, s14;
	s10 =	ssub.s32 s17, s18;
	s3 =	sadd.s32 s12, s3  }
0xf: {  	s17 =	sadd.s32 s26, s2;
	s26 =	simm.s32 $0x180;
	s7 =	sshrl.u32 s7, $0x3  }
0x10: {  	s8 =	sor.u32 s8, s9;
	s9 =	smul.u32 $0x2710, s16;
	s25 =	sadd.s32 $0x180, s3  }
0x11: {  	s16 =	smax.u32 s10, $0x1;
	s13 =	sadd.s32 $0x100, s3;
	s3 =	simm.s32 $0x2  }
0x12: {  	s10 =	simm.s32 $0x10;
	s8 =	sshrl.u32 s8, $0x3;
	s9 =	sshrl.u32 s9, $0x3  }
0x13: {  	s7 =	sadd.s32 s7, s0;
	s0 =	sadd.s32 s8, s0;
	s20 =	sadd.s32 s5, s9  }
0x14: {  	s8 =	sshrl.u32 s19, $0x4;
	s21 =	sadd.s32 s6, s9;
	[dreg:$0x5] =	wrdreg s20  }
0x15: {  	s22 =	sadd.s32 $0x10, s9;
	s0 =	sadd.s32 $0x16200, s0;
	[dreg:$0x6] =	wrdreg s21  }
0x16: {  	s9 =	sadd.s32 $0x4E0, s9;
	s14 =	sadd.s32 s5, s22;
	[dreg:$0xb] =	wrdreg s0  }
0x17: {  	s11 =	sadd.s32 s6, s22;
	s23 =	sadd.s32 s5, s9;
	[dreg:$0x7] =	wrdreg s14  }
0x18: {  	s9 =	sadd.s32 s6, s9;
	s0 =	sshrl.u32 s25, $0x3;
	[dreg:$0x8] =	wrdreg s11  }
0x19: {  	s22 =	simm.s32 $0x300;
	s25 =	simm.s32 $0x80;
	[dreg:$0x9] =	wrdreg s23  }
0x1a: {  	[dreg:$0xa] =	wrdreg s9;
	s18 =	sadd.s32 s0, s6;
	s19 =	sadd.s32 s0, s5  }
0x1b: {  	s14 =	sadd.s32 $0x20200, s7;
	s23 =	simm.s32 $0x5;
	s0 =	simm.s32 $0x3  }
0x1c: {  	v0 =	vimm.f32 $0.0e+00;
	v1 =	vimm.f32 $1.000000000e+00;
	s7 =	simm.s32 $0x200;
	s9 =	simm.s32 $0x280;
	s11 =	simm.s32 $0x0  }
.LBB2_1:
0x1d: {  	s12 =	simm.s32 $0x40;
	s20 =	simm.s32 $0x0  }
.LBB2_2:
0x1e: {  	p0 =	sne.s32 s12, $0x9FC0;
	[tilespmem:s20+$0x8300] =	vst v0;
	s20 =	smov.u32 s12;
	s12 =	sadd.s32 $0x40, s12  }
.Ltmp0:
0x1f: {  	(pc) =	sbr.rel @p0 .LBB2_2-.Ltmp0, $2  }
0x20: {  	_ =	sdelay $0x2  }
0x21: {  	s20 =	sshra.s32 s20, $0x2  }
0x22: {  	[tilespmem:s20+$0x8300] =	vst v0;
	s12 =	rddreg [dreg:$0x4]  }
0x23: {  	[tilespmem:s22], [sflag:$0x5] =	stream.linear.gather [hbm4b:s12+s4], $0x2800, $0x38;
	[tilespmem:$0x1E380] =	vst v63  }
0x24: {  	p0 =	sne.s32 s8, $0x1;
	_ =	swait.ge [sflag:s23], $0x2800  }
.Ltmp1:
0x25: {  	[sflag:s23] =	ssyncset.done $0x0;
	(pc) =	sbr.rel @!p0 .LBB2_5-.Ltmp1, $4  }
0x26: {  	[sflag:s23] =	ssyncadd.s32 $0xFFFFD800  }
0x27: {  	[spmem:s17] =	stream.linear.scatter [tilespmem:s22], [sflag:$0x5], $0x2800, $0x38;
	[tilespmem:$0x1E380] =	vst v63  }
0x28: {  	_ =	swait.ge [sflag:s23], $0x2800  }
0x29: {  	s20 =	smov.u32 s17;
	s12 =	sadd.s32 $0xFFFFFFFF, s8;
	[sflag:s23] =	ssyncset.done $0x0  }
.LBB2_4:
0x2a: {  	p1 =	sne.s32 s12, $0x1;
	[sflag:s23] =	ssyncadd.s32 $0xFFFFD800;
	s20 =	sadd.s32 $0x28000, s20  }
.Ltmp2:
0x2b: {  	s12 =	sadd.s32 $0xFFFFFFFF, s12;
	(pc) =	sbr.rel @p1 .LBB2_4-.Ltmp2, $4  }
0x2c: {  	_ = 	snop  }
0x2d: {  	[spmem:s20] =	stream.linear.scatter [tilespmem:s22], [sflag:$0x5], $0x2800, $0x38;
	[tilespmem:$0x1E380] =	vst v63  }
0x2e: {  	_ =	swait.ge [sflag:s23], $0x2800  }
0x2f: {  	[sflag:s23] =	ssyncset.done $0x0  }
.LBB2_5:
0x30: {  	[sflag:s23] =	ssyncadd.s32 $0xFFFFD800  }
0x31: {  	[bflag:$0x0] =	sbarrier.arrive $0xFFFF  }
0x32: {  	s12 =	simm.s32 $0x0;
	s15 =	rddreg [dreg:$0x5]  }
0x33: {  	[tilespmem:s12], [sflag:$0x5] =	stream.linear.gather [hbm4b:s15+s12], $0x80, $0x38;
	[tilespmem:$0x1E380] =	vst v63  }
0x34: {  	_ =	swait.ge [sflag:s23], $0x80  }
0x35: {  	[sflag:s23] =	ssyncset.done $0x0  }
0x36: {  	s21 =	rddreg [dreg:$0x6];
	[sflag:s23] =	ssyncadd.s32 $0xFFFFFF80  }
0x37: {  	[tilespmem:s24], [sflag:$0x5] =	stream.linear.gather [hbm4b:s21+s12], $0x80, $0x38;
	[tilespmem:$0x1E380] =	vst v63  }
0x38: {  	_ =	swait.ge [sflag:s23], $0x80  }
0x39: {  	[sflag:s23] =	ssyncset.done $0x0  }
0x3a: {  	s20 =	rddreg [dreg:$0x7];
	[sflag:s23] =	ssyncadd.s32 $0xFFFFFF80  }
0x3b: {  	[tilespmem:s25], [sflag:$0x4] =	stream.linear.gather [hbm4b:s20+s12], $0x80, $0x38;
	[tilespmem:$0x1E380] =	vst v63  }
0x3c: {  	s21 =	rddreg [dreg:$0x8]  }
0x3d: {  	[tilespmem:s26], [sflag:$0x4] =	stream.linear.gather [hbm4b:s21+s12], $0x80, $0x38;
	[tilespmem:$0x1E380] =	vst v63  }
0x3e: {  	s20 =	smov.u32 s13  }
0x3f: {  	[tilespmem:s22], [sflag:$0x1] =	stream.indirect.gather [hbm4b:s1+s25], $0x80, s12, s25, $0xb8;
	[tilespmem:$0x1E380] =	vst v63  }
.LBB2_6:
0x40: {  	_ =	swait.ge [sflag:s28], $0x80  }
0x41: {  	[sflag:s28] =	ssyncset.done $0x0  }
0x42: {  	[sflag:s28] =	ssyncadd.s32 $0xFFFFFF80  }
0x43: {  	_ =	swait.ge [sflag:s28], $0x80  }
0x44: {  	[sflag:s28] =	ssyncset.done $0x0  }
0x45: {  	[sflag:s28] =	ssyncadd.s32 $0xFFFFFF80  }
0x46: {  	[tilespmem:s29], [sflag:$0x2] =	stream.indirect.gather [hbm4b:s1+s25], $0x80, s25, s25, $0xb8;
	[tilespmem:$0x1E380] =	vst v63  }
0x47: {  	v2 =	vld [tilespmem:$0x100];
	_ =	sdelay $0x7  }
0x48: {  	[tilespmem:v2+s30+$0x0] =	vst.idx.add.f32.msk $0xffff, v1  }
0x49: {  	v2 =	vld [tilespmem:$0x110];
	_ =	sdelay $0x7  }
0x4a: {  	[tilespmem:v2+s30+$0x0] =	vst.idx.add.f32.msk $0xffff, v1  }
0x4b: {  	v2 =	vld [tilespmem:$0x120];
	_ =	sdelay $0x7  }
0x4c: {  	[tilespmem:v2+s30+$0x0] =	vst.idx.add.f32.msk $0xffff, v1  }
0x4d: {  	v2 =	vld [tilespmem:$0x130];
	_ =	sdelay $0x7  }
0x4e: {  	[tilespmem:v2+s30+$0x0] =	vst.idx.add.f32.msk $0xffff, v1  }
0x4f: {  	v2 =	vld [tilespmem:$0x140];
	_ =	sdelay $0x7  }
0x50: {  	[tilespmem:v2+s30+$0x0] =	vst.idx.add.f32.msk $0xffff, v1  }
0x51: {  	v2 =	vld [tilespmem:$0x150];
	_ =	sdelay $0x7  }
0x52: {  	[tilespmem:v2+s30+$0x0] =	vst.idx.add.f32.msk $0xffff, v1  }
0x53: {  	v2 =	vld [tilespmem:$0x160];
	_ =	sdelay $0x7  }
0x54: {  	[tilespmem:v2+s30+$0x0] =	vst.idx.add.f32.msk $0xffff, v1  }
0x55: {  	v2 =	vld [tilespmem:$0x170];
	_ =	sdelay $0x7  }
0x56: {  	[tilespmem:v2+s30+$0x0] =	vst.idx.add.f32.msk $0xffff, v1  }
0x57: {  	_ =	swait.ge [sflag:s31], $0x4000  }
0x58: {  	[sflag:s31] =	ssyncset.done $0x0  }
0x59: {  	[sflag:s31] =	ssyncadd.s32 $0xFFFFC000  }
0x5a: {  	[spmem:s2] =	stream.indirect.scatter.add.f32 [tilespmem:s22], [sflag:$0x5], $0x80, s24, s25, $0xb8;
	[tilespmem:$0x1E380] =	vst v63  }
0x5b: {  	_ =	swait.ge [sflag:s23], $0x4000  }
0x5c: {  	s21 =	sshrl.u32 s20, $0x3;
	[sflag:s23] =	ssyncset.done $0x0  }
0x5d: {  	s15 =	sadd.s32 s5, s21;
	[sflag:s23] =	ssyncadd.s32 $0xFFFFC000  }
0x5e: {  	[tilespmem:s4], [sflag:$0x3] =	stream.linear.gather [hbm4b:s15+s4], $0x80, $0x38;
	[tilespmem:$0x1E380] =	vst v63  }
0x5f: {  	s21 =	sadd.s32 s6, s21  }
0x60: {  	[tilespmem:s24], [sflag:$0x3] =	stream.linear.gather [hbm4b:s21+s4], $0x80, $0x38;
	[tilespmem:$0x1E380] =	vst v63  }
0x61: {  	_ =	swait.ge [sflag:s0], $0x80  }
0x62: {  	[sflag:s0] =	ssyncset.done $0x0  }
0x63: {  	[sflag:s0] =	ssyncadd.s32 $0xFFFFFF80  }
0x64: {  	_ =	swait.ge [sflag:s0], $0x80  }
0x65: {  	[sflag:s0] =	ssyncset.done $0x0  }
0x66: {  	[sflag:s0] =	ssyncadd.s32 $0xFFFFFF80  }
0x67: {  	[tilespmem:s22], [sflag:$0x1] =	stream.indirect.gather [hbm4b:s1+s25], $0x80, s4, s25, $0xb8;
	[tilespmem:$0x1E380] =	vst v63  }
0x68: {  	v2 =	vld [tilespmem:$0x180];
	_ =	sdelay $0x7  }
0x69: {  	[tilespmem:v2+s30+$0x0] =	vst.idx.add.f32.msk $0xffff, v1  }
0x6a: {  	v2 =	vld [tilespmem:$0x190];
	_ =	sdelay $0x7  }
0x6b: {  	[tilespmem:v2+s30+$0x0] =	vst.idx.add.f32.msk $0xffff, v1  }
0x6c: {  	v2 =	vld [tilespmem:$0x1A0];
	_ =	sdelay $0x7  }
0x6d: {  	[tilespmem:v2+s30+$0x0] =	vst.idx.add.f32.msk $0xffff, v1  }
0x6e: {  	v2 =	vld [tilespmem:$0x1B0];
	_ =	sdelay $0x7  }
0x6f: {  	[tilespmem:v2+s30+$0x0] =	vst.idx.add.f32.msk $0xffff, v1  }
0x70: {  	v2 =	vld [tilespmem:$0x1C0];
	_ =	sdelay $0x7  }
0x71: {  	[tilespmem:v2+s30+$0x0] =	vst.idx.add.f32.msk $0xffff, v1  }
0x72: {  	v2 =	vld [tilespmem:$0x1D0];
	_ =	sdelay $0x7  }
0x73: {  	[tilespmem:v2+s30+$0x0] =	vst.idx.add.f32.msk $0xffff, v1  }
0x74: {  	v2 =	vld [tilespmem:$0x1E0];
	_ =	sdelay $0x7  }
0x75: {  	[tilespmem:v2+s30+$0x0] =	vst.idx.add.f32.msk $0xffff, v1  }
0x76: {  	v2 =	vld [tilespmem:$0x1F0];
	_ =	sdelay $0x7  }
0x77: {  	[tilespmem:v2+s30+$0x0] =	vst.idx.add.f32.msk $0xffff, v1  }
0x78: {  	_ =	swait.ge [sflag:s3], $0x4000  }
0x79: {  	[sflag:s3] =	ssyncset.done $0x0  }
0x7a: {  	[sflag:s3] =	ssyncadd.s32 $0xFFFFC000  }
0x7b: {  	[spmem:s2] =	stream.indirect.scatter.add.f32 [tilespmem:s29], [sflag:$0x5], $0x80, s26, s25, $0xb8;
	[tilespmem:$0x1E380] =	vst v63  }
0x7c: {  	p1 =	sne.s32 s12, $0x4A0;
	_ =	swait.ge [sflag:s23], $0x4000  }
.Ltmp3:
0x7d: {  	[sflag:s23] =	ssyncset.done $0x0;
	(pc) =	sbr.rel @p1 .LBB2_6-.Ltmp3, $4  }
0x7e: {  	s21 =	sadd.s32 s12, s19;
	[sflag:s23] =	ssyncadd.s32 $0xFFFFC000  }
0x7f: {  	[tilespmem:s25], [sflag:$0x4] =	stream.linear.gather [hbm4b:s21+s4], $0x80, $0x38;
	[tilespmem:$0x1E380] =	vst v63  }
0x80: {  	s20 =	sadd.s32 $0x100, s20;
	s21 =	sadd.s32 s12, s18;
	s12 =	sadd.s32 $0x20, s12  }
0x81: {  	[tilespmem:s26], [sflag:$0x4] =	stream.linear.gather [hbm4b:s21+s4], $0x80, $0x38;
	[tilespmem:$0x1E380] =	vst v63  }
0x82: {  	_ =	swait.ge [sflag:s28], $0x80  }
0x83: {  	[sflag:s28] =	ssyncset.done $0x0  }
0x84: {  	[sflag:s28] =	ssyncadd.s32 $0xFFFFFF80  }
0x85: {  	_ =	swait.ge [sflag:s28], $0x80  }
0x86: {  	[sflag:s28] =	ssyncset.done $0x0  }
0x87: {  	[sflag:s28] =	ssyncadd.s32 $0xFFFFFF80  }
0x88: {  	[tilespmem:s29], [sflag:$0x2] =	stream.indirect.gather [hbm4b:s1+s25], $0x80, s25, s25, $0xb8;
	[tilespmem:$0x1E380] =	vst v63  }
0x89: {  	v2 =	vld [tilespmem:$0x100];
	_ =	sdelay $0x7  }
0x8a: {  	[tilespmem:v2+s30+$0x0] =	vst.idx.add.f32.msk $0xffff, v1  }
0x8b: {  	v2 =	vld [tilespmem:$0x110];
	_ =	sdelay $0x7  }
0x8c: {  	[tilespmem:v2+s30+$0x0] =	vst.idx.add.f32.msk $0xffff, v1  }
0x8d: {  	v2 =	vld [tilespmem:$0x120];
	_ =	sdelay $0x7  }
0x8e: {  	[tilespmem:v2+s30+$0x0] =	vst.idx.add.f32.msk $0xffff, v1  }
0x8f: {  	v2 =	vld [tilespmem:$0x130];
	_ =	sdelay $0x7  }
0x90: {  	[tilespmem:v2+s30+$0x0] =	vst.idx.add.f32.msk $0xffff, v1  }
0x91: {  	v2 =	vld [tilespmem:$0x140];
	_ =	sdelay $0x7  }
0x92: {  	[tilespmem:v2+s30+$0x0] =	vst.idx.add.f32.msk $0xffff, v1  }
0x93: {  	v2 =	vld [tilespmem:$0x150];
	_ =	sdelay $0x7  }
0x94: {  	[tilespmem:v2+s30+$0x0] =	vst.idx.add.f32.msk $0xffff, v1  }
0x95: {  	v2 =	vld [tilespmem:$0x160];
	_ =	sdelay $0x7  }
0x96: {  	[tilespmem:v2+s30+$0x0] =	vst.idx.add.f32.msk $0xffff, v1  }
0x97: {  	v2 =	vld [tilespmem:$0x170];
	_ =	sdelay $0x7  }
0x98: {  	[tilespmem:v2+s30+$0x0] =	vst.idx.add.f32.msk $0xffff, v1  }
0x99: {  	_ =	swait.ge [sflag:s31], $0x4000  }
0x9a: {  	[sflag:s31] =	ssyncset.done $0x0  }
0x9b: {  	[sflag:s31] =	ssyncadd.s32 $0xFFFFC000  }
0x9c: {  	[spmem:s2] =	stream.indirect.scatter.add.f32 [tilespmem:s22], [sflag:$0x5], $0x80, s24, s25, $0xb8;
	[tilespmem:$0x1E380] =	vst v63  }
0x9d: {  	_ =	swait.ge [sflag:s23], $0x4000  }
0x9e: {  	[sflag:s23] =	ssyncset.done $0x0  }
0x9f: {  	[sflag:s23] =	ssyncadd.s32 $0xFFFFC000  }
0xa0: {  	v2 =	vld [tilespmem:$0x180];
	_ =	sdelay $0x7  }
0xa1: {  	[tilespmem:v2+s30+$0x0] =	vst.idx.add.f32.msk $0xffff, v1  }
0xa2: {  	v2 =	vld [tilespmem:$0x190];
	_ =	sdelay $0x7  }
0xa3: {  	[tilespmem:v2+s30+$0x0] =	vst.idx.add.f32.msk $0xffff, v1  }
0xa4: {  	v2 =	vld [tilespmem:$0x1A0];
	_ =	sdelay $0x7  }
0xa5: {  	[tilespmem:v2+s30+$0x0] =	vst.idx.add.f32.msk $0xffff, v1  }
0xa6: {  	v2 =	vld [tilespmem:$0x1B0];
	_ =	sdelay $0x7  }
0xa7: {  	[tilespmem:v2+s30+$0x0] =	vst.idx.add.f32.msk $0xffff, v1  }
0xa8: {  	v2 =	vld [tilespmem:$0x1C0];
	_ =	sdelay $0x7  }
0xa9: {  	[tilespmem:v2+s30+$0x0] =	vst.idx.add.f32.msk $0xffff, v1  }
0xaa: {  	v2 =	vld [tilespmem:$0x1D0];
	_ =	sdelay $0x7  }
0xab: {  	[tilespmem:v2+s30+$0x0] =	vst.idx.add.f32.msk $0xffff, v1  }
0xac: {  	v2 =	vld [tilespmem:$0x1E0];
	_ =	sdelay $0x7  }
0xad: {  	[tilespmem:v2+s30+$0x0] =	vst.idx.add.f32.msk $0xffff, v1  }
0xae: {  	v2 =	vld [tilespmem:$0x1F0];
	_ =	sdelay $0x7  }
0xaf: {  	[tilespmem:v2+s30+$0x0] =	vst.idx.add.f32.msk $0xffff, v1  }
0xb0: {  	_ =	swait.ge [sflag:s3], $0x4000  }
0xb1: {  	[sflag:s3] =	ssyncset.done $0x0  }
0xb2: {  	[sflag:s3] =	ssyncadd.s32 $0xFFFFC000  }
0xb3: {  	[spmem:s2] =	stream.indirect.scatter.add.f32 [tilespmem:s29], [sflag:$0x5], $0x80, s26, s25, $0xb8;
	[tilespmem:$0x1E380] =	vst v63  }
0xb4: {  	_ =	swait.ge [sflag:s23], $0x4000  }
0xb5: {  	[sflag:s23] =	ssyncset.done $0x0  }
0xb6: {  	s12 =	rddreg [dreg:$0x9];
	[sflag:s23] =	ssyncadd.s32 $0xFFFFC000  }
0xb7: {  	[tilespmem:s7], [sflag:$0x5] =	stream.linear.gather [hbm4b:s12+s4], $0x10, $0x38;
	[tilespmem:$0x1E380] =	vst v63  }
0xb8: {  	_ =	swait.ge [sflag:s23], $0x10  }
0xb9: {  	[sflag:s23] =	ssyncset.done $0x0  }
0xba: {  	s20 =	rddreg [dreg:$0xa];
	[sflag:s23] =	ssyncadd.s32 $0xFFFFFFF0  }
0xbb: {  	[tilespmem:s9], [sflag:$0x5] =	stream.linear.gather [hbm4b:s20+s4], $0x10, $0x38;
	[tilespmem:$0x1E380] =	vst v63  }
0xbc: {  	_ =	swait.ge [sflag:s23], $0x10  }
0xbd: {  	[sflag:s23] =	ssyncset.done $0x0  }
0xbe: {  	[sflag:s23] =	ssyncadd.s32 $0xFFFFFFF0  }
0xbf: {  	[tilespmem:s22], [sflag:$0x1] =	stream.indirect.gather [hbm4b:s1+s10], $0x80, s7, s10, $0xb8;
	[tilespmem:$0x1E380] =	vst v63  }
0xc0: {  	_ =	swait.ge [sflag:s31], $0x800  }
0xc1: {  	[sflag:s31] =	ssyncset.done $0x0  }
0xc2: {  	[sflag:s31] =	ssyncadd.s32 $0xFFFFF800  }
0xc3: {  	v2 =	vld [tilespmem:$0x280];
	_ =	sdelay $0x7  }
0xc4: {  	[tilespmem:v2+s30+$0x0] =	vst.idx.add.f32.msk $0xffff, v1  }
0xc5: {  	[spmem:s2] =	stream.indirect.scatter.add.f32 [tilespmem:s22], [sflag:$0x5], $0x80, s9, s10, $0xb8;
	[tilespmem:$0x1E380] =	vst v63  }
0xc6: {  	_ =	swait.ge [sflag:s23], $0x800  }
0xc7: {  	[sflag:s23] =	ssyncset.done $0x0  }
0xc8: {  	[sflag:s23] =	ssyncadd.s32 $0xFFFFF800  }
0xc9: {  	[bflag:$0x0] =	sbarrier.arrive $0xFFFF  }
0xca: {  	s15 =	simm.s32 $0x400;
	s21 =	rddreg [dreg:$0xb]  }
0xcb: {  	[hbm4b:s21+s25] =	stream.strided.scatter [tilespmem:s30], [sflag:$0x5], $0x2800, s15, s25, $0x38;
	[tilespmem:$0x1E380] =	vst v63  }
0xcc: {  	_ =	swait.ge [sflag:s23], $0x2800  }
0xcd: {  	[sflag:s23] =	ssyncset.done $0x0  }
0xce: {  	[sflag:s23] =	ssyncadd.s32 $0xFFFFD800  }
0xcf: {  	[tilespmem:s29], [sflag:$0x5] =	stream.linear.gather [spmem:s17], $0x2800, $0x38;
	[tilespmem:$0x1E380] =	vst v63  }
0xd0: {  	_ =	swait.ge [sflag:s23], $0x2800  }
.Ltmp4:
0xd1: {  	[sflag:s23] =	ssyncset.done $0x0;
	(pc) =	sbr.rel @!p0 .LBB2_9-.Ltmp4, $4  }
0xd2: {  	[sflag:s23] =	ssyncadd.s32 $0xFFFFD800  }
0xd3: {  	[hbm4b:s14+s4] =	stream.linear.scatter [tilespmem:s29], [sflag:$0x5], $0x2800, $0x38;
	[tilespmem:$0x1E380] =	vst v63  }
0xd4: {  	s12 =	sadd.s32 $0xFFFFFFFF, s8;
	_ =	swait.ge [sflag:s23], $0x2800  }
0xd5: {  	s20 =	smov.u32 s17;
	s21 =	smov.u32 s14;
	[sflag:s23] =	ssyncset.done $0x0  }
.LBB2_8:
0xd6: {  	[sflag:s23] =	ssyncadd.s32 $0xFFFFD800;
	s20 =	sadd.s32 $0x28000, s20;
	s21 =	sadd.s32 $0x5000, s21  }
0xd7: {  	[tilespmem:s29], [sflag:$0x5] =	stream.linear.gather [spmem:s20], $0x2800, $0x38;
	[tilespmem:$0x1E380] =	vst v63  }
0xd8: {  	p0 =	sne.s32 s12, $0x1;
	s12 =	sadd.s32 $0xFFFFFFFF, s12;
	_ =	swait.ge [sflag:s23], $0x2800  }
.Ltmp5:
0xd9: {  	[sflag:s23] =	ssyncset.done $0x0;
	(pc) =	sbr.rel @p0 .LBB2_8-.Ltmp5, $4  }
0xda: {  	[sflag:s23] =	ssyncadd.s32 $0xFFFFD800  }
0xdb: {  	[hbm4b:s21+s4] =	stream.linear.scatter [tilespmem:s29], [sflag:$0x5], $0x2800, $0x38;
	[tilespmem:$0x1E380] =	vst v63  }
0xdc: {  	_ =	swait.ge [sflag:s23], $0x2800  }
0xdd: {  	[sflag:s23] =	ssyncset.done $0x0  }
.LBB2_9:
0xde: {  	s11 =	sadd.s32 $0x1, s11  }
0xdf: {  	p0 =	sne.s32 s11, s16  }
.Ltmp6:
0xe0: {  	_ = 	snop;
	(pc) =	sbr.rel @p0 .LBB2_1-.Ltmp6, $2  }
0xe1: {  	_ =	sdelay $0x2  }
0xe2: {  	[sflag:s23] =	ssyncadd.s32 $0xFFFFD800  }
0xe3: {  	_ =	sfence.sel $0x180000  }
0xe4: {  	[bflag:$0x0] =	sbarrier.arrive $0xFFFF  }
0xe5: {  	_ =	strace $0x9000004A  }
0xe6: {  	s0 =	stileid.u32;
	[bflag:$0x2] =	sbarrier.arrive $0xFFFF  }
0xe7: {  	p0 =	sne.s32 s0, $0x0;
	s0 =	rddreg [dreg:$0x3]  }
0xe8: {  	s0 =	sadd.s32 @!p0 $0x100000, s0  }
0xe9: {  	[sflag:s0] =	ssyncadd.tile.s32 @!p0 $0x1;
	_ =	shalt  }
.Lfunc_end2:
_tile_overlayer_lowered:
.L_overlay_start_2:
0xea: {  	(tag) =	ssettag $0x2  }
0xeb: {  	s0 =	rddreg [dreg:$0x0];
	s2 =	stileid.u32  }
0xec: {  	s1 =	rddreg [dreg:$0x1];
	p0 =	sne.s32 s2, $0x0  }
0xed: {  	s3 =	rddreg [dreg:$0x2];
	[bflag:$0x3] =	sbarrier.arrive $0xFFFF;
	s2 =	simm.s32 @!p0 $0x1C05  }
0xee: {  	[timem:s3], [sflag:s2] =	dma.local @!p0 [hbm:s0], s1  }
0xef: {  	s0 =	simm.s32 @!p0 $0x5  }
0xf0: {  	_ =	swait.ge @!p0 [sflag:s0], s1  }
0xf1: {  	s1 =	ssub.s32 @!p0 $0x0, s1;
	[sflag:s0] =	ssyncset.done @!p0 $0x0  }
0xf2: {  	[sflag:s0] =	ssyncadd.s32 @!p0 s1  }
0xf3: {  	[bflag:$0x3] =	sbarrier.arrive $0xFFFF  }
0xf4: {  	_ =	shalt  }

// kernel: kernel.9.cloned.1.call-start
scs
__scs_entry_jumppad:
0x0: {  	(pc) =	sbr.rel $0x88, $3  }
0x1: {  	(tag) =	ssettag $0x0;
	lr =	simm.s32 $0x1  }
0x2: {  	[smem:$0x3F9B] =	sst lr;
	_ =	strace $0xD0000000  }
0x3: {  	_ = 	snop  }
0x4: {  	_ = 	snop  }
0x5: {  	_ = 	snop  }
0x6: {  	_ = 	snop  }
0x7: {  	_ = 	snop  }
__scs_overlays_trampoline_lowered:
0x8: {  	[smem:$0x3FAA] =	sst s0  }
0x9: {  	[smem:$0x3FAB] =	sst s1  }
0xa: {  	[smem:$0x3FAC] =	sst s2  }
0xb: {  	[smem:$0x3FAD] =	sst s3  }
0xc: {  	[smem:$0x3FAE] =	sst s4  }
0xd: {  	[smem:$0x3FAF] =	sst s5  }
0xe: {  	[smem:$0x3FB0] =	sst s6  }
0xf: {  	[smem:$0x3FB1] =	sst s7  }
0x10: {  	[smem:$0x3FB2] =	sst s8  }
0x11: {  	[smem:$0x3FB3] =	sst s9;
	s0 =	simm.s32 @!p0 $0x0  }
0x12: {  	s1 =	sld [smem:$0x3F99];
	s0 =	simm.s32 @p0 $0x1  }
0x13: {  	[smem:$0x3FB4] =	sst s0;
	s0 =	simm.s32 @!p1 $0x0  }
0x14: {  	s2 =	sld [smem:$0x3F98];
	s0 =	simm.s32 @p1 $0x1  }
0x15: {  	[smem:$0x3FB5] =	sst s0;
	s0 =	simm.s32 @!p2 $0x0  }
0x16: {  	s3 =	sld [smem:$0x3FDB];
	s0 =	simm.s32 @p2 $0x1  }
0x17: {  	s4 =	simm.s32 $0x1BF5;
	[smem:$0x3FB7] =	sst s0  }
0x18: {  	s0 =	sld [smem:$0x3F9A];
	_ =	swait.ge [sflag:s4], $0x0  }
0x19: {  	s7 =	sld [smem:$0x3F9B]  }
0x1a: {  	s8 =	sadd.s32 $0xFFFFE003, lr  }
0x1b: {  	s9 =	sadd.s32 $0xFFFFFEF7, lr;
	s5 =	simm.s32 $0xFFFFFFFF;
	p2 =	slt.u32 s8, $0xFFFFF086  }
0x1c: {  	p1 =	slt.u32 s9, $0xF7A;
	s5 =	simm.s32 @!p2 $0x0  }
0x1d: {  	s5 =	simm.s32 @p1 $0x1;
	p0 =	seq.s32 s7, s2  }
0x1e: {  	s7 =	smul.u32 @!p0 $0xF7A, s2;
	p2 =	seq.s32 @!p0 s5, $0x0  }
0x1f: {  	s9 =	smul.u32 $0xF7A, s1;
	s8 =	simm.s32 @!p0 $0x1BF5;
	p2 =	por !p2, p0  }
0x20: {  	[sflag:s8] =	ssyncset.s32 @!p0 $0xFFFFF086;
	s6 =	sadd.s32 @!p0 s3, s7;
	s7 =	simm.s32 @!p0 $0x108  }
0x21: {  	s3 =	sadd.s32 s3, s9;
	s6 =	sadd.s32 @!p0 $0x88, s6;
	s7 =	simm.s32 @p2 $0x1082  }
0x22: {  	[simem:s7], [sflag:s8] =	dma.local @!p0 [hbm:s6], $0xF7A  }
0x23: {  	s9 =	sor.u32 $0xD0000000, s2;
	s6 =	simm.s32 $0x108;
	_ =	swait.ge @!p0 [sflag:s8], $0x0  }
0x24: {  	s3 =	sadd.s32 $0x88, s3;
	s6 =	simm.s32 @!p1 $0x1082;
	[sflag:s4] =	ssyncset.s32 $0xFFFFF086  }
0x25: {  	[simem:s6], [sflag:s4] =	dma.local [hbm:s3], $0xF7A  }
0x26: {  	[smem:$0x3F9B] =	sst s1;
	(tag) =	ssettag s2;
	_ =	strace s9  }
0x27: {  	s1 =	sld [smem:$0x3FAB]  }
0x28: {  	s2 =	sld [smem:$0x3FAC]  }
0x29: {  	s4 =	sld [smem:$0x3FAE]  }
0x2a: {  	p0 =	seq.s32 s5, $0x0;
	s5 =	sld [smem:$0x3FAF]  }
0x2b: {  	s6 =	sld [smem:$0x3FB0]  }
0x2c: {  	s7 =	sld [smem:$0x3FB1]  }
0x2d: {  	s3 =	simm.s32 $0x108;
	s8 =	sld [smem:$0x3FB2]  }
0x2e: {  	s3 =	simm.s32 @!p0 $0x1082;
	s9 =	sld [smem:$0x3FB3]  }
0x2f: {  	lr =	sadd.s32 s0, s3;
	s0 =	sld [smem:$0x3FAA]  }
0x30: {  	s3 =	sld [smem:$0x3FAD]  }
0x31: {  	[smem:$0x3FB6] =	sst s10  }
0x32: {  	s10 =	sld [smem:$0x3FB4];
	_ =	sdelay $0x3  }
0x33: {  	p0 =	seq.s32 s10, $0x1;
	s10 =	sld [smem:$0x3FB6];
	_ =	sdelay $0x3  }
0x34: {  	[smem:$0x3FB6] =	sst s10  }
0x35: {  	s10 =	sld [smem:$0x3FB5];
	_ =	sdelay $0x3  }
0x36: {  	p1 =	seq.s32 s10, $0x1;
	s10 =	sld [smem:$0x3FB6];
	_ =	sdelay $0x3  }
0x37: {  	[smem:$0x3FB6] =	sst s10  }
0x38: {  	s10 =	sld [smem:$0x3FB7]  }
0x39: {  	_ = 	snop;
	(pc) =	sbr.ind lr, $3  }
0x3a: {  	_ = 	snop  }
0x3b: {  	_ = 	snop  }
0x3c: {  	p2 =	seq.s32 s10, $0x1;
	s10 =	sld [smem:$0x3FB6]  }
0x3d: {  	_ =	shalt  }
0x3e: {  	_ =	shalt  }
0x3f: {  	_ =	shalt  }
0x40: {  	_ =	shalt  }
0x41: {  	_ =	shalt  }
0x42: {  	_ =	shalt  }
0x43: {  	_ =	shalt  }
0x44: {  	_ =	shalt  }
0x45: {  	_ =	shalt  }
0x46: {  	_ =	shalt  }
0x47: {  	_ =	shalt  }
0x48: {  	_ =	shalt  }
0x49: {  	_ =	shalt  }
0x4a: {  	_ =	shalt  }
0x4b: {  	_ =	shalt  }
0x4c: {  	_ =	shalt  }
0x4d: {  	_ =	shalt  }
0x4e: {  	_ =	shalt  }
0x4f: {  	_ =	shalt  }
0x50: {  	_ =	shalt  }
0x51: {  	_ =	shalt  }
0x52: {  	_ =	shalt  }
0x53: {  	_ =	shalt  }
0x54: {  	_ =	shalt  }
0x55: {  	_ =	shalt  }
0x56: {  	_ =	shalt  }
0x57: {  	_ =	shalt  }
0x58: {  	_ =	shalt  }
0x59: {  	_ =	shalt  }
0x5a: {  	_ =	shalt  }
0x5b: {  	_ =	shalt  }
0x5c: {  	_ =	shalt  }
0x5d: {  	_ =	shalt  }
0x5e: {  	_ =	shalt  }
0x5f: {  	_ =	shalt  }
0x60: {  	_ =	shalt  }
0x61: {  	_ =	shalt  }
0x62: {  	_ =	shalt  }
0x63: {  	_ =	shalt  }
0x64: {  	_ =	shalt  }
0x65: {  	_ =	shalt  }
0x66: {  	_ =	shalt  }
0x67: {  	_ =	shalt  }
0x68: {  	_ =	shalt  }
0x69: {  	_ =	shalt  }
0x6a: {  	_ =	shalt  }
0x6b: {  	_ =	shalt  }
0x6c: {  	_ =	shalt  }
0x6d: {  	_ =	shalt  }
0x6e: {  	_ =	shalt  }
0x6f: {  	_ =	shalt  }
0x70: {  	_ =	shalt  }
0x71: {  	_ =	shalt  }
0x72: {  	_ =	shalt  }
0x73: {  	_ =	shalt  }
0x74: {  	_ =	shalt  }
0x75: {  	_ =	shalt  }
0x76: {  	_ =	shalt  }
0x77: {  	_ =	shalt  }
0x78: {  	_ =	shalt  }
0x79: {  	_ =	shalt  }
0x7a: {  	_ =	shalt  }
0x7b: {  	_ =	shalt  }
0x7c: {  	_ =	shalt  }
0x7d: {  	_ =	shalt  }
0x7e: {  	_ =	shalt  }
0x7f: {  	_ =	shalt  }
0x80: {  	_ =	shalt  }
0x81: {  	_ =	shalt  }
0x82: {  	_ =	shalt  }
0x83: {  	_ =	shalt  }
0x84: {  	_ =	shalt  }
0x85: {  	_ =	shalt  }
0x86: {  	_ =	shalt  }
0x87: {  	_ =	shalt  }
.Lfunc_end0:
.L_simem_size_0:
called_computation_lowered:
.L_overlay_start_0:
0x88: {  	s2 =	sld [smem:$0x3FD9]  }
0x89: {  	s3 =	sld [smem:$0x3FFE];
	_ =	sdelay $0x1  }
0x8a: {  	s1 =	srdreg.scid  }
0x8b: {  	s0 =	sand.u32 $0x1, s1  }
0x8c: {  	s17 =	sshll.u32 s0, $0xA;
	s2 =	sadd.s32 s3, s2  }
0x8d: {  	s2 =	sadd.s32 s2, s17  }
0x8e: {  	[smem:$0x3FC2] =	sst s2  }
0x8f: {  	_ = 	snop  }
0x90: {  	s2 =	sld [smem:$0x3FD0];
	(tm) =	ssettm $0x1  }
0x91: {  	s18 =	sld [smem:$0x3FFB];
	_ =	sdelay $0x3  }
0x92: {  	_ =	strace s18  }
0x93: {  	s3 =	sld [smem:$0x3FFC];
	_ =	sdelay $0x3  }
0x94: {  	_ =	strace s3  }
0x95: {  	s3 =	sld [smem:$0x3FFD];
	_ =	sdelay $0x3  }
0x96: {  	_ =	strace s3  }
0x97: {  	_ =	strace $0x8FFFFFFF  }
0x98: {  	s19 =	sld [smem:$0x3FDB];
	_ =	sdelay $0x1  }
0x99: {  	s4 =	simm.s32 $_scs_section_size  }
0x9a: {  	s5 =	simm.s32 $_size__tile_overlayer_lowered;
	s6 =	simm.s32 $_tile_overlayer_lowered  }
0x9b: {  	s22 =	simm.s32 $0x1BFF;
	s21 =	sshll.u32 s6, $0x1;
	s3 =	sadd.s32 s4, s19  }
0x9c: {  	s7 =	simm.s32 $0x0;
	s20 =	sshll.u32 s5, $0x1;
	s5 =	sadd.s32 s21, s3  }
0x9d: {  	[timem:s7], [sflag:s22] =	dma.local [hbm:s5], s20  }
0x9e: {  	_ =	swait.ge [sflag:s22], s20  }
0x9f: {  	s4 =	ssub.s32 $0x0, s20;
	[sflag:s22] =	ssyncset.done $0x0  }
0xa0: {  	[sflag:s22] =	ssyncadd.s32 s4;
	_ =	sdelay $0x1  }
0xa1: {  	s23 =	simm.s32 $0x1B8B  }
0xa2: {  	_ =	swait.ge [sflag:s23], $0x1  }
0xa3: {  	[sflag:s23] =	ssyncset.done $0x0  }
0xa4: {  	s25 =	simm.s32 $0x1B8E;
	s24 =	sld [smem:$0x3FFE];
	[sflag:s23] =	ssyncadd.s32 $0xFFFFFFFF  }
0xa5: {  	s26 =	simm.s32 $execute0_lowered;
	[smem:$0x3FD2] =	sst s25  }
0xa6: {  	s5 =	sshll.u32 s26, $0x1;
	_ =	strace $0x80000046;
	[dreg:$0x1] =	wrdreg $0xFFFFFFFF  }
0xa7: {  	s28 =	simm.s32 $_size_execute0_lowered;
	s3 =	sadd.s32 s3, s5;
	[dreg:$0x0] =	wrdreg $0x0  }
0xa8: {  	s5 =	sshll.u32 s28, $0x1;
	[dreg:$0x2] =	wrdreg s3  }
0xa9: {  	[dreg:$0x3] =	wrdreg s5  }
0xaa: {  	[dreg:$0x4] =	wrdreg $0xC0  }
0xab: {  	_ =	task [dreg:s7], $0x5FFFF  }
0xac: {  	[dreg:$0x1] =	wrdreg $0xFFFFFFFF  }
0xad: {  	[dreg:$0x0] =	wrdreg $0x60  }
0xae: {  	[dreg:$0x2] =	wrdreg s2  }
0xaf: {  	[dreg:$0x3] =	wrdreg s24  }
0xb0: {  	[dreg:$0x4] =	wrdreg $0xAB000  }
0xb1: {  	[dreg:$0x5] =	wrdreg $0x9  }
0xb2: {  	_ =	task.clear_ibuf [dreg:s7], $0x6FFFF;
	_ =	strace $0x90000046  }
0xb3: {  	s29 =	simm.s32 $0x9;
	_ =	strace $0x80000048  }
0xb4: {  	_ =	swait.ge [sflag:s29], $0x1  }
0xb5: {  	[sflag:s29] =	ssyncadd.s32 $0xFFFFFFFF  }
0xb6: {  	_ =	strace $0x90000048  }
0xb7: {  	_ =	sfence  }
0xb8: {  	s30 =	sld [smem:$0x0];
	_ =	sdelay $0x2  }
0xb9: {  	s31 =	sshll.u32 s1, $0xD;
	s1 =	sshrl.u32 s1, $0x2  }
0xba: {  	s3 =	sand.u32 $0x4000, s31;
	s1 =	sadd.s32 s1, s30  }
0xbb: {  	s0 =	sor.u32 s3, s0;
	s1 =	sshll.u32 s1, $0x11  }
0xbc: {  	s0 =	sor.u32 s1, s0  }
0xbd: {  	s0 =	sadd.s32 $0x8F2B, s0  }
0xbe: {  	[sflag:s0] =	ssyncadd.remote.s32 $0x1  }
0xbf: {  	_ =	sfence.sel $0xFFFF  }
0xc0: {  	[dreg:$0x0] =	wrdreg $0xFFFFFFFF;
	(pc) =	sbr.abs _section_cstart, $3  }
0xc1: {  	[dreg:$0x1] =	wrdreg $0xFFFFFFFF  }
0xc2: {  	_ =	task.clear_ibuf [dreg:s7], $0x2FFFF;
	_ =	strace $0x9FFFFFFF  }
0xc3: {  	(tm) =	ssettm $0x7FFFFFFF  }
tec
execute0_lowered:
.L_overlay_start_1:
0x0: {  	(tag) =	ssettag $0x1  }
0x1: {  	s1 =	rddreg [dreg:$0x0]  }
0x2: {  	s0 =	rddreg [dreg:$0x1]  }
0x3: {  	s2 =	rddreg [dreg:$0x2];
	s3 =	srdreg.scid;
	s4 =	simm.s32 $0x0  }
0x4: {  	s13 =	stileid.u32;
	s28 =	simm.s32 $0x4;
	s29 =	simm.s32 $0x4300  }
0x5: {  	s30 =	simm.s32 $0x8300;
	s31 =	simm.s32 $0x1;
	s8 =	smul.u32 $0x2800, s13  }
0x6: {  	s3 =	sand.u32 $0x1, s3;
	[smem:$0x7FF] =	sst s4;
	s12 =	smul.u32 $0x2710, s13  }
0x7: {  	s10 =	sshrl.u32 s13, $0x3;
	s5 =	sadd.s32 $0x2000, s0;
	s24 =	smul.u32 $0xA000, s13  }
0x8: {  	s6 =	sadd.s32 $0xBE00, s0;
	s11 =	sadd.s32 $0x15C00, s0;
	s7 =	smul.u32 $0x138800, s3  }
0x9: {  	s14 =	sshll.u32 s13, $0x7;
	s19 =	ssub.s32 $0x8C, s13;
	s9 =	smul.u32 $0x28000, s3  }
0xa: {  	_ =	strace $0x80000047;
	s10 =	smul.u32 $0x14000, s10;
	[dreg:$0x4] =	wrdreg s11  }
0xb: {  	s15 =	sshll.u32 s3, $0x4;
	s17 =	ssub.s32 $0x2, s3;
	s3 =	smul.u32 $0x27100, s3  }
0xc: {  	s16 =	sor.u32 s13, s15;
	s18 =	sshrl.u32 s17, $0x1;
	s26 =	sshrl.u32 s24, $0x2  }
0xd: {  	s24 =	simm.s32 $0x100;
	s7 =	sadd.s32 s8, s7;
	s9 =	sadd.s32 s9, s10  }
0xe: {  	s8 =	sand.u32 $0x380, s14;
	s10 =	ssub.s32 s17, s18;
	s3 =	sadd.s32 s12, s3  }
0xf: {  	s17 =	sadd.s32 s26, s2;
	s26 =	simm.s32 $0x180;
	s7 =	sshrl.u32 s7, $0x3  }
0x10: {  	s8 =	sor.u32 s8, s9;
	s9 =	smul.u32 $0x2710, s16;
	s25 =	sadd.s32 $0x180, s3  }
0x11: {  	s16 =	smax.u32 s10, $0x1;
	s13 =	sadd.s32 $0x100, s3;
	s3 =	simm.s32 $0x2  }
0x12: {  	s10 =	simm.s32 $0x10;
	s8 =	sshrl.u32 s8, $0x3;
	s9 =	sshrl.u32 s9, $0x3  }
0x13: {  	s7 =	sadd.s32 s7, s0;
	s0 =	sadd.s32 s8, s0;
	s20 =	sadd.s32 s5, s9  }
0x14: {  	s8 =	sshrl.u32 s19, $0x4;
	s21 =	sadd.s32 s6, s9;
	[dreg:$0x5] =	wrdreg s20  }
0x15: {  	s22 =	sadd.s32 $0x10, s9;
	s0 =	sadd.s32 $0x16200, s0;
	[dreg:$0x6] =	wrdreg s21  }
0x16: {  	s9 =	sadd.s32 $0x4E0, s9;
	s14 =	sadd.s32 s5, s22;
	[dreg:$0xb] =	wrdreg s0  }
0x17: {  	s11 =	sadd.s32 s6, s22;
	s23 =	sadd.s32 s5, s9;
	[dreg:$0x7] =	wrdreg s14  }
0x18: {  	s9 =	sadd.s32 s6, s9;
	s0 =	sshrl.u32 s25, $0x3;
	[dreg:$0x8] =	wrdreg s11  }
0x19: {  	s22 =	simm.s32 $0x300;
	s25 =	simm.s32 $0x80;
	[dreg:$0x9] =	wrdreg s23  }
0x1a: {  	[dreg:$0xa] =	wrdreg s9;
	s18 =	sadd.s32 s0, s6;
	s19 =	sadd.s32 s0, s5  }
0x1b: {  	s14 =	sadd.s32 $0x20200, s7;
	s23 =	simm.s32 $0x5;
	s0 =	simm.s32 $0x3  }
0x1c: {  	v0 =	vimm.f32 $0.0e+00;
	v1 =	vimm.f32 $1.000000000e+00;
	s7 =	simm.s32 $0x200;
	s9 =	simm.s32 $0x280;
	s11 =	simm.s32 $0x0  }
.LBB2_1:
0x1d: {  	s12 =	simm.s32 $0x40;
	s20 =	simm.s32 $0x0  }
.LBB2_2:
0x1e: {  	p0 =	sne.s32 s12, $0x9FC0;
	[tilespmem:s20+$0x8300] =	vst v0;
	s20 =	smov.u32 s12;
	s12 =	sadd.s32 $0x40, s12  }
.Ltmp0:
0x1f: {  	(pc) =	sbr.rel @p0 .LBB2_2-.Ltmp0, $2  }
0x20: {  	_ =	sdelay $0x2  }
0x21: {  	s20 =	sshra.s32 s20, $0x2  }
0x22: {  	[tilespmem:s20+$0x8300] =	vst v0;
	s12 =	rddreg [dreg:$0x4]  }
0x23: {  	[tilespmem:s22], [sflag:$0x5] =	stream.linear.gather [hbm4b:s12+s4], $0x2800, $0x38;
	[tilespmem:$0x1E380] =	vst v63  }
0x24: {  	p0 =	sne.s32 s8, $0x1;
	_ =	swait.ge [sflag:s23], $0x2800  }
.Ltmp1:
0x25: {  	[sflag:s23] =	ssyncset.done $0x0;
	(pc) =	sbr.rel @!p0 .LBB2_5-.Ltmp1, $4  }
0x26: {  	[sflag:s23] =	ssyncadd.s32 $0xFFFFD800  }
0x27: {  	[spmem:s17] =	stream.linear.scatter [tilespmem:s22], [sflag:$0x5], $0x2800, $0x38;
	[tilespmem:$0x1E380] =	vst v63  }
0x28: {  	_ =	swait.ge [sflag:s23], $0x2800  }
0x29: {  	s20 =	smov.u32 s17;
	s12 =	sadd.s32 $0xFFFFFFFF, s8;
	[sflag:s23] =	ssyncset.done $0x0  }
.LBB2_4:
0x2a: {  	p1 =	sne.s32 s12, $0x1;
	[sflag:s23] =	ssyncadd.s32 $0xFFFFD800;
	s20 =	sadd.s32 $0x28000, s20  }
.Ltmp2:
0x2b: {  	s12 =	sadd.s32 $0xFFFFFFFF, s12;
	(pc) =	sbr.rel @p1 .LBB2_4-.Ltmp2, $4  }
0x2c: {  	_ = 	snop  }
0x2d: {  	[spmem:s20] =	stream.linear.scatter [tilespmem:s22], [sflag:$0x5], $0x2800, $0x38;
	[tilespmem:$0x1E380] =	vst v63  }
0x2e: {  	_ =	swait.ge [sflag:s23], $0x2800  }
0x2f: {  	[sflag:s23] =	ssyncset.done $0x0  }
.LBB2_5:
0x30: {  	[sflag:s23] =	ssyncadd.s32 $0xFFFFD800  }
0x31: {  	[bflag:$0x0] =	sbarrier.arrive $0xFFFF  }
0x32: {  	s12 =	simm.s32 $0x0;
	s15 =	rddreg [dreg:$0x5]  }
0x33: {  	[tilespmem:s12], [sflag:$0x5] =	stream.linear.gather [hbm4b:s15+s12], $0x80, $0x38;
	[tilespmem:$0x1E380] =	vst v63  }
0x34: {  	_ =	swait.ge [sflag:s23], $0x80  }
0x35: {  	[sflag:s23] =	ssyncset.done $0x0  }
0x36: {  	s21 =	rddreg [dreg:$0x6];
	[sflag:s23] =	ssyncadd.s32 $0xFFFFFF80  }
0x37: {  	[tilespmem:s24], [sflag:$0x5] =	stream.linear.gather [hbm4b:s21+s12], $0x80, $0x38;
	[tilespmem:$0x1E380] =	vst v63  }
0x38: {  	_ =	swait.ge [sflag:s23], $0x80  }
0x39: {  	[sflag:s23] =	ssyncset.done $0x0  }
0x3a: {  	s20 =	rddreg [dreg:$0x7];
	[sflag:s23] =	ssyncadd.s32 $0xFFFFFF80  }
0x3b: {  	[tilespmem:s25], [sflag:$0x4] =	stream.linear.gather [hbm4b:s20+s12], $0x80, $0x38;
	[tilespmem:$0x1E380] =	vst v63  }
0x3c: {  	s21 =	rddreg [dreg:$0x8]  }
0x3d: {  	[tilespmem:s26], [sflag:$0x4] =	stream.linear.gather [hbm4b:s21+s12], $0x80, $0x38;
	[tilespmem:$0x1E380] =	vst v63  }
0x3e: {  	s20 =	smov.u32 s13  }
0x3f: {  	[tilespmem:s22], [sflag:$0x1] =	stream.indirect.gather [hbm4b:s1+s25], $0x80, s12, s25, $0xb8;
	[tilespmem:$0x1E380] =	vst v63  }
.LBB2_6:
0x40: {  	_ =	swait.ge [sflag:s28], $0x80  }
0x41: {  	[sflag:s28] =	ssyncset.done $0x0  }
0x42: {  	[sflag:s28] =	ssyncadd.s32 $0xFFFFFF80  }
0x43: {  	_ =	swait.ge [sflag:s28], $0x80  }
0x44: {  	[sflag:s28] =	ssyncset.done $0x0  }
0x45: {  	[sflag:s28] =	ssyncadd.s32 $0xFFFFFF80  }
0x46: {  	[tilespmem:s29], [sflag:$0x2] =	stream.indirect.gather [hbm4b:s1+s25], $0x80, s25, s25, $0xb8;
	[tilespmem:$0x1E380] =	vst v63  }
0x47: {  	v2 =	vld [tilespmem:$0x100];
	_ =	sdelay $0x7  }
0x48: {  	[tilespmem:v2+s30+$0x0] =	vst.idx.add.f32.msk $0xffff, v1  }
0x49: {  	v2 =	vld [tilespmem:$0x110];
	_ =	sdelay $0x7  }
0x4a: {  	[tilespmem:v2+s30+$0x0] =	vst.idx.add.f32.msk $0xffff, v1  }
0x4b: {  	v2 =	vld [tilespmem:$0x120];
	_ =	sdelay $0x7  }
0x4c: {  	[tilespmem:v2+s30+$0x0] =	vst.idx.add.f32.msk $0xffff, v1  }
0x4d: {  	v2 =	vld [tilespmem:$0x130];
	_ =	sdelay $0x7  }
0x4e: {  	[tilespmem:v2+s30+$0x0] =	vst.idx.add.f32.msk $0xffff, v1  }
0x4f: {  	v2 =	vld [tilespmem:$0x140];
	_ =	sdelay $0x7  }
0x50: {  	[tilespmem:v2+s30+$0x0] =	vst.idx.add.f32.msk $0xffff, v1  }
0x51: {  	v2 =	vld [tilespmem:$0x150];
	_ =	sdelay $0x7  }
0x52: {  	[tilespmem:v2+s30+$0x0] =	vst.idx.add.f32.msk $0xffff, v1  }
0x53: {  	v2 =	vld [tilespmem:$0x160];
	_ =	sdelay $0x7  }
0x54: {  	[tilespmem:v2+s30+$0x0] =	vst.idx.add.f32.msk $0xffff, v1  }
0x55: {  	v2 =	vld [tilespmem:$0x170];
	_ =	sdelay $0x7  }
0x56: {  	[tilespmem:v2+s30+$0x0] =	vst.idx.add.f32.msk $0xffff, v1  }
0x57: {  	_ =	swait.ge [sflag:s31], $0x4000  }
0x58: {  	[sflag:s31] =	ssyncset.done $0x0  }
0x59: {  	[sflag:s31] =	ssyncadd.s32 $0xFFFFC000  }
0x5a: {  	[spmem:s2] =	stream.indirect.scatter.add.f32 [tilespmem:s22], [sflag:$0x5], $0x80, s24, s25, $0xb8;
	[tilespmem:$0x1E380] =	vst v63  }
0x5b: {  	_ =	swait.ge [sflag:s23], $0x4000  }
0x5c: {  	s21 =	sshrl.u32 s20, $0x3;
	[sflag:s23] =	ssyncset.done $0x0  }
0x5d: {  	s15 =	sadd.s32 s5, s21;
	[sflag:s23] =	ssyncadd.s32 $0xFFFFC000  }
0x5e: {  	[tilespmem:s4], [sflag:$0x3] =	stream.linear.gather [hbm4b:s15+s4], $0x80, $0x38;
	[tilespmem:$0x1E380] =	vst v63  }
0x5f: {  	s21 =	sadd.s32 s6, s21  }
0x60: {  	[tilespmem:s24], [sflag:$0x3] =	stream.linear.gather [hbm4b:s21+s4], $0x80, $0x38;
	[tilespmem:$0x1E380] =	vst v63  }
0x61: {  	_ =	swait.ge [sflag:s0], $0x80  }
0x62: {  	[sflag:s0] =	ssyncset.done $0x0  }
0x63: {  	[sflag:s0] =	ssyncadd.s32 $0xFFFFFF80  }
0x64: {  	_ =	swait.ge [sflag:s0], $0x80  }
0x65: {  	[sflag:s0] =	ssyncset.done $0x0  }
0x66: {  	[sflag:s0] =	ssyncadd.s32 $0xFFFFFF80  }
0x67: {  	[tilespmem:s22], [sflag:$0x1] =	stream.indirect.gather [hbm4b:s1+s25], $0x80, s4, s25, $0xb8;
	[tilespmem:$0x1E380] =	vst v63  }
0x68: {  	v2 =	vld [tilespmem:$0x180];
	_ =	sdelay $0x7  }
0x69: {  	[tilespmem:v2+s30+$0x0] =	vst.idx.add.f32.msk $0xffff, v1  }
0x6a: {  	v2 =	vld [tilespmem:$0x190];
	_ =	sdelay $0x7  }
0x6b: {  	[tilespmem:v2+s30+$0x0] =	vst.idx.add.f32.msk $0xffff, v1  }
0x6c: {  	v2 =	vld [tilespmem:$0x1A0];
	_ =	sdelay $0x7  }
0x6d: {  	[tilespmem:v2+s30+$0x0] =	vst.idx.add.f32.msk $0xffff, v1  }
0x6e: {  	v2 =	vld [tilespmem:$0x1B0];
	_ =	sdelay $0x7  }
0x6f: {  	[tilespmem:v2+s30+$0x0] =	vst.idx.add.f32.msk $0xffff, v1  }
0x70: {  	v2 =	vld [tilespmem:$0x1C0];
	_ =	sdelay $0x7  }
0x71: {  	[tilespmem:v2+s30+$0x0] =	vst.idx.add.f32.msk $0xffff, v1  }
0x72: {  	v2 =	vld [tilespmem:$0x1D0];
	_ =	sdelay $0x7  }
0x73: {  	[tilespmem:v2+s30+$0x0] =	vst.idx.add.f32.msk $0xffff, v1  }
0x74: {  	v2 =	vld [tilespmem:$0x1E0];
	_ =	sdelay $0x7  }
0x75: {  	[tilespmem:v2+s30+$0x0] =	vst.idx.add.f32.msk $0xffff, v1  }
0x76: {  	v2 =	vld [tilespmem:$0x1F0];
	_ =	sdelay $0x7  }
0x77: {  	[tilespmem:v2+s30+$0x0] =	vst.idx.add.f32.msk $0xffff, v1  }
0x78: {  	_ =	swait.ge [sflag:s3], $0x4000  }
0x79: {  	[sflag:s3] =	ssyncset.done $0x0  }
0x7a: {  	[sflag:s3] =	ssyncadd.s32 $0xFFFFC000  }
0x7b: {  	[spmem:s2] =	stream.indirect.scatter.add.f32 [tilespmem:s29], [sflag:$0x5], $0x80, s26, s25, $0xb8;
	[tilespmem:$0x1E380] =	vst v63  }
0x7c: {  	p1 =	sne.s32 s12, $0x4A0;
	_ =	swait.ge [sflag:s23], $0x4000  }
.Ltmp3:
0x7d: {  	[sflag:s23] =	ssyncset.done $0x0;
	(pc) =	sbr.rel @p1 .LBB2_6-.Ltmp3, $4  }
0x7e: {  	s21 =	sadd.s32 s12, s19;
	[sflag:s23] =	ssyncadd.s32 $0xFFFFC000  }
0x7f: {  	[tilespmem:s25], [sflag:$0x4] =	stream.linear.gather [hbm4b:s21+s4], $0x80, $0x38;
	[tilespmem:$0x1E380] =	vst v63  }
0x80: {  	s20 =	sadd.s32 $0x100, s20;
	s21 =	sadd.s32 s12, s18;
	s12 =	sadd.s32 $0x20, s12  }
0x81: {  	[tilespmem:s26], [sflag:$0x4] =	stream.linear.gather [hbm4b:s21+s4], $0x80, $0x38;
	[tilespmem:$0x1E380] =	vst v63  }
0x82: {  	_ =	swait.ge [sflag:s28], $0x80  }
0x83: {  	[sflag:s28] =	ssyncset.done $0x0  }
0x84: {  	[sflag:s28] =	ssyncadd.s32 $0xFFFFFF80  }
0x85: {  	_ =	swait.ge [sflag:s28], $0x80  }
0x86: {  	[sflag:s28] =	ssyncset.done $0x0  }
0x87: {  	[sflag:s28] =	ssyncadd.s32 $0xFFFFFF80  }
0x88: {  	[tilespmem:s29], [sflag:$0x2] =	stream.indirect.gather [hbm4b:s1+s25], $0x80, s25, s25, $0xb8;
	[tilespmem:$0x1E380] =	vst v63  }
0x89: {  	v2 =	vld [tilespmem:$0x100];
	_ =	sdelay $0x7  }
0x8a: {  	[tilespmem:v2+s30+$0x0] =	vst.idx.add.f32.msk $0xffff, v1  }
0x8b: {  	v2 =	vld [tilespmem:$0x110];
	_ =	sdelay $0x7  }
0x8c: {  	[tilespmem:v2+s30+$0x0] =	vst.idx.add.f32.msk $0xffff, v1  }
0x8d: {  	v2 =	vld [tilespmem:$0x120];
	_ =	sdelay $0x7  }
0x8e: {  	[tilespmem:v2+s30+$0x0] =	vst.idx.add.f32.msk $0xffff, v1  }
0x8f: {  	v2 =	vld [tilespmem:$0x130];
	_ =	sdelay $0x7  }
0x90: {  	[tilespmem:v2+s30+$0x0] =	vst.idx.add.f32.msk $0xffff, v1  }
0x91: {  	v2 =	vld [tilespmem:$0x140];
	_ =	sdelay $0x7  }
0x92: {  	[tilespmem:v2+s30+$0x0] =	vst.idx.add.f32.msk $0xffff, v1  }
0x93: {  	v2 =	vld [tilespmem:$0x150];
	_ =	sdelay $0x7  }
0x94: {  	[tilespmem:v2+s30+$0x0] =	vst.idx.add.f32.msk $0xffff, v1  }
0x95: {  	v2 =	vld [tilespmem:$0x160];
	_ =	sdelay $0x7  }
0x96: {  	[tilespmem:v2+s30+$0x0] =	vst.idx.add.f32.msk $0xffff, v1  }
0x97: {  	v2 =	vld [tilespmem:$0x170];
	_ =	sdelay $0x7  }
0x98: {  	[tilespmem:v2+s30+$0x0] =	vst.idx.add.f32.msk $0xffff, v1  }
0x99: {  	_ =	swait.ge [sflag:s31], $0x4000  }
0x9a: {  	[sflag:s31] =	ssyncset.done $0x0  }
0x9b: {  	[sflag:s31] =	ssyncadd.s32 $0xFFFFC000  }
0x9c: {  	[spmem:s2] =	stream.indirect.scatter.add.f32 [tilespmem:s22], [sflag:$0x5], $0x80, s24, s25, $0xb8;
	[tilespmem:$0x1E380] =	vst v63  }
0x9d: {  	_ =	swait.ge [sflag:s23], $0x4000  }
0x9e: {  	[sflag:s23] =	ssyncset.done $0x0  }
0x9f: {  	[sflag:s23] =	ssyncadd.s32 $0xFFFFC000  }
0xa0: {  	v2 =	vld [tilespmem:$0x180];
	_ =	sdelay $0x7  }
0xa1: {  	[tilespmem:v2+s30+$0x0] =	vst.idx.add.f32.msk $0xffff, v1  }
0xa2: {  	v2 =	vld [tilespmem:$0x190];
	_ =	sdelay $0x7  }
0xa3: {  	[tilespmem:v2+s30+$0x0] =	vst.idx.add.f32.msk $0xffff, v1  }
0xa4: {  	v2 =	vld [tilespmem:$0x1A0];
	_ =	sdelay $0x7  }
0xa5: {  	[tilespmem:v2+s30+$0x0] =	vst.idx.add.f32.msk $0xffff, v1  }
0xa6: {  	v2 =	vld [tilespmem:$0x1B0];
	_ =	sdelay $0x7  }
0xa7: {  	[tilespmem:v2+s30+$0x0] =	vst.idx.add.f32.msk $0xffff, v1  }
0xa8: {  	v2 =	vld [tilespmem:$0x1C0];
	_ =	sdelay $0x7  }
0xa9: {  	[tilespmem:v2+s30+$0x0] =	vst.idx.add.f32.msk $0xffff, v1  }
0xaa: {  	v2 =	vld [tilespmem:$0x1D0];
	_ =	sdelay $0x7  }
0xab: {  	[tilespmem:v2+s30+$0x0] =	vst.idx.add.f32.msk $0xffff, v1  }
0xac: {  	v2 =	vld [tilespmem:$0x1E0];
	_ =	sdelay $0x7  }
0xad: {  	[tilespmem:v2+s30+$0x0] =	vst.idx.add.f32.msk $0xffff, v1  }
0xae: {  	v2 =	vld [tilespmem:$0x1F0];
	_ =	sdelay $0x7  }
0xaf: {  	[tilespmem:v2+s30+$0x0] =	vst.idx.add.f32.msk $0xffff, v1  }
0xb0: {  	_ =	swait.ge [sflag:s3], $0x4000  }
0xb1: {  	[sflag:s3] =	ssyncset.done $0x0  }
0xb2: {  	[sflag:s3] =	ssyncadd.s32 $0xFFFFC000  }
0xb3: {  	[spmem:s2] =	stream.indirect.scatter.add.f32 [tilespmem:s29], [sflag:$0x5], $0x80, s26, s25, $0xb8;
	[tilespmem:$0x1E380] =	vst v63  }
0xb4: {  	_ =	swait.ge [sflag:s23], $0x4000  }
0xb5: {  	[sflag:s23] =	ssyncset.done $0x0  }
0xb6: {  	s12 =	rddreg [dreg:$0x9];
	[sflag:s23] =	ssyncadd.s32 $0xFFFFC000  }
0xb7: {  	[tilespmem:s7], [sflag:$0x5] =	stream.linear.gather [hbm4b:s12+s4], $0x10, $0x38;
	[tilespmem:$0x1E380] =	vst v63  }
0xb8: {  	_ =	swait.ge [sflag:s23], $0x10  }
0xb9: {  	[sflag:s23] =	ssyncset.done $0x0  }
0xba: {  	s20 =	rddreg [dreg:$0xa];
	[sflag:s23] =	ssyncadd.s32 $0xFFFFFFF0  }
0xbb: {  	[tilespmem:s9], [sflag:$0x5] =	stream.linear.gather [hbm4b:s20+s4], $0x10, $0x38;
	[tilespmem:$0x1E380] =	vst v63  }
0xbc: {  	_ =	swait.ge [sflag:s23], $0x10  }
0xbd: {  	[sflag:s23] =	ssyncset.done $0x0  }
0xbe: {  	[sflag:s23] =	ssyncadd.s32 $0xFFFFFFF0  }
0xbf: {  	[tilespmem:s22], [sflag:$0x1] =	stream.indirect.gather [hbm4b:s1+s10], $0x80, s7, s10, $0xb8;
	[tilespmem:$0x1E380] =	vst v63  }
0xc0: {  	_ =	swait.ge [sflag:s31], $0x800  }
0xc1: {  	[sflag:s31] =	ssyncset.done $0x0  }
0xc2: {  	[sflag:s31] =	ssyncadd.s32 $0xFFFFF800  }
0xc3: {  	v2 =	vld [tilespmem:$0x280];
	_ =	sdelay $0x7  }
0xc4: {  	[tilespmem:v2+s30+$0x0] =	vst.idx.add.f32.msk $0xffff, v1  }
0xc5: {  	[spmem:s2] =	stream.indirect.scatter.add.f32 [tilespmem:s22], [sflag:$0x5], $0x80, s9, s10, $0xb8;
	[tilespmem:$0x1E380] =	vst v63  }
0xc6: {  	_ =	swait.ge [sflag:s23], $0x800  }
0xc7: {  	[sflag:s23] =	ssyncset.done $0x0  }
0xc8: {  	[sflag:s23] =	ssyncadd.s32 $0xFFFFF800  }
0xc9: {  	[bflag:$0x0] =	sbarrier.arrive $0xFFFF  }
0xca: {  	s15 =	simm.s32 $0x400;
	s21 =	rddreg [dreg:$0xb]  }
0xcb: {  	[hbm4b:s21+s25] =	stream.strided.scatter [tilespmem:s30], [sflag:$0x5], $0x2800, s15, s25, $0x38;
	[tilespmem:$0x1E380] =	vst v63  }
0xcc: {  	_ =	swait.ge [sflag:s23], $0x2800  }
0xcd: {  	[sflag:s23] =	ssyncset.done $0x0  }
0xce: {  	[sflag:s23] =	ssyncadd.s32 $0xFFFFD800  }
0xcf: {  	[tilespmem:s29], [sflag:$0x5] =	stream.linear.gather [spmem:s17], $0x2800, $0x38;
	[tilespmem:$0x1E380] =	vst v63  }
0xd0: {  	_ =	swait.ge [sflag:s23], $0x2800  }
.Ltmp4:
0xd1: {  	[sflag:s23] =	ssyncset.done $0x0;
	(pc) =	sbr.rel @!p0 .LBB2_9-.Ltmp4, $4  }
0xd2: {  	[sflag:s23] =	ssyncadd.s32 $0xFFFFD800  }
0xd3: {  	[hbm4b:s14+s4] =	stream.linear.scatter [tilespmem:s29], [sflag:$0x5], $0x2800, $0x38;
	[tilespmem:$0x1E380] =	vst v63  }
0xd4: {  	s12 =	sadd.s32 $0xFFFFFFFF, s8;
	_ =	swait.ge [sflag:s23], $0x2800  }
0xd5: {  	s20 =	smov.u32 s17;
	s21 =	smov.u32 s14;
	[sflag:s23] =	ssyncset.done $0x0  }
.LBB2_8:
0xd6: {  	[sflag:s23] =	ssyncadd.s32 $0xFFFFD800;
	s20 =	sadd.s32 $0x28000, s20;
	s21 =	sadd.s32 $0x5000, s21  }
0xd7: {  	[tilespmem:s29], [sflag:$0x5] =	stream.linear.gather [spmem:s20], $0x2800, $0x38;
	[tilespmem:$0x1E380] =	vst v63  }
0xd8: {  	p0 =	sne.s32 s12, $0x1;
	s12 =	sadd.s32 $0xFFFFFFFF, s12;
	_ =	swait.ge [sflag:s23], $0x2800  }
.Ltmp5:
0xd9: {  	[sflag:s23] =	ssyncset.done $0x0;
	(pc) =	sbr.rel @p0 .LBB2_8-.Ltmp5, $4  }
0xda: {  	[sflag:s23] =	ssyncadd.s32 $0xFFFFD800  }
0xdb: {  	[hbm4b:s21+s4] =	stream.linear.scatter [tilespmem:s29], [sflag:$0x5], $0x2800, $0x38;
	[tilespmem:$0x1E380] =	vst v63  }
0xdc: {  	_ =	swait.ge [sflag:s23], $0x2800  }
0xdd: {  	[sflag:s23] =	ssyncset.done $0x0  }
.LBB2_9:
0xde: {  	s11 =	sadd.s32 $0x1, s11  }
0xdf: {  	p0 =	sne.s32 s11, s16  }
.Ltmp6:
0xe0: {  	_ = 	snop;
	(pc) =	sbr.rel @p0 .LBB2_1-.Ltmp6, $2  }
0xe1: {  	_ =	sdelay $0x2  }
0xe2: {  	[sflag:s23] =	ssyncadd.s32 $0xFFFFD800  }
0xe3: {  	_ =	sfence.sel $0x180000  }
0xe4: {  	[bflag:$0x0] =	sbarrier.arrive $0xFFFF  }
0xe5: {  	_ =	strace $0x90000047  }
0xe6: {  	s0 =	stileid.u32;
	[bflag:$0x2] =	sbarrier.arrive $0xFFFF  }
0xe7: {  	p0 =	sne.s32 s0, $0x0;
	s0 =	rddreg [dreg:$0x3]  }
0xe8: {  	s0 =	sadd.s32 @!p0 $0x100000, s0  }
0xe9: {  	[sflag:s0] =	ssyncadd.tile.s32 @!p0 $0x1;
	_ =	shalt  }
.Lfunc_end2:
_tile_overlayer_lowered:
.L_overlay_start_2:
0xea: {  	(tag) =	ssettag $0x2  }
0xeb: {  	s0 =	rddreg [dreg:$0x0];
	s2 =	stileid.u32  }
0xec: {  	s1 =	rddreg [dreg:$0x1];
	p0 =	sne.s32 s2, $0x0  }
0xed: {  	s3 =	rddreg [dreg:$0x2];
	[bflag:$0x3] =	sbarrier.arrive $0xFFFF;
	s2 =	simm.s32 @!p0 $0x1C05  }
0xee: {  	[timem:s3], [sflag:s2] =	dma.local @!p0 [hbm:s0], s1  }
0xef: {  	s0 =	simm.s32 @!p0 $0x5  }
0xf0: {  	_ =	swait.ge @!p0 [sflag:s0], s1  }
0xf1: {  	s1 =	ssub.s32 @!p0 $0x0, s1;
	[sflag:s0] =	ssyncset.done @!p0 $0x0  }
0xf2: {  	[sflag:s0] =	ssyncadd.s32 @!p0 s1  }
0xf3: {  	[bflag:$0x3] =	sbarrier.arrive $0xFFFF  }
0xf4: {  	_ =	shalt  }

</sc_bundles>
